<compile_context>
chip_gen: v7x
topology: tpu7x:2x2x1
jax: 0.10.2.dev20260603
libtpu: 0.0.44.dev20260713+nightly
codegen_flags: <defaults>
</compile_context>

<pallas_src>
import math

import jax
import jax.numpy as jnp
import numpy as np
from jax import lax
from jax.experimental import pallas as pl
from jax.experimental.pallas import tpu as pltpu
from jax.experimental.pallas import tpu_sc as plsc

MIN_D = 0.01
MAX_D = 1000.0
N_POS = 64
N_HEADS = 16
SEQ = 2048
TOTAL = SEQ * SEQ

NC, NS, L = 2, 16, 16
NW = NC * NS
PER_W = TOTAL // NW
CHUNK = 2048
N_CHUNKS = PER_W // CHUNK
GROUPS = CHUNK // L
DROWS = CHUNK // 128
OROWS = CHUNK * N_HEADS // 128

_LO = np.float32(math.log(float(np.float32(MIN_D))))
_HI = np.float32(math.log(float(np.float32(MAX_D))))
_HL = np.float32(_HI - _LO)
_HALF = np.float32(N_POS / 2.0)
_SCALE = np.float32(float(_HALF) / float(_HL))
_LN2 = np.float32(math.log(2.0))

_LN_COEF = [np.float32(c) for c in (
    0.0036622420884668827, -0.0061479173600673676, 0.00818367674946785,
    -0.014340112917125225, 0.026353642344474792, -0.04940934106707573,
    0.09876491874456406, -0.22222137451171875, 0.6666666865348816,
    0.40546509623527527)]


def _bucket_ids(x):
    neg = x < 0.0
    bits = lax.bitcast_convert_type(jnp.abs(x), jnp.int32)
    e = (bits >> 23) - 127
    m = lax.bitcast_convert_type((bits & 0x007FFFFF) | 0x3F800000, jnp.float32)
    t = m - np.float32(1.5)
    ln_m = _LN_COEF[0]
    for coef in _LN_COEF[1:]:
        ln_m = ln_m * t + coef
    ln_a = e.astype(jnp.float32) * _LN2 + ln_m
    u = jnp.minimum(jnp.maximum(ln_a, _LO), _HI)
    u = (u - _LO) * _SCALE
    val = jnp.where(neg, u + (_HALF - np.float32(1.0)),
                    (_HALF - np.float32(1.0)) - u)
    i = val.astype(jnp.int32)
    return jnp.where(i < 0, i + (N_POS + 1), i)


def _body(d_hbm, table_hbm, out_hbm, d_v, rows_v, table_v,
          sem_i0, sem_i1, sem_o0, sem_o1):
    wid = lax.axis_index("s") * NC + lax.axis_index("c")
    sems_i = (sem_i0, sem_i1)
    sems_o = (sem_o0, sem_o1)

    pltpu.sync_copy(table_hbm, table_v)
    iota = lax.iota(jnp.int32, L)

    d_row0 = wid * (PER_W // 128)
    o_row0 = wid * (PER_W * N_HEADS // 128)

    for b in range(2):
        pltpu.async_copy(d_hbm.at[pl.ds(d_row0 + b * DROWS, DROWS)],
                         d_v.at[b], sems_i[b])

    @pl.loop(0, N_CHUNKS, step=2)
    def _chunk(g0):
        for b in range(2):
            c = g0 + b

            pltpu.make_async_copy(
                d_hbm.at[pl.ds(0, DROWS)], d_v.at[b], sems_i[b]).wait()

            @pl.when(c >= 2)
            def _():
                pltpu.make_async_copy(
                    rows_v.at[b], out_hbm.at[pl.ds(0, OROWS)],
                    sems_o[b]).wait()

            @plsc.parallel_loop(0, GROUPS, unroll=2)
            def _group(v):
                x = d_v[b, v >> 3, pl.ds((v & 7) * L, L)]
                gidx = _bucket_ids(x) * N_HEADS
                for u in range(L):
                    row = gidx[u] + iota
                    val = plsc.load_gather(table_v, [row])
                    rows_v[b, v * 2 + (u >> 3), pl.ds((u & 7) * L, L)] = val

            @pl.when(c + 2 < N_CHUNKS)
            def _():
                pltpu.async_copy(
                    d_hbm.at[pl.ds(d_row0 + (c + 2) * DROWS, DROWS)],
                    d_v.at[b], sems_i[b])

            pltpu.async_copy(
                rows_v.at[b],
                out_hbm.at[pl.ds(o_row0 + c * OROWS, OROWS)],
                sems_o[b])

    for b in range(2):
        pltpu.make_async_copy(
            rows_v.at[b], out_hbm.at[pl.ds(0, OROWS)], sems_o[b]).wait()


@jax.jit
def _run(d2, table_flat):
    mesh = plsc.VectorSubcoreMesh(core_axis_name="c", subcore_axis_name="s")
    return pl.kernel(
        _body,
        out_type=jax.ShapeDtypeStruct((TOTAL * N_HEADS // 128, 128),
                                      jnp.float32),
        mesh=mesh,
        scratch_types=[
            pltpu.VMEM((2, DROWS, 128), jnp.float32),
            pltpu.VMEM((2, OROWS, 128), jnp.float32),
            pltpu.VMEM(((N_POS + 1) * N_HEADS,), jnp.float32),
            pltpu.SemaphoreType.DMA,
            pltpu.SemaphoreType.DMA,
            pltpu.SemaphoreType.DMA,
            pltpu.SemaphoreType.DMA,
        ],
        compiler_params=pltpu.CompilerParams(
            use_tc_tiling_on_sc=True, needs_layout_passes=False
        ),
    )(d2, table_flat)


def kernel(d_mat, embeddings_table):
    out = _run(d_mat.reshape(TOTAL // 128, 128), embeddings_table.reshape(-1))
    return out.reshape(SEQ, SEQ, N_HEADS)

# --- scband reference (transcript-rebuilt; emitter-appended) ---
"""Pipeline reference for scband-rel-position-embedder-phys-log-23330262352156 (READ-ONLY COPY).

The authoritative reference and input builder live on the scoring server;
editing this copy changes nothing except your own understanding.
"""

import jax, jax.numpy as jnp
import numpy as np
import math

MIN_D = 0.01
MAX_D = 1000.0
N_POS = 64
N_HEADS = 16
SEQ = 2048

def setup_inputs(seed: int = 0) -> dict:
    key = jax.random.key(seed)
    k1, k2 = jax.random.split(key)
    d_mat = jax.random.normal(k1, (SEQ, SEQ), dtype=jnp.float32)
    # xavier_uniform for (N_POS+1, N_HEADS)
    fan_in, fan_out = N_POS + 1, N_HEADS
    bound = math.sqrt(6.0 / (fan_in + fan_out))
    embeddings_table = jax.random.uniform(k2, (N_POS + 1, N_HEADS), dtype=jnp.float32, minval=-bound, maxval=bound)
    return {"d_mat": d_mat, "embeddings_table": embeddings_table}

def reference(d_mat, embeddings_table):
    lo = jnp.log(jnp.float32(MIN_D))
    hi = jnp.log(jnp.float32(MAX_D))
    half = N_POS / 2.0
    sgn = jnp.sign(d_mat)
    dist_log = jnp.log(jnp.abs(d_mat))
    dist_log = jnp.clip(dist_log, lo, hi)
    dist_log = (dist_log - lo) / (hi - lo)
    dist_log = dist_log * jnp.float32(half)
    dist_log = jnp.where(sgn < 0, dist_log + (half - 1.0), half - 1.0 - dist_log)
    idx = dist_log.astype(jnp.int32)
    embeddings = embeddings_table[idx]
    return embeddings

if __name__ == "__main__":
    import jax
    _d = setup_inputs()
    print(jax.jit(kernel)(*tuple(_d.values())))

</pallas_src>

<mosaic_0001>
#map = affine_map<(d0, d1) -> (0, 0)>
#map1 = affine_map<(d0, d1) -> (0)>
module attributes {stable_mosaic.version = 14 : i64} {
  func.func @_body(%arg0: i32, %arg1: i32, %arg2: memref<32768x128xf32, #tpu.memory_space<hbm>>, %arg3: memref<1040xf32, #tpu.memory_space<hbm>>, %arg4: memref<524288x128xf32, #tpu.memory_space<hbm>>, %arg5: memref<2x16x128xf32, #tpu.memory_space<vmem>>, %arg6: memref<2x256x128xf32, #tpu.memory_space<vmem>>, %arg7: memref<1040xf32, #tpu.memory_space<vmem>>, %arg8: memref<!tpu.dma_semaphore, #tpu.memory_space<semaphore_mem>>, %arg9: memref<!tpu.dma_semaphore, #tpu.memory_space<semaphore_mem>>, %arg10: memref<!tpu.dma_semaphore, #tpu.memory_space<semaphore_mem>>, %arg11: memref<!tpu.dma_semaphore, #tpu.memory_space<semaphore_mem>>) attributes {dimension_semantics = [#tpu.dimension_semantics<core_parallel>, #tpu.dimension_semantics<subcore_parallel>], iteration_bounds = array<i64: 2, 16>, scalar_prefetch = 0 : i64, scratch_operands = 7 : i64, tpu.core_type = #tpu.core_type<sc_vector_subcore>, window_params = [{transform_indices = #map}, {transform_indices = #map1}, {transform_indices = #map}]} {
    %mul3A = arith.constant 2 : i32
    %mul3A_0 = arith.muli %arg1, %mul3A : i32
    %add3A = arith.addi %mul3A_0, %arg0 : i32
    "tpu.region"() ({
      %run_scoped3A = tpu.sem_alloc : memref<!tpu.dma_semaphore, #tpu.memory_space<semaphore_mem>>
      tpu.enqueue_dma source(%arg3 : memref<1040xf32, #tpu.memory_space<hbm>>) target(%arg7 : memref<1040xf32, #tpu.memory_space<vmem>>) target_semaphore(%run_scoped3A : memref<!tpu.dma_semaphore, #tpu.memory_space<semaphore_mem>>)
      tpu.wait_dma2 semaphore(%run_scoped3A : memref<!tpu.dma_semaphore, #tpu.memory_space<semaphore_mem>>) src(%arg3 : memref<1040xf32, #tpu.memory_space<hbm>>) dst(%arg7 : memref<1040xf32, #tpu.memory_space<vmem>>)
      tpu.yield
    }) : () -> ()
    %iota3A = tpu.iota {dimensions = array<i32: 0>} : vector<16xi32>
    %mul3A_1 = arith.constant 1024 : i32
    %mul3A_2 = arith.muli %add3A, %mul3A_1 : i32
    %mul3A_3 = arith.constant 16384 : i32
    %mul3A_4 = arith.muli %add3A, %mul3A_3 : i32
    %add3A_5 = arith.constant 0 : i32
    %add3A_6 = arith.addi %mul3A_2, %add3A_5 : i32
    %dma_start3A = arith.constant 0 : i32
    %dma_start3A_7 = arith.constant 0 : i32
    %dma_start3A_8 = arith.constant 0 : i32
    %dma_start3A_9 = tpu.memref_slice %arg5[%dma_start3A, %dma_start3A_7, %dma_start3A_8] : memref<2x16x128xf32, #tpu.memory_space<vmem>> -> memref<1x16x128xf32, #tpu.memory_space<vmem>>
    %dma_start3A_10 = tpu.memref_squeeze %dma_start3A_9 : memref<1x16x128xf32, #tpu.memory_space<vmem>> -> memref<16x128xf32, #tpu.memory_space<vmem>>
    %dma_start3A_11 = arith.constant 0 : i32
    %dma_start3A_12 = tpu.memref_slice %arg2[%add3A_6, %dma_start3A_11] : memref<32768x128xf32, #tpu.memory_space<hbm>> -> memref<16x128xf32, #tpu.memory_space<hbm>>
    %dma_start3A_13 = arith.constant 0 : i32
    %dma_start3A_14 = arith.constant 0 : i32
    %dma_start3A_15 = tpu.memref_slice %arg5[%dma_start3A, %dma_start3A_13, %dma_start3A_14] : memref<2x16x128xf32, #tpu.memory_space<vmem>> -> memref<1x16x128xf32, #tpu.memory_space<vmem>>
    %dma_start3A_16 = tpu.memref_squeeze %dma_start3A_15 : memref<1x16x128xf32, #tpu.memory_space<vmem>> -> memref<16x128xf32, #tpu.memory_space<vmem>>
    %dma_start3A_17 = arith.constant 0 : i32
    %dma_start3A_18 = tpu.memref_slice %arg2[%add3A_6, %dma_start3A_17] : memref<32768x128xf32, #tpu.memory_space<hbm>> -> memref<16x128xf32, #tpu.memory_space<hbm>>
    tpu.enqueue_dma source(%dma_start3A_18 : memref<16x128xf32, #tpu.memory_space<hbm>>) target(%dma_start3A_16 : memref<16x128xf32, #tpu.memory_space<vmem>>) target_semaphore(%arg8 : memref<!tpu.dma_semaphore, #tpu.memory_space<semaphore_mem>>)
    %add3A_19 = arith.constant 16 : i32
    %add3A_20 = arith.addi %mul3A_2, %add3A_19 : i32
    %dma_start3A_21 = arith.constant 1 : i32
    %dma_start3A_22 = arith.constant 0 : i32
    %dma_start3A_23 = arith.constant 0 : i32
    %dma_start3A_24 = tpu.memref_slice %arg5[%dma_start3A_21, %dma_start3A_22, %dma_start3A_23] : memref<2x16x128xf32, #tpu.memory_space<vmem>> -> memref<1x16x128xf32, #tpu.memory_space<vmem>>
    %dma_start3A_25 = tpu.memref_squeeze %dma_start3A_24 : memref<1x16x128xf32, #tpu.memory_space<vmem>> -> memref<16x128xf32, #tpu.memory_space<vmem>>
    %dma_start3A_26 = arith.constant 0 : i32
    %dma_start3A_27 = tpu.memref_slice %arg2[%add3A_20, %dma_start3A_26] : memref<32768x128xf32, #tpu.memory_space<hbm>> -> memref<16x128xf32, #tpu.memory_space<hbm>>
    %dma_start3A_28 = arith.constant 0 : i32
    %dma_start3A_29 = arith.constant 0 : i32
    %dma_start3A_30 = tpu.memref_slice %arg5[%dma_start3A_21, %dma_start3A_28, %dma_start3A_29] : memref<2x16x128xf32, #tpu.memory_space<vmem>> -> memref<1x16x128xf32, #tpu.memory_space<vmem>>
    %dma_start3A_31 = tpu.memref_squeeze %dma_start3A_30 : memref<1x16x128xf32, #tpu.memory_space<vmem>> -> memref<16x128xf32, #tpu.memory_space<vmem>>
    %dma_start3A_32 = arith.constant 0 : i32
    %dma_start3A_33 = tpu.memref_slice %arg2[%add3A_20, %dma_start3A_32] : memref<32768x128xf32, #tpu.memory_space<hbm>> -> memref<16x128xf32, #tpu.memory_space<hbm>>
    tpu.enqueue_dma source(%dma_start3A_33 : memref<16x128xf32, #tpu.memory_space<hbm>>) target(%dma_start3A_31 : memref<16x128xf32, #tpu.memory_space<vmem>>) target_semaphore(%arg9 : memref<!tpu.dma_semaphore, #tpu.memory_space<semaphore_mem>>)
    %scan3A = arith.constant 0 : i32
    %scan3A_34 = arith.constant 32 : i32
    %scan3A_35 = arith.addi %scan3A, %scan3A_34 : i32
    %scan3A_36 = arith.constant 1 : i32
    scf.for %scan3A_67 = %scan3A to %scan3A_35 step %scan3A_36  : i32 {
      %mul3A_68 = arith.constant 2 : i32
      %mul3A_69 = arith.muli %scan3A_67, %mul3A_68 : i32
      %add3A_70 = arith.constant 0 : i32
      %add3A_71 = arith.addi %add3A_70, %mul3A_69 : i32
      %add3A_72 = arith.constant 0 : i32
      %add3A_73 = arith.addi %add3A_71, %add3A_72 : i32
      %dma_wait3A_74 = arith.constant 0 : i32
      %dma_wait3A_75 = arith.constant 0 : i32
      %dma_wait3A_76 = arith.constant 0 : i32
      %dma_wait3A_77 = tpu.memref_slice %arg5[%dma_wait3A_74, %dma_wait3A_75, %dma_wait3A_76] : memref<2x16x128xf32, #tpu.memory_space<vmem>> -> memref<1x16x128xf32, #tpu.memory_space<vmem>>
      %dma_wait3A_78 = tpu.memref_squeeze %dma_wait3A_77 : memref<1x16x128xf32, #tpu.memory_space<vmem>> -> memref<16x128xf32, #tpu.memory_space<vmem>>
      %dma_wait3A_79 = arith.constant 0 : i32
      %dma_wait3A_80 = arith.constant 0 : i32
      %dma_wait3A_81 = tpu.memref_slice %arg2[%dma_wait3A_79, %dma_wait3A_80] : memref<32768x128xf32, #tpu.memory_space<hbm>> -> memref<16x128xf32, #tpu.memory_space<hbm>>
      %dma_wait3A_82 = arith.constant 0 : i32
      %dma_wait3A_83 = arith.constant 0 : i32
      %dma_wait3A_84 = tpu.memref_slice %arg5[%dma_wait3A_74, %dma_wait3A_82, %dma_wait3A_83] : memref<2x16x128xf32, #tpu.memory_space<vmem>> -> memref<1x16x128xf32, #tpu.memory_space<vmem>>
      %dma_wait3A_85 = tpu.memref_squeeze %dma_wait3A_84 : memref<1x16x128xf32, #tpu.memory_space<vmem>> -> memref<16x128xf32, #tpu.memory_space<vmem>>
      %dma_wait3A_86 = arith.constant 0 : i32
      %dma_wait3A_87 = arith.constant 0 : i32
      %dma_wait3A_88 = tpu.memref_slice %arg2[%dma_wait3A_86, %dma_wait3A_87] : memref<32768x128xf32, #tpu.memory_space<hbm>> -> memref<16x128xf32, #tpu.memory_space<hbm>>
      tpu.wait_dma2 semaphore(%arg8 : memref<!tpu.dma_semaphore, #tpu.memory_space<semaphore_mem>>) src(%dma_wait3A_88 : memref<16x128xf32, #tpu.memory_space<hbm>>) dst(%dma_wait3A_85 : memref<16x128xf32, #tpu.memory_space<vmem>>)
      %ge3A = arith.constant 2 : i32
      %ge3A_89 = arith.cmpi sge, %add3A_73, %ge3A : i32
      %convert_element_type3A = arith.extui %ge3A_89 : i1 to i32
      %cond3A = arith.constant 0 : i32
      %cond3A_90 = arith.cmpi ne, %convert_element_type3A, %cond3A : i32
      scf.if %cond3A_90 {
        %dma_wait3A_163 = arith.constant 0 : i32
        %dma_wait3A_164 = arith.constant 0 : i32
        %dma_wait3A_165 = arith.constant 0 : i32
        %dma_wait3A_166 = tpu.memref_slice %arg6[%dma_wait3A_163, %dma_wait3A_164, %dma_wait3A_165] : memref<2x256x128xf32, #tpu.memory_space<vmem>> -> memref<1x256x128xf32, #tpu.memory_space<vmem>>
        %dma_wait3A_167 = tpu.memref_squeeze %dma_wait3A_166 : memref<1x256x128xf32, #tpu.memory_space<vmem>> -> memref<256x128xf32, #tpu.memory_space<vmem>>
        %dma_wait3A_168 = arith.constant 0 : i32
        %dma_wait3A_169 = arith.constant 0 : i32
        %dma_wait3A_170 = tpu.memref_slice %arg4[%dma_wait3A_168, %dma_wait3A_169] : memref<524288x128xf32, #tpu.memory_space<hbm>> -> memref<256x128xf32, #tpu.memory_space<hbm>>
        %dma_wait3A_171 = arith.constant 0 : i32
        %dma_wait3A_172 = arith.constant 0 : i32
        %dma_wait3A_173 = tpu.memref_slice %arg4[%dma_wait3A_171, %dma_wait3A_172] : memref<524288x128xf32, #tpu.memory_space<hbm>> -> memref<256x128xf32, #tpu.memory_space<hbm>>
        %dma_wait3A_174 = arith.constant 0 : i32
        %dma_wait3A_175 = arith.constant 0 : i32
        %dma_wait3A_176 = tpu.memref_slice %arg6[%dma_wait3A_163, %dma_wait3A_174, %dma_wait3A_175] : memref<2x256x128xf32, #tpu.memory_space<vmem>> -> memref<1x256x128xf32, #tpu.memory_space<vmem>>
        %dma_wait3A_177 = tpu.memref_squeeze %dma_wait3A_176 : memref<1x256x128xf32, #tpu.memory_space<vmem>> -> memref<256x128xf32, #tpu.memory_space<vmem>>
        tpu.wait_dma2 semaphore(%arg10 : memref<!tpu.dma_semaphore, #tpu.memory_space<semaphore_mem>>) src(%dma_wait3A_177 : memref<256x128xf32, #tpu.memory_space<vmem>>) dst(%dma_wait3A_173 : memref<256x128xf32, #tpu.memory_space<hbm>>)
      } else {
      }
      %parallel_loop3A = arith.constant 0 : i32
      %parallel_loop3A_91 = arith.constant 128 : i32
      %parallel_loop3A_92 = arith.constant 1 : i32
      scf.for %parallel_loop3A_163 = %parallel_loop3A to %parallel_loop3A_91 step %parallel_loop3A_92  : i32 {
        %parallel_loop3A_164 = arith.constant 3 : i32
        %parallel_loop3A_165 = arith.shrsi %parallel_loop3A_163, %parallel_loop3A_164 : i32
        %parallel_loop3A_166 = arith.constant 7 : i32
        %parallel_loop3A_167 = arith.andi %parallel_loop3A_163, %parallel_loop3A_166 : i32
        %parallel_loop3A_168 = arith.constant 16 : i32
        %parallel_loop3A_169 = arith.muli %parallel_loop3A_167, %parallel_loop3A_168 : i32
        %parallel_loop3A_170 = arith.constant 0 : i32
        %parallel_loop3A_171 = arith.index_cast %parallel_loop3A_170 : i32 to index
        %parallel_loop3A_172 = arith.index_cast %parallel_loop3A_165 : i32 to index
        %parallel_loop3A_173 = arith.index_cast %parallel_loop3A_169 : i32 to index
        %parallel_loop3A_174 = tpu.vector_load %arg5[%parallel_loop3A_171, %parallel_loop3A_172, %parallel_loop3A_173] {strides = array<i32>} : memref<2x16x128xf32, #tpu.memory_space<vmem>>, vector<16xf32>,
        %parallel_loop3A_175 = arith.constant 0.000000e+00 : f32
        %parallel_loop3A_176 = vector.broadcast %parallel_loop3A_175 : f32 to vector<16xf32>
        %parallel_loop3A_177 = arith.cmpf olt, %parallel_loop3A_174, %parallel_loop3A_176 : vector<16xf32>
        %parallel_loop3A_178 = math.absf %parallel_loop3A_174 : vector<16xf32>
        %parallel_loop3A_179 = tpu.bitcast %parallel_loop3A_178 : vector<16xf32> -> vector<16xi32>
        %parallel_loop3A_180 = arith.constant 23 : i32
        %parallel_loop3A_181 = vector.broadcast %parallel_loop3A_180 : i32 to vector<16xi32>
        %parallel_loop3A_182 = arith.shrsi %parallel_loop3A_179, %parallel_loop3A_181 : vector<16xi32>
        %parallel_loop3A_183 = arith.constant 127 : i32
        %parallel_loop3A_184 = vector.broadcast %parallel_loop3A_183 : i32 to vector<16xi32>
        %parallel_loop3A_185 = arith.subi %parallel_loop3A_182, %parallel_loop3A_184 : vector<16xi32>
        %parallel_loop3A_186 = arith.constant 8388607 : i32
        %parallel_loop3A_187 = vector.broadcast %parallel_loop3A_186 : i32 to vector<16xi32>
        %parallel_loop3A_188 = arith.andi %parallel_loop3A_179, %parallel_loop3A_187 : vector<16xi32>
        %parallel_loop3A_189 = arith.constant 1065353216 : i32
        %parallel_loop3A_190 = vector.broadcast %parallel_loop3A_189 : i32 to vector<16xi32>
        %parallel_loop3A_191 = arith.ori %parallel_loop3A_188, %parallel_loop3A_190 : vector<16xi32>
        %parallel_loop3A_192 = tpu.bitcast %parallel_loop3A_191 : vector<16xi32> -> vector<16xf32>
        %parallel_loop3A_193 = arith.constant 1.500000e+00 : f32
        %parallel_loop3A_194 = vector.broadcast %parallel_loop3A_193 : f32 to vector<16xf32>
        %parallel_loop3A_195 = arith.subf %parallel_loop3A_192, %parallel_loop3A_194 : vector<16xf32>
        %parallel_loop3A_196 = arith.constant 0.00366224209 : f32
        %parallel_loop3A_197 = vector.broadcast %parallel_loop3A_196 : f32 to vector<16xf32>
        %parallel_loop3A_198 = arith.mulf %parallel_loop3A_197, %parallel_loop3A_195 : vector<16xf32>
        %parallel_loop3A_199 = arith.constant -0.00614791736 : f32
        %parallel_loop3A_200 = vector.broadcast %parallel_loop3A_199 : f32 to vector<16xf32>
        %parallel_loop3A_201 = arith.addf %parallel_loop3A_198, %parallel_loop3A_200 : vector<16xf32>
        %parallel_loop3A_202 = arith.mulf %parallel_loop3A_201, %parallel_loop3A_195 : vector<16xf32>
        %parallel_loop3A_203 = arith.constant 0.00818367674 : f32
        %parallel_loop3A_204 = vector.broadcast %parallel_loop3A_203 : f32 to vector<16xf32>
        %parallel_loop3A_205 = arith.addf %parallel_loop3A_202, %parallel_loop3A_204 : vector<16xf32>
        %parallel_loop3A_206 = arith.mulf %parallel_loop3A_205, %parallel_loop3A_195 : vector<16xf32>
        %parallel_loop3A_207 = arith.constant -0.0143401129 : f32
        %parallel_loop3A_208 = vector.broadcast %parallel_loop3A_207 : f32 to vector<16xf32>
        %parallel_loop3A_209 = arith.addf %parallel_loop3A_206, %parallel_loop3A_208 : vector<16xf32>
        %parallel_loop3A_210 = arith.mulf %parallel_loop3A_209, %parallel_loop3A_195 : vector<16xf32>
        %parallel_loop3A_211 = arith.constant 0.0263536423 : f32
        %parallel_loop3A_212 = vector.broadcast %parallel_loop3A_211 : f32 to vector<16xf32>
        %parallel_loop3A_213 = arith.addf %parallel_loop3A_210, %parallel_loop3A_212 : vector<16xf32>
        %parallel_loop3A_214 = arith.mulf %parallel_loop3A_213, %parallel_loop3A_195 : vector<16xf32>
        %parallel_loop3A_215 = arith.constant -0.0494093411 : f32
        %parallel_loop3A_216 = vector.broadcast %parallel_loop3A_215 : f32 to vector<16xf32>
        %parallel_loop3A_217 = arith.addf %parallel_loop3A_214, %parallel_loop3A_216 : vector<16xf32>
        %parallel_loop3A_218 = arith.mulf %parallel_loop3A_217, %parallel_loop3A_195 : vector<16xf32>
        %parallel_loop3A_219 = arith.constant 0.0987649187 : f32
        %parallel_loop3A_220 = vector.broadcast %parallel_loop3A_219 : f32 to vector<16xf32>
        %parallel_loop3A_221 = arith.addf %parallel_loop3A_218, %parallel_loop3A_220 : vector<16xf32>
        %parallel_loop3A_222 = arith.mulf %parallel_loop3A_221, %parallel_loop3A_195 : vector<16xf32>
        %parallel_loop3A_223 = arith.constant -0.222221375 : f32
        %parallel_loop3A_224 = vector.broadcast %parallel_loop3A_223 : f32 to vector<16xf32>
        %parallel_loop3A_225 = arith.addf %parallel_loop3A_222, %parallel_loop3A_224 : vector<16xf32>
        %parallel_loop3A_226 = arith.mulf %parallel_loop3A_225, %parallel_loop3A_195 : vector<16xf32>
        %parallel_loop3A_227 = arith.constant 0.666666686 : f32
        %parallel_loop3A_228 = vector.broadcast %parallel_loop3A_227 : f32 to vector<16xf32>
        %parallel_loop3A_229 = arith.addf %parallel_loop3A_226, %parallel_loop3A_228 : vector<16xf32>
        %parallel_loop3A_230 = arith.mulf %parallel_loop3A_229, %parallel_loop3A_195 : vector<16xf32>
        %parallel_loop3A_231 = arith.constant 0.405465096 : f32
        %parallel_loop3A_232 = vector.broadcast %parallel_loop3A_231 : f32 to vector<16xf32>
        %parallel_loop3A_233 = arith.addf %parallel_loop3A_230, %parallel_loop3A_232 : vector<16xf32>
        %parallel_loop3A_234 = arith.sitofp %parallel_loop3A_185 : vector<16xi32> to vector<16xf32>
        %parallel_loop3A_235 = arith.constant 0.693147182 : f32
        %parallel_loop3A_236 = vector.broadcast %parallel_loop3A_235 : f32 to vector<16xf32>
        %parallel_loop3A_237 = arith.mulf %parallel_loop3A_234, %parallel_loop3A_236 : vector<16xf32>
        %parallel_loop3A_238 = arith.addf %parallel_loop3A_237, %parallel_loop3A_233 : vector<16xf32>
        %parallel_loop3A_239 = arith.constant -4.60517025 : f32
        %parallel_loop3A_240 = vector.broadcast %parallel_loop3A_239 : f32 to vector<16xf32>
        %parallel_loop3A_241 = arith.maximumf %parallel_loop3A_238, %parallel_loop3A_240 : vector<16xf32>
        %parallel_loop3A_242 = arith.constant 6.90775537 : f32
        %parallel_loop3A_243 = vector.broadcast %parallel_loop3A_242 : f32 to vector<16xf32>
        %parallel_loop3A_244 = arith.minimumf %parallel_loop3A_241, %parallel_loop3A_243 : vector<16xf32>
        %parallel_loop3A_245 = arith.constant -4.60517025 : f32
        %parallel_loop3A_246 = vector.broadcast %parallel_loop3A_245 : f32 to vector<16xf32>
        %parallel_loop3A_247 = arith.subf %parallel_loop3A_244, %parallel_loop3A_246 : vector<16xf32>
        %parallel_loop3A_248 = arith.constant 2.77948451 : f32
        %parallel_loop3A_249 = vector.broadcast %parallel_loop3A_248 : f32 to vector<16xf32>
        %parallel_loop3A_250 = arith.mulf %parallel_loop3A_247, %parallel_loop3A_249 : vector<16xf32>
        %parallel_loop3A_251 = arith.constant 3.100000e+01 : f32
        %parallel_loop3A_252 = vector.broadcast %parallel_loop3A_251 : f32 to vector<16xf32>
        %parallel_loop3A_253 = arith.addf %parallel_loop3A_250, %parallel_loop3A_252 : vector<16xf32>
        %parallel_loop3A_254 = arith.constant 3.100000e+01 : f32
        %parallel_loop3A_255 = vector.broadcast %parallel_loop3A_254 : f32 to vector<16xf32>
        %parallel_loop3A_256 = arith.subf %parallel_loop3A_255, %parallel_loop3A_250 : vector<16xf32>
        %parallel_loop3A_257 = arith.select %parallel_loop3A_177, %parallel_loop3A_253, %parallel_loop3A_256 : vector<16xi1>, vector<16xf32>
        %parallel_loop3A_258 = arith.fptosi %parallel_loop3A_257 : vector<16xf32> to vector<16xi32>
        %parallel_loop3A_259 = arith.constant 0 : i32
        %parallel_loop3A_260 = vector.broadcast %parallel_loop3A_259 : i32 to vector<16xi32>
        %parallel_loop3A_261 = arith.cmpi slt, %parallel_loop3A_258, %parallel_loop3A_260 : vector<16xi32>
        %parallel_loop3A_262 = arith.constant 65 : i32
        %parallel_loop3A_263 = vector.broadcast %parallel_loop3A_262 : i32 to vector<16xi32>
        %parallel_loop3A_264 = arith.addi %parallel_loop3A_258, %parallel_loop3A_263 : vector<16xi32>
        %parallel_loop3A_265 = arith.select %parallel_loop3A_261, %parallel_loop3A_264, %parallel_loop3A_258 : vector<16xi1>, vector<16xi32>
        %parallel_loop3A_266 = arith.constant 16 : i32
        %parallel_loop3A_267 = vector.broadcast %parallel_loop3A_266 : i32 to vector<16xi32>
        %parallel_loop3A_268 = arith.muli %parallel_loop3A_265, %parallel_loop3A_267 : vector<16xi32>
        %parallel_loop3A_269 = vector.extract_strided_slice %parallel_loop3A_268 {offsets = [0], sizes = [1], strides = [1]} : vector<16xi32> to vector<1xi32>
        %parallel_loop3A_270 = vector.extract %parallel_loop3A_269[0] : i32 from vector<1xi32>
        %parallel_loop3A_271 = vector.broadcast %parallel_loop3A_270 : i32 to vector<16xi32>
        %parallel_loop3A_272 = arith.addi %parallel_loop3A_271, %iota3A : vector<16xi32>
        %parallel_loop3A_273 = tpu.vector_load_idx %arg7[%parallel_loop3A_272] : memref<1040xf32, #tpu.memory_space<vmem>>[vector<16xi32>], vector<16xf32>,
        %parallel_loop3A_274 = arith.constant 2 : i32
        %parallel_loop3A_275 = arith.muli %parallel_loop3A_163, %parallel_loop3A_274 : i32
        %parallel_loop3A_276 = arith.constant 0 : i32
        %parallel_loop3A_277 = arith.addi %parallel_loop3A_275, %parallel_loop3A_276 : i32
        %parallel_loop3A_278 = arith.constant 0 : i32
        %parallel_loop3A_279 = arith.index_cast %parallel_loop3A_278 : i32 to index
        %parallel_loop3A_280 = arith.index_cast %parallel_loop3A_277 : i32 to index
        %parallel_loop3A_281 = arith.constant 0 : index
        %parallel_loop3A_282 = tpu.vector_load %arg6[%parallel_loop3A_279, %parallel_loop3A_280, %parallel_loop3A_281] {strides = array<i32>} : memref<2x256x128xf32, #tpu.memory_space<vmem>>, vector<16xf32>,
        tpu.vector_store %arg6[%parallel_loop3A_279, %parallel_loop3A_280, %parallel_loop3A_281], %parallel_loop3A_273 {strides = array<i32>} : memref<2x256x128xf32, #tpu.memory_space<vmem>>, vector<16xf32>,
        %parallel_loop3A_283 = vector.extract_strided_slice %parallel_loop3A_268 {offsets = [1], sizes = [1], strides = [1]} : vector<16xi32> to vector<1xi32>
        %parallel_loop3A_284 = vector.extract %parallel_loop3A_283[0] : i32 from vector<1xi32>
        %parallel_loop3A_285 = vector.broadcast %parallel_loop3A_284 : i32 to vector<16xi32>
        %parallel_loop3A_286 = arith.addi %parallel_loop3A_285, %iota3A : vector<16xi32>
        %parallel_loop3A_287 = tpu.vector_load_idx %arg7[%parallel_loop3A_286] : memref<1040xf32, #tpu.memory_space<vmem>>[vector<16xi32>], vector<16xf32>,
        %parallel_loop3A_288 = arith.constant 2 : i32
        %parallel_loop3A_289 = arith.muli %parallel_loop3A_163, %parallel_loop3A_288 : i32
        %parallel_loop3A_290 = arith.constant 0 : i32
        %parallel_loop3A_291 = arith.addi %parallel_loop3A_289, %parallel_loop3A_290 : i32
        %parallel_loop3A_292 = arith.constant 0 : i32
        %parallel_loop3A_293 = arith.index_cast %parallel_loop3A_292 : i32 to index
        %parallel_loop3A_294 = arith.index_cast %parallel_loop3A_291 : i32 to index
        %parallel_loop3A_295 = arith.constant 16 : index
        %parallel_loop3A_296 = tpu.vector_load %arg6[%parallel_loop3A_293, %parallel_loop3A_294, %parallel_loop3A_295] {strides = array<i32>} : memref<2x256x128xf32, #tpu.memory_space<vmem>>, vector<16xf32>,
        tpu.vector_store %arg6[%parallel_loop3A_293, %parallel_loop3A_294, %parallel_loop3A_295], %parallel_loop3A_287 {strides = array<i32>} : memref<2x256x128xf32, #tpu.memory_space<vmem>>, vector<16xf32>,
        %parallel_loop3A_297 = vector.extract_strided_slice %parallel_loop3A_268 {offsets = [2], sizes = [1], strides = [1]} : vector<16xi32> to vector<1xi32>
        %parallel_loop3A_298 = vector.extract %parallel_loop3A_297[0] : i32 from vector<1xi32>
        %parallel_loop3A_299 = vector.broadcast %parallel_loop3A_298 : i32 to vector<16xi32>
        %parallel_loop3A_300 = arith.addi %parallel_loop3A_299, %iota3A : vector<16xi32>
        %parallel_loop3A_301 = tpu.vector_load_idx %arg7[%parallel_loop3A_300] : memref<1040xf32, #tpu.memory_space<vmem>>[vector<16xi32>], vector<16xf32>,
        %parallel_loop3A_302 = arith.constant 2 : i32
        %parallel_loop3A_303 = arith.muli %parallel_loop3A_163, %parallel_loop3A_302 : i32
        %parallel_loop3A_304 = arith.constant 0 : i32
        %parallel_loop3A_305 = arith.addi %parallel_loop3A_303, %parallel_loop3A_304 : i32
        %parallel_loop3A_306 = arith.constant 0 : i32
        %parallel_loop3A_307 = arith.index_cast %parallel_loop3A_306 : i32 to index
        %parallel_loop3A_308 = arith.index_cast %parallel_loop3A_305 : i32 to index
        %parallel_loop3A_309 = arith.constant 32 : index
        %parallel_loop3A_310 = tpu.vector_load %arg6[%parallel_loop3A_307, %parallel_loop3A_308, %parallel_loop3A_309] {strides = array<i32>} : memref<2x256x128xf32, #tpu.memory_space<vmem>>, vector<16xf32>,
        tpu.vector_store %arg6[%parallel_loop3A_307, %parallel_loop3A_308, %parallel_loop3A_309], %parallel_loop3A_301 {strides = array<i32>} : memref<2x256x128xf32, #tpu.memory_space<vmem>>, vector<16xf32>,
        %parallel_loop3A_311 = vector.extract_strided_slice %parallel_loop3A_268 {offsets = [3], sizes = [1], strides = [1]} : vector<16xi32> to vector<1xi32>
        %parallel_loop3A_312 = vector.extract %parallel_loop3A_311[0] : i32 from vector<1xi32>
        %parallel_loop3A_313 = vector.broadcast %parallel_loop3A_312 : i32 to vector<16xi32>
        %parallel_loop3A_314 = arith.addi %parallel_loop3A_313, %iota3A : vector<16xi32>
        %parallel_loop3A_315 = tpu.vector_load_idx %arg7[%parallel_loop3A_314] : memref<1040xf32, #tpu.memory_space<vmem>>[vector<16xi32>], vector<16xf32>,
        %parallel_loop3A_316 = arith.constant 2 : i32
        %parallel_loop3A_317 = arith.muli %parallel_loop3A_163, %parallel_loop3A_316 : i32
        %parallel_loop3A_318 = arith.constant 0 : i32
        %parallel_loop3A_319 = arith.addi %parallel_loop3A_317, %parallel_loop3A_318 : i32
        %parallel_loop3A_320 = arith.constant 0 : i32
        %parallel_loop3A_321 = arith.index_cast %parallel_loop3A_320 : i32 to index
        %parallel_loop3A_322 = arith.index_cast %parallel_loop3A_319 : i32 to index
        %parallel_loop3A_323 = arith.constant 48 : index
        %parallel_loop3A_324 = tpu.vector_load %arg6[%parallel_loop3A_321, %parallel_loop3A_322, %parallel_loop3A_323] {strides = array<i32>} : memref<2x256x128xf32, #tpu.memory_space<vmem>>, vector<16xf32>,
        tpu.vector_store %arg6[%parallel_loop3A_321, %parallel_loop3A_322, %parallel_loop3A_323], %parallel_loop3A_315 {strides = array<i32>} : memref<2x256x128xf32, #tpu.memory_space<vmem>>, vector<16xf32>,
        %parallel_loop3A_325 = vector.extract_strided_slice %parallel_loop3A_268 {offsets = [4], sizes = [1], strides = [1]} : vector<16xi32> to vector<1xi32>
        %parallel_loop3A_326 = vector.extract %parallel_loop3A_325[0] : i32 from vector<1xi32>
        %parallel_loop3A_327 = vector.broadcast %parallel_loop3A_326 : i32 to vector<16xi32>
        %parallel_loop3A_328 = arith.addi %parallel_loop3A_327, %iota3A : vector<16xi32>
        %parallel_loop3A_329 = tpu.vector_load_idx %arg7[%parallel_loop3A_328] : memref<1040xf32, #tpu.memory_space<vmem>>[vector<16xi32>], vector<16xf32>,
        %parallel_loop3A_330 = arith.constant 2 : i32
        %parallel_loop3A_331 = arith.muli %parallel_loop3A_163, %parallel_loop3A_330 : i32
        %parallel_loop3A_332 = arith.constant 0 : i32
        %parallel_loop3A_333 = arith.addi %parallel_loop3A_331, %parallel_loop3A_332 : i32
        %parallel_loop3A_334 = arith.constant 0 : i32
        %parallel_loop3A_335 = arith.index_cast %parallel_loop3A_334 : i32 to index
        %parallel_loop3A_336 = arith.index_cast %parallel_loop3A_333 : i32 to index
        %parallel_loop3A_337 = arith.constant 64 : index
        %parallel_loop3A_338 = tpu.vector_load %arg6[%parallel_loop3A_335, %parallel_loop3A_336, %parallel_loop3A_337] {strides = array<i32>} : memref<2x256x128xf32, #tpu.memory_space<vmem>>, vector<16xf32>,
        tpu.vector_store %arg6[%parallel_loop3A_335, %parallel_loop3A_336, %parallel_loop3A_337], %parallel_loop3A_329 {strides = array<i32>} : memref<2x256x128xf32, #tpu.memory_space<vmem>>, vector<16xf32>,
        %parallel_loop3A_339 = vector.extract_strided_slice %parallel_loop3A_268 {offsets = [5], sizes = [1], strides = [1]} : vector<16xi32> to vector<1xi32>
        %parallel_loop3A_340 = vector.extract %parallel_loop3A_339[0] : i32 from vector<1xi32>
        %parallel_loop3A_341 = vector.broadcast %parallel_loop3A_340 : i32 to vector<16xi32>
        %parallel_loop3A_342 = arith.addi %parallel_loop3A_341, %iota3A : vector<16xi32>
        %parallel_loop3A_343 = tpu.vector_load_idx %arg7[%parallel_loop3A_342] : memref<1040xf32, #tpu.memory_space<vmem>>[vector<16xi32>], vector<16xf32>,
        %parallel_loop3A_344 = arith.constant 2 : i32
        %parallel_loop3A_345 = arith.muli %parallel_loop3A_163, %parallel_loop3A_344 : i32
        %parallel_loop3A_346 = arith.constant 0 : i32
        %parallel_loop3A_347 = arith.addi %parallel_loop3A_345, %parallel_loop3A_346 : i32
        %parallel_loop3A_348 = arith.constant 0 : i32
        %parallel_loop3A_349 = arith.index_cast %parallel_loop3A_348 : i32 to index
        %parallel_loop3A_350 = arith.index_cast %parallel_loop3A_347 : i32 to index
        %parallel_loop3A_351 = arith.constant 80 : index
        %parallel_loop3A_352 = tpu.vector_load %arg6[%parallel_loop3A_349, %parallel_loop3A_350, %parallel_loop3A_351] {strides = array<i32>} : memref<2x256x128xf32, #tpu.memory_space<vmem>>, vector<16xf32>,
        tpu.vector_store %arg6[%parallel_loop3A_349, %parallel_loop3A_350, %parallel_loop3A_351], %parallel_loop3A_343 {strides = array<i32>} : memref<2x256x128xf32, #tpu.memory_space<vmem>>, vector<16xf32>,
        %parallel_loop3A_353 = vector.extract_strided_slice %parallel_loop3A_268 {offsets = [6], sizes = [1], strides = [1]} : vector<16xi32> to vector<1xi32>
        %parallel_loop3A_354 = vector.extract %parallel_loop3A_353[0] : i32 from vector<1xi32>
        %parallel_loop3A_355 = vector.broadcast %parallel_loop3A_354 : i32 to vector<16xi32>
        %parallel_loop3A_356 = arith.addi %parallel_loop3A_355, %iota3A : vector<16xi32>
        %parallel_loop3A_357 = tpu.vector_load_idx %arg7[%parallel_loop3A_356] : memref<1040xf32, #tpu.memory_space<vmem>>[vector<16xi32>], vector<16xf32>,
        %parallel_loop3A_358 = arith.constant 2 : i32
        %parallel_loop3A_359 = arith.muli %parallel_loop3A_163, %parallel_loop3A_358 : i32
        %parallel_loop3A_360 = arith.constant 0 : i32
        %parallel_loop3A_361 = arith.addi %parallel_loop3A_359, %parallel_loop3A_360 : i32
        %parallel_loop3A_362 = arith.constant 0 : i32
        %parallel_loop3A_363 = arith.index_cast %parallel_loop3A_362 : i32 to index
        %parallel_loop3A_364 = arith.index_cast %parallel_loop3A_361 : i32 to index
        %parallel_loop3A_365 = arith.constant 96 : index
        %parallel_loop3A_366 = tpu.vector_load %arg6[%parallel_loop3A_363, %parallel_loop3A_364, %parallel_loop3A_365] {strides = array<i32>} : memref<2x256x128xf32, #tpu.memory_space<vmem>>, vector<16xf32>,
        tpu.vector_store %arg6[%parallel_loop3A_363, %parallel_loop3A_364, %parallel_loop3A_365], %parallel_loop3A_357 {strides = array<i32>} : memref<2x256x128xf32, #tpu.memory_space<vmem>>, vector<16xf32>,
        %parallel_loop3A_367 = vector.extract_strided_slice %parallel_loop3A_268 {offsets = [7], sizes = [1], strides = [1]} : vector<16xi32> to vector<1xi32>
        %parallel_loop3A_368 = vector.extract %parallel_loop3A_367[0] : i32 from vector<1xi32>
        %parallel_loop3A_369 = vector.broadcast %parallel_loop3A_368 : i32 to vector<16xi32>
        %parallel_loop3A_370 = arith.addi %parallel_loop3A_369, %iota3A : vector<16xi32>
        %parallel_loop3A_371 = tpu.vector_load_idx %arg7[%parallel_loop3A_370] : memref<1040xf32, #tpu.memory_space<vmem>>[vector<16xi32>], vector<16xf32>,
        %parallel_loop3A_372 = arith.constant 2 : i32
        %parallel_loop3A_373 = arith.muli %parallel_loop3A_163, %parallel_loop3A_372 : i32
        %parallel_loop3A_374 = arith.constant 0 : i32
        %parallel_loop3A_375 = arith.addi %parallel_loop3A_373, %parallel_loop3A_374 : i32
        %parallel_loop3A_376 = arith.constant 0 : i32
        %parallel_loop3A_377 = arith.index_cast %parallel_loop3A_376 : i32 to index
        %parallel_loop3A_378 = arith.index_cast %parallel_loop3A_375 : i32 to index
        %parallel_loop3A_379 = arith.constant 112 : index
        %parallel_loop3A_380 = tpu.vector_load %arg6[%parallel_loop3A_377, %parallel_loop3A_378, %parallel_loop3A_379] {strides = array<i32>} : memref<2x256x128xf32, #tpu.memory_space<vmem>>, vector<16xf32>,
        tpu.vector_store %arg6[%parallel_loop3A_377, %parallel_loop3A_378, %parallel_loop3A_379], %parallel_loop3A_371 {strides = array<i32>} : memref<2x256x128xf32, #tpu.memory_space<vmem>>, vector<16xf32>,
        %parallel_loop3A_381 = vector.extract_strided_slice %parallel_loop3A_268 {offsets = [8], sizes = [1], strides = [1]} : vector<16xi32> to vector<1xi32>
        %parallel_loop3A_382 = vector.extract %parallel_loop3A_381[0] : i32 from vector<1xi32>
        %parallel_loop3A_383 = vector.broadcast %parallel_loop3A_382 : i32 to vector<16xi32>
        %parallel_loop3A_384 = arith.addi %parallel_loop3A_383, %iota3A : vector<16xi32>
        %parallel_loop3A_385 = tpu.vector_load_idx %arg7[%parallel_loop3A_384] : memref<1040xf32, #tpu.memory_space<vmem>>[vector<16xi32>], vector<16xf32>,
        %parallel_loop3A_386 = arith.constant 2 : i32
        %parallel_loop3A_387 = arith.muli %parallel_loop3A_163, %parallel_loop3A_386 : i32
        %parallel_loop3A_388 = arith.constant 1 : i32
        %parallel_loop3A_389 = arith.addi %parallel_loop3A_387, %parallel_loop3A_388 : i32
        %parallel_loop3A_390 = arith.constant 0 : i32
        %parallel_loop3A_391 = arith.index_cast %parallel_loop3A_390 : i32 to index
        %parallel_loop3A_392 = arith.index_cast %parallel_loop3A_389 : i32 to index
        %parallel_loop3A_393 = arith.constant 0 : index
        %parallel_loop3A_394 = tpu.vector_load %arg6[%parallel_loop3A_391, %parallel_loop3A_392, %parallel_loop3A_393] {strides = array<i32>} : memref<2x256x128xf32, #tpu.memory_space<vmem>>, vector<16xf32>,
        tpu.vector_store %arg6[%parallel_loop3A_391, %parallel_loop3A_392, %parallel_loop3A_393], %parallel_loop3A_385 {strides = array<i32>} : memref<2x256x128xf32, #tpu.memory_space<vmem>>, vector<16xf32>,
        %parallel_loop3A_395 = vector.extract_strided_slice %parallel_loop3A_268 {offsets = [9], sizes = [1], strides = [1]} : vector<16xi32> to vector<1xi32>
        %parallel_loop3A_396 = vector.extract %parallel_loop3A_395[0] : i32 from vector<1xi32>
        %parallel_loop3A_397 = vector.broadcast %parallel_loop3A_396 : i32 to vector<16xi32>
        %parallel_loop3A_398 = arith.addi %parallel_loop3A_397, %iota3A : vector<16xi32>
        %parallel_loop3A_399 = tpu.vector_load_idx %arg7[%parallel_loop3A_398] : memref<1040xf32, #tpu.memory_space<vmem>>[vector<16xi32>], vector<16xf32>,
        %parallel_loop3A_400 = arith.constant 2 : i32
        %parallel_loop3A_401 = arith.muli %parallel_loop3A_163, %parallel_loop3A_400 : i32
        %parallel_loop3A_402 = arith.constant 1 : i32
        %parallel_loop3A_403 = arith.addi %parallel_loop3A_401, %parallel_loop3A_402 : i32
        %parallel_loop3A_404 = arith.constant 0 : i32
        %parallel_loop3A_405 = arith.index_cast %parallel_loop3A_404 : i32 to index
        %parallel_loop3A_406 = arith.index_cast %parallel_loop3A_403 : i32 to index
        %parallel_loop3A_407 = arith.constant 16 : index
        %parallel_loop3A_408 = tpu.vector_load %arg6[%parallel_loop3A_405, %parallel_loop3A_406, %parallel_loop3A_407] {strides = array<i32>} : memref<2x256x128xf32, #tpu.memory_space<vmem>>, vector<16xf32>,
        tpu.vector_store %arg6[%parallel_loop3A_405, %parallel_loop3A_406, %parallel_loop3A_407], %parallel_loop3A_399 {strides = array<i32>} : memref<2x256x128xf32, #tpu.memory_space<vmem>>, vector<16xf32>,
        %parallel_loop3A_409 = vector.extract_strided_slice %parallel_loop3A_268 {offsets = [10], sizes = [1], strides = [1]} : vector<16xi32> to vector<1xi32>
        %parallel_loop3A_410 = vector.extract %parallel_loop3A_409[0] : i32 from vector<1xi32>
        %parallel_loop3A_411 = vector.broadcast %parallel_loop3A_410 : i32 to vector<16xi32>
        %parallel_loop3A_412 = arith.addi %parallel_loop3A_411, %iota3A : vector<16xi32>
        %parallel_loop3A_413 = tpu.vector_load_idx %arg7[%parallel_loop3A_412] : memref<1040xf32, #tpu.memory_space<vmem>>[vector<16xi32>], vector<16xf32>,
        %parallel_loop3A_414 = arith.constant 2 : i32
        %parallel_loop3A_415 = arith.muli %parallel_loop3A_163, %parallel_loop3A_414 : i32
        %parallel_loop3A_416 = arith.constant 1 : i32
        %parallel_loop3A_417 = arith.addi %parallel_loop3A_415, %parallel_loop3A_416 : i32
        %parallel_loop3A_418 = arith.constant 0 : i32
        %parallel_loop3A_419 = arith.index_cast %parallel_loop3A_418 : i32 to index
        %parallel_loop3A_420 = arith.index_cast %parallel_loop3A_417 : i32 to index
        %parallel_loop3A_421 = arith.constant 32 : index
        %parallel_loop3A_422 = tpu.vector_load %arg6[%parallel_loop3A_419, %parallel_loop3A_420, %parallel_loop3A_421] {strides = array<i32>} : memref<2x256x128xf32, #tpu.memory_space<vmem>>, vector<16xf32>,
        tpu.vector_store %arg6[%parallel_loop3A_419, %parallel_loop3A_420, %parallel_loop3A_421], %parallel_loop3A_413 {strides = array<i32>} : memref<2x256x128xf32, #tpu.memory_space<vmem>>, vector<16xf32>,
        %parallel_loop3A_423 = vector.extract_strided_slice %parallel_loop3A_268 {offsets = [11], sizes = [1], strides = [1]} : vector<16xi32> to vector<1xi32>
        %parallel_loop3A_424 = vector.extract %parallel_loop3A_423[0] : i32 from vector<1xi32>
        %parallel_loop3A_425 = vector.broadcast %parallel_loop3A_424 : i32 to vector<16xi32>
        %parallel_loop3A_426 = arith.addi %parallel_loop3A_425, %iota3A : vector<16xi32>
        %parallel_loop3A_427 = tpu.vector_load_idx %arg7[%parallel_loop3A_426] : memref<1040xf32, #tpu.memory_space<vmem>>[vector<16xi32>], vector<16xf32>,
        %parallel_loop3A_428 = arith.constant 2 : i32
        %parallel_loop3A_429 = arith.muli %parallel_loop3A_163, %parallel_loop3A_428 : i32
        %parallel_loop3A_430 = arith.constant 1 : i32
        %parallel_loop3A_431 = arith.addi %parallel_loop3A_429, %parallel_loop3A_430 : i32
        %parallel_loop3A_432 = arith.constant 0 : i32
        %parallel_loop3A_433 = arith.index_cast %parallel_loop3A_432 : i32 to index
        %parallel_loop3A_434 = arith.index_cast %parallel_loop3A_431 : i32 to index
        %parallel_loop3A_435 = arith.constant 48 : index
        %parallel_loop3A_436 = tpu.vector_load %arg6[%parallel_loop3A_433, %parallel_loop3A_434, %parallel_loop3A_435] {strides = array<i32>} : memref<2x256x128xf32, #tpu.memory_space<vmem>>, vector<16xf32>,
        tpu.vector_store %arg6[%parallel_loop3A_433, %parallel_loop3A_434, %parallel_loop3A_435], %parallel_loop3A_427 {strides = array<i32>} : memref<2x256x128xf32, #tpu.memory_space<vmem>>, vector<16xf32>,
        %parallel_loop3A_437 = vector.extract_strided_slice %parallel_loop3A_268 {offsets = [12], sizes = [1], strides = [1]} : vector<16xi32> to vector<1xi32>
        %parallel_loop3A_438 = vector.extract %parallel_loop3A_437[0] : i32 from vector<1xi32>
        %parallel_loop3A_439 = vector.broadcast %parallel_loop3A_438 : i32 to vector<16xi32>
        %parallel_loop3A_440 = arith.addi %parallel_loop3A_439, %iota3A : vector<16xi32>
        %parallel_loop3A_441 = tpu.vector_load_idx %arg7[%parallel_loop3A_440] : memref<1040xf32, #tpu.memory_space<vmem>>[vector<16xi32>], vector<16xf32>,
        %parallel_loop3A_442 = arith.constant 2 : i32
        %parallel_loop3A_443 = arith.muli %parallel_loop3A_163, %parallel_loop3A_442 : i32
        %parallel_loop3A_444 = arith.constant 1 : i32
        %parallel_loop3A_445 = arith.addi %parallel_loop3A_443, %parallel_loop3A_444 : i32
        %parallel_loop3A_446 = arith.constant 0 : i32
        %parallel_loop3A_447 = arith.index_cast %parallel_loop3A_446 : i32 to index
        %parallel_loop3A_448 = arith.index_cast %parallel_loop3A_445 : i32 to index
        %parallel_loop3A_449 = arith.constant 64 : index
        %parallel_loop3A_450 = tpu.vector_load %arg6[%parallel_loop3A_447, %parallel_loop3A_448, %parallel_loop3A_449] {strides = array<i32>} : memref<2x256x128xf32, #tpu.memory_space<vmem>>, vector<16xf32>,
        tpu.vector_store %arg6[%parallel_loop3A_447, %parallel_loop3A_448, %parallel_loop3A_449], %parallel_loop3A_441 {strides = array<i32>} : memref<2x256x128xf32, #tpu.memory_space<vmem>>, vector<16xf32>,
        %parallel_loop3A_451 = vector.extract_strided_slice %parallel_loop3A_268 {offsets = [13], sizes = [1], strides = [1]} : vector<16xi32> to vector<1xi32>
        %parallel_loop3A_452 = vector.extract %parallel_loop3A_451[0] : i32 from vector<1xi32>
        %parallel_loop3A_453 = vector.broadcast %parallel_loop3A_452 : i32 to vector<16xi32>
        %parallel_loop3A_454 = arith.addi %parallel_loop3A_453, %iota3A : vector<16xi32>
        %parallel_loop3A_455 = tpu.vector_load_idx %arg7[%parallel_loop3A_454] : memref<1040xf32, #tpu.memory_space<vmem>>[vector<16xi32>], vector<16xf32>,
        %parallel_loop3A_456 = arith.constant 2 : i32
        %parallel_loop3A_457 = arith.muli %parallel_loop3A_163, %parallel_loop3A_456 : i32
        %parallel_loop3A_458 = arith.constant 1 : i32
        %parallel_loop3A_459 = arith.addi %parallel_loop3A_457, %parallel_loop3A_458 : i32
        %parallel_loop3A_460 = arith.constant 0 : i32
        %parallel_loop3A_461 = arith.index_cast %parallel_loop3A_460 : i32 to index
        %parallel_loop3A_462 = arith.index_cast %parallel_loop3A_459 : i32 to index
        %parallel_loop3A_463 = arith.constant 80 : index
        %parallel_loop3A_464 = tpu.vector_load %arg6[%parallel_loop3A_461, %parallel_loop3A_462, %parallel_loop3A_463] {strides = array<i32>} : memref<2x256x128xf32, #tpu.memory_space<vmem>>, vector<16xf32>,
        tpu.vector_store %arg6[%parallel_loop3A_461, %parallel_loop3A_462, %parallel_loop3A_463], %parallel_loop3A_455 {strides = array<i32>} : memref<2x256x128xf32, #tpu.memory_space<vmem>>, vector<16xf32>,
        %parallel_loop3A_465 = vector.extract_strided_slice %parallel_loop3A_268 {offsets = [14], sizes = [1], strides = [1]} : vector<16xi32> to vector<1xi32>
        %parallel_loop3A_466 = vector.extract %parallel_loop3A_465[0] : i32 from vector<1xi32>
        %parallel_loop3A_467 = vector.broadcast %parallel_loop3A_466 : i32 to vector<16xi32>
        %parallel_loop3A_468 = arith.addi %parallel_loop3A_467, %iota3A : vector<16xi32>
        %parallel_loop3A_469 = tpu.vector_load_idx %arg7[%parallel_loop3A_468] : memref<1040xf32, #tpu.memory_space<vmem>>[vector<16xi32>], vector<16xf32>,
        %parallel_loop3A_470 = arith.constant 2 : i32
        %parallel_loop3A_471 = arith.muli %parallel_loop3A_163, %parallel_loop3A_470 : i32
        %parallel_loop3A_472 = arith.constant 1 : i32
        %parallel_loop3A_473 = arith.addi %parallel_loop3A_471, %parallel_loop3A_472 : i32
        %parallel_loop3A_474 = arith.constant 0 : i32
        %parallel_loop3A_475 = arith.index_cast %parallel_loop3A_474 : i32 to index
        %parallel_loop3A_476 = arith.index_cast %parallel_loop3A_473 : i32 to index
        %parallel_loop3A_477 = arith.constant 96 : index
        %parallel_loop3A_478 = tpu.vector_load %arg6[%parallel_loop3A_475, %parallel_loop3A_476, %parallel_loop3A_477] {strides = array<i32>} : memref<2x256x128xf32, #tpu.memory_space<vmem>>, vector<16xf32>,
        tpu.vector_store %arg6[%parallel_loop3A_475, %parallel_loop3A_476, %parallel_loop3A_477], %parallel_loop3A_469 {strides = array<i32>} : memref<2x256x128xf32, #tpu.memory_space<vmem>>, vector<16xf32>,
        %parallel_loop3A_479 = vector.extract_strided_slice %parallel_loop3A_268 {offsets = [15], sizes = [1], strides = [1]} : vector<16xi32> to vector<1xi32>
        %parallel_loop3A_480 = vector.extract %parallel_loop3A_479[0] : i32 from vector<1xi32>
        %parallel_loop3A_481 = vector.broadcast %parallel_loop3A_480 : i32 to vector<16xi32>
        %parallel_loop3A_482 = arith.addi %parallel_loop3A_481, %iota3A : vector<16xi32>
        %parallel_loop3A_483 = tpu.vector_load_idx %arg7[%parallel_loop3A_482] : memref<1040xf32, #tpu.memory_space<vmem>>[vector<16xi32>], vector<16xf32>,
        %parallel_loop3A_484 = arith.constant 2 : i32
        %parallel_loop3A_485 = arith.muli %parallel_loop3A_163, %parallel_loop3A_484 : i32
        %parallel_loop3A_486 = arith.constant 1 : i32
        %parallel_loop3A_487 = arith.addi %parallel_loop3A_485, %parallel_loop3A_486 : i32
        %parallel_loop3A_488 = arith.constant 0 : i32
        %parallel_loop3A_489 = arith.index_cast %parallel_loop3A_488 : i32 to index
        %parallel_loop3A_490 = arith.index_cast %parallel_loop3A_487 : i32 to index
        %parallel_loop3A_491 = arith.constant 112 : index
        %parallel_loop3A_492 = tpu.vector_load %arg6[%parallel_loop3A_489, %parallel_loop3A_490, %parallel_loop3A_491] {strides = array<i32>} : memref<2x256x128xf32, #tpu.memory_space<vmem>>, vector<16xf32>,
        tpu.vector_store %arg6[%parallel_loop3A_489, %parallel_loop3A_490, %parallel_loop3A_491], %parallel_loop3A_483 {strides = array<i32>} : memref<2x256x128xf32, #tpu.memory_space<vmem>>, vector<16xf32>,
      } {sc.loop_unroll_factor = 2 : i64, sc.parallel_access}
      %add3A_93 = arith.constant 2 : i32
      %add3A_94 = arith.addi %add3A_73, %add3A_93 : i32
      %lt3A = arith.constant 64 : i32
      %lt3A_95 = arith.cmpi slt, %add3A_94, %lt3A : i32
      %convert_element_type3A_96 = arith.extui %lt3A_95 : i1 to i32
      %cond3A_97 = arith.constant 0 : i32
      %cond3A_98 = arith.cmpi ne, %convert_element_type3A_96, %cond3A_97 : i32
      scf.if %cond3A_98 {
        %add3A_163 = arith.constant 2 : i32
        %add3A_164 = arith.addi %add3A_73, %add3A_163 : i32
        %mul3A_165 = arith.constant 16 : i32
        %mul3A_166 = arith.muli %add3A_164, %mul3A_165 : i32
        %add3A_167 = arith.addi %mul3A_2, %mul3A_166 : i32
        %dma_start3A_168 = arith.constant 0 : i32
        %dma_start3A_169 = arith.constant 0 : i32
        %dma_start3A_170 = arith.constant 0 : i32
        %dma_start3A_171 = tpu.memref_slice %arg5[%dma_start3A_168, %dma_start3A_169, %dma_start3A_170] : memref<2x16x128xf32, #tpu.memory_space<vmem>> -> memref<1x16x128xf32, #tpu.memory_space<vmem>>
        %dma_start3A_172 = tpu.memref_squeeze %dma_start3A_171 : memref<1x16x128xf32, #tpu.memory_space<vmem>> -> memref<16x128xf32, #tpu.memory_space<vmem>>
        %dma_start3A_173 = arith.constant 0 : i32
        %dma_start3A_174 = tpu.memref_slice %arg2[%add3A_167, %dma_start3A_173] : memref<32768x128xf32, #tpu.memory_space<hbm>> -> memref<16x128xf32, #tpu.memory_space<hbm>>
        %dma_start3A_175 = arith.constant 0 : i32
        %dma_start3A_176 = arith.constant 0 : i32
        %dma_start3A_177 = tpu.memref_slice %arg5[%dma_start3A_168, %dma_start3A_175, %dma_start3A_176] : memref<2x16x128xf32, #tpu.memory_space<vmem>> -> memref<1x16x128xf32, #tpu.memory_space<vmem>>
        %dma_start3A_178 = tpu.memref_squeeze %dma_start3A_177 : memref<1x16x128xf32, #tpu.memory_space<vmem>> -> memref<16x128xf32, #tpu.memory_space<vmem>>
        %dma_start3A_179 = arith.constant 0 : i32
        %dma_start3A_180 = tpu.memref_slice %arg2[%add3A_167, %dma_start3A_179] : memref<32768x128xf32, #tpu.memory_space<hbm>> -> memref<16x128xf32, #tpu.memory_space<hbm>>
        tpu.enqueue_dma source(%dma_start3A_180 : memref<16x128xf32, #tpu.memory_space<hbm>>) target(%dma_start3A_178 : memref<16x128xf32, #tpu.memory_space<vmem>>) target_semaphore(%arg8 : memref<!tpu.dma_semaphore, #tpu.memory_space<semaphore_mem>>)
      } else {
      }
      %mul3A_99 = arith.constant 256 : i32
      %mul3A_100 = arith.muli %add3A_73, %mul3A_99 : i32
      %add3A_101 = arith.addi %mul3A_4, %mul3A_100 : i32
      %dma_start3A_102 = arith.constant 0 : i32
      %dma_start3A_103 = arith.constant 0 : i32
      %dma_start3A_104 = arith.constant 0 : i32
      %dma_start3A_105 = tpu.memref_slice %arg6[%dma_start3A_102, %dma_start3A_103, %dma_start3A_104] : memref<2x256x128xf32, #tpu.memory_space<vmem>> -> memref<1x256x128xf32, #tpu.memory_space<vmem>>
      %dma_start3A_106 = tpu.memref_squeeze %dma_start3A_105 : memref<1x256x128xf32, #tpu.memory_space<vmem>> -> memref<256x128xf32, #tpu.memory_space<vmem>>
      %dma_start3A_107 = arith.constant 0 : i32
      %dma_start3A_108 = tpu.memref_slice %arg4[%add3A_101, %dma_start3A_107] : memref<524288x128xf32, #tpu.memory_space<hbm>> -> memref<256x128xf32, #tpu.memory_space<hbm>>
      %dma_start3A_109 = arith.constant 0 : i32
      %dma_start3A_110 = tpu.memref_slice %arg4[%add3A_101, %dma_start3A_109] : memref<524288x128xf32, #tpu.memory_space<hbm>> -> memref<256x128xf32, #tpu.memory_space<hbm>>
      %dma_start3A_111 = arith.constant 0 : i32
      %dma_start3A_112 = arith.constant 0 : i32
      %dma_start3A_113 = tpu.memref_slice %arg6[%dma_start3A_102, %dma_start3A_111, %dma_start3A_112] : memref<2x256x128xf32, #tpu.memory_space<vmem>> -> memref<1x256x128xf32, #tpu.memory_space<vmem>>
      %dma_start3A_114 = tpu.memref_squeeze %dma_start3A_113 : memref<1x256x128xf32, #tpu.memory_space<vmem>> -> memref<256x128xf32, #tpu.memory_space<vmem>>
      tpu.enqueue_dma source(%dma_start3A_114 : memref<256x128xf32, #tpu.memory_space<vmem>>) target(%dma_start3A_110 : memref<256x128xf32, #tpu.memory_space<hbm>>) target_semaphore(%arg10 : memref<!tpu.dma_semaphore, #tpu.memory_space<semaphore_mem>>)
      %add3A_115 = arith.constant 1 : i32
      %add3A_116 = arith.addi %add3A_71, %add3A_115 : i32
      %dma_wait3A_117 = arith.constant 1 : i32
      %dma_wait3A_118 = arith.constant 0 : i32
      %dma_wait3A_119 = arith.constant 0 : i32
      %dma_wait3A_120 = tpu.memref_slice %arg5[%dma_wait3A_117, %dma_wait3A_118, %dma_wait3A_119] : memref<2x16x128xf32, #tpu.memory_space<vmem>> -> memref<1x16x128xf32, #tpu.memory_space<vmem>>
      %dma_wait3A_121 = tpu.memref_squeeze %dma_wait3A_120 : memref<1x16x128xf32, #tpu.memory_space<vmem>> -> memref<16x128xf32, #tpu.memory_space<vmem>>
      %dma_wait3A_122 = arith.constant 0 : i32
      %dma_wait3A_123 = arith.constant 0 : i32
      %dma_wait3A_124 = tpu.memref_slice %arg2[%dma_wait3A_122, %dma_wait3A_123] : memref<32768x128xf32, #tpu.memory_space<hbm>> -> memref<16x128xf32, #tpu.memory_space<hbm>>
      %dma_wait3A_125 = arith.constant 0 : i32
      %dma_wait3A_126 = arith.constant 0 : i32
      %dma_wait3A_127 = tpu.memref_slice %arg5[%dma_wait3A_117, %dma_wait3A_125, %dma_wait3A_126] : memref<2x16x128xf32, #tpu.memory_space<vmem>> -> memref<1x16x128xf32, #tpu.memory_space<vmem>>
      %dma_wait3A_128 = tpu.memref_squeeze %dma_wait3A_127 : memref<1x16x128xf32, #tpu.memory_space<vmem>> -> memref<16x128xf32, #tpu.memory_space<vmem>>
      %dma_wait3A_129 = arith.constant 0 : i32
      %dma_wait3A_130 = arith.constant 0 : i32
      %dma_wait3A_131 = tpu.memref_slice %arg2[%dma_wait3A_129, %dma_wait3A_130] : memref<32768x128xf32, #tpu.memory_space<hbm>> -> memref<16x128xf32, #tpu.memory_space<hbm>>
      tpu.wait_dma2 semaphore(%arg9 : memref<!tpu.dma_semaphore, #tpu.memory_space<semaphore_mem>>) src(%dma_wait3A_131 : memref<16x128xf32, #tpu.memory_space<hbm>>) dst(%dma_wait3A_128 : memref<16x128xf32, #tpu.memory_space<vmem>>)
      %ge3A_132 = arith.constant 2 : i32
      %ge3A_133 = arith.cmpi sge, %add3A_116, %ge3A_132 : i32
      %convert_element_type3A_134 = arith.extui %ge3A_133 : i1 to i32
      %cond3A_135 = arith.constant 0 : i32
      %cond3A_136 = arith.cmpi ne, %convert_element_type3A_134, %cond3A_135 : i32
      scf.if %cond3A_136 {
        %dma_wait3A_163 = arith.constant 1 : i32
        %dma_wait3A_164 = arith.constant 0 : i32
        %dma_wait3A_165 = arith.constant 0 : i32
        %dma_wait3A_166 = tpu.memref_slice %arg6[%dma_wait3A_163, %dma_wait3A_164, %dma_wait3A_165] : memref<2x256x128xf32, #tpu.memory_space<vmem>> -> memref<1x256x128xf32, #tpu.memory_space<vmem>>
        %dma_wait3A_167 = tpu.memref_squeeze %dma_wait3A_166 : memref<1x256x128xf32, #tpu.memory_space<vmem>> -> memref<256x128xf32, #tpu.memory_space<vmem>>
        %dma_wait3A_168 = arith.constant 0 : i32
        %dma_wait3A_169 = arith.constant 0 : i32
        %dma_wait3A_170 = tpu.memref_slice %arg4[%dma_wait3A_168, %dma_wait3A_169] : memref<524288x128xf32, #tpu.memory_space<hbm>> -> memref<256x128xf32, #tpu.memory_space<hbm>>
        %dma_wait3A_171 = arith.constant 0 : i32
        %dma_wait3A_172 = arith.constant 0 : i32
        %dma_wait3A_173 = tpu.memref_slice %arg4[%dma_wait3A_171, %dma_wait3A_172] : memref<524288x128xf32, #tpu.memory_space<hbm>> -> memref<256x128xf32, #tpu.memory_space<hbm>>
        %dma_wait3A_174 = arith.constant 0 : i32
        %dma_wait3A_175 = arith.constant 0 : i32
        %dma_wait3A_176 = tpu.memref_slice %arg6[%dma_wait3A_163, %dma_wait3A_174, %dma_wait3A_175] : memref<2x256x128xf32, #tpu.memory_space<vmem>> -> memref<1x256x128xf32, #tpu.memory_space<vmem>>
        %dma_wait3A_177 = tpu.memref_squeeze %dma_wait3A_176 : memref<1x256x128xf32, #tpu.memory_space<vmem>> -> memref<256x128xf32, #tpu.memory_space<vmem>>
        tpu.wait_dma2 semaphore(%arg11 : memref<!tpu.dma_semaphore, #tpu.memory_space<semaphore_mem>>) src(%dma_wait3A_177 : memref<256x128xf32, #tpu.memory_space<vmem>>) dst(%dma_wait3A_173 : memref<256x128xf32, #tpu.memory_space<hbm>>)
      } else {
      }
      %parallel_loop3A_137 = arith.constant 0 : i32
      %parallel_loop3A_138 = arith.constant 128 : i32
      %parallel_loop3A_139 = arith.constant 1 : i32
      scf.for %parallel_loop3A_163 = %parallel_loop3A_137 to %parallel_loop3A_138 step %parallel_loop3A_139  : i32 {
        %parallel_loop3A_164 = arith.constant 3 : i32
        %parallel_loop3A_165 = arith.shrsi %parallel_loop3A_163, %parallel_loop3A_164 : i32
        %parallel_loop3A_166 = arith.constant 7 : i32
        %parallel_loop3A_167 = arith.andi %parallel_loop3A_163, %parallel_loop3A_166 : i32
        %parallel_loop3A_168 = arith.constant 16 : i32
        %parallel_loop3A_169 = arith.muli %parallel_loop3A_167, %parallel_loop3A_168 : i32
        %parallel_loop3A_170 = arith.constant 1 : i32
        %parallel_loop3A_171 = arith.index_cast %parallel_loop3A_170 : i32 to index
        %parallel_loop3A_172 = arith.index_cast %parallel_loop3A_165 : i32 to index
        %parallel_loop3A_173 = arith.index_cast %parallel_loop3A_169 : i32 to index
        %parallel_loop3A_174 = tpu.vector_load %arg5[%parallel_loop3A_171, %parallel_loop3A_172, %parallel_loop3A_173] {strides = array<i32>} : memref<2x16x128xf32, #tpu.memory_space<vmem>>, vector<16xf32>,
        %parallel_loop3A_175 = arith.constant 0.000000e+00 : f32
        %parallel_loop3A_176 = vector.broadcast %parallel_loop3A_175 : f32 to vector<16xf32>
        %parallel_loop3A_177 = arith.cmpf olt, %parallel_loop3A_174, %parallel_loop3A_176 : vector<16xf32>
        %parallel_loop3A_178 = math.absf %parallel_loop3A_174 : vector<16xf32>
        %parallel_loop3A_179 = tpu.bitcast %parallel_loop3A_178 : vector<16xf32> -> vector<16xi32>
        %parallel_loop3A_180 = arith.constant 23 : i32
        %parallel_loop3A_181 = vector.broadcast %parallel_loop3A_180 : i32 to vector<16xi32>
        %parallel_loop3A_182 = arith.shrsi %parallel_loop3A_179, %parallel_loop3A_181 : vector<16xi32>
        %parallel_loop3A_183 = arith.constant 127 : i32
        %parallel_loop3A_184 = vector.broadcast %parallel_loop3A_183 : i32 to vector<16xi32>
        %parallel_loop3A_185 = arith.subi %parallel_loop3A_182, %parallel_loop3A_184 : vector<16xi32>
        %parallel_loop3A_186 = arith.constant 8388607 : i32
        %parallel_loop3A_187 = vector.broadcast %parallel_loop3A_186 : i32 to vector<16xi32>
        %parallel_loop3A_188 = arith.andi %parallel_loop3A_179, %parallel_loop3A_187 : vector<16xi32>
        %parallel_loop3A_189 = arith.constant 1065353216 : i32
        %parallel_loop3A_190 = vector.broadcast %parallel_loop3A_189 : i32 to vector<16xi32>
        %parallel_loop3A_191 = arith.ori %parallel_loop3A_188, %parallel_loop3A_190 : vector<16xi32>
        %parallel_loop3A_192 = tpu.bitcast %parallel_loop3A_191 : vector<16xi32> -> vector<16xf32>
        %parallel_loop3A_193 = arith.constant 1.500000e+00 : f32
        %parallel_loop3A_194 = vector.broadcast %parallel_loop3A_193 : f32 to vector<16xf32>
        %parallel_loop3A_195 = arith.subf %parallel_loop3A_192, %parallel_loop3A_194 : vector<16xf32>
        %parallel_loop3A_196 = arith.constant 0.00366224209 : f32
        %parallel_loop3A_197 = vector.broadcast %parallel_loop3A_196 : f32 to vector<16xf32>
        %parallel_loop3A_198 = arith.mulf %parallel_loop3A_197, %parallel_loop3A_195 : vector<16xf32>
        %parallel_loop3A_199 = arith.constant -0.00614791736 : f32
        %parallel_loop3A_200 = vector.broadcast %parallel_loop3A_199 : f32 to vector<16xf32>
        %parallel_loop3A_201 = arith.addf %parallel_loop3A_198, %parallel_loop3A_200 : vector<16xf32>
        %parallel_loop3A_202 = arith.mulf %parallel_loop3A_201, %parallel_loop3A_195 : vector<16xf32>
        %parallel_loop3A_203 = arith.constant 0.00818367674 : f32
        %parallel_loop3A_204 = vector.broadcast %parallel_loop3A_203 : f32 to vector<16xf32>
        %parallel_loop3A_205 = arith.addf %parallel_loop3A_202, %parallel_loop3A_204 : vector<16xf32>
        %parallel_loop3A_206 = arith.mulf %parallel_loop3A_205, %parallel_loop3A_195 : vector<16xf32>
        %parallel_loop3A_207 = arith.constant -0.0143401129 : f32
        %parallel_loop3A_208 = vector.broadcast %parallel_loop3A_207 : f32 to vector<16xf32>
        %parallel_loop3A_209 = arith.addf %parallel_loop3A_206, %parallel_loop3A_208 : vector<16xf32>
        %parallel_loop3A_210 = arith.mulf %parallel_loop3A_209, %parallel_loop3A_195 : vector<16xf32>
        %parallel_loop3A_211 = arith.constant 0.0263536423 : f32
        %parallel_loop3A_212 = vector.broadcast %parallel_loop3A_211 : f32 to vector<16xf32>
        %parallel_loop3A_213 = arith.addf %parallel_loop3A_210, %parallel_loop3A_212 : vector<16xf32>
        %parallel_loop3A_214 = arith.mulf %parallel_loop3A_213, %parallel_loop3A_195 : vector<16xf32>
        %parallel_loop3A_215 = arith.constant -0.0494093411 : f32
        %parallel_loop3A_216 = vector.broadcast %parallel_loop3A_215 : f32 to vector<16xf32>
        %parallel_loop3A_217 = arith.addf %parallel_loop3A_214, %parallel_loop3A_216 : vector<16xf32>
        %parallel_loop3A_218 = arith.mulf %parallel_loop3A_217, %parallel_loop3A_195 : vector<16xf32>
        %parallel_loop3A_219 = arith.constant 0.0987649187 : f32
        %parallel_loop3A_220 = vector.broadcast %parallel_loop3A_219 : f32 to vector<16xf32>
        %parallel_loop3A_221 = arith.addf %parallel_loop3A_218, %parallel_loop3A_220 : vector<16xf32>
        %parallel_loop3A_222 = arith.mulf %parallel_loop3A_221, %parallel_loop3A_195 : vector<16xf32>
        %parallel_loop3A_223 = arith.constant -0.222221375 : f32
        %parallel_loop3A_224 = vector.broadcast %parallel_loop3A_223 : f32 to vector<16xf32>
        %parallel_loop3A_225 = arith.addf %parallel_loop3A_222, %parallel_loop3A_224 : vector<16xf32>
        %parallel_loop3A_226 = arith.mulf %parallel_loop3A_225, %parallel_loop3A_195 : vector<16xf32>
        %parallel_loop3A_227 = arith.constant 0.666666686 : f32
        %parallel_loop3A_228 = vector.broadcast %parallel_loop3A_227 : f32 to vector<16xf32>
        %parallel_loop3A_229 = arith.addf %parallel_loop3A_226, %parallel_loop3A_228 : vector<16xf32>
        %parallel_loop3A_230 = arith.mulf %parallel_loop3A_229, %parallel_loop3A_195 : vector<16xf32>
        %parallel_loop3A_231 = arith.constant 0.405465096 : f32
        %parallel_loop3A_232 = vector.broadcast %parallel_loop3A_231 : f32 to vector<16xf32>
        %parallel_loop3A_233 = arith.addf %parallel_loop3A_230, %parallel_loop3A_232 : vector<16xf32>
        %parallel_loop3A_234 = arith.sitofp %parallel_loop3A_185 : vector<16xi32> to vector<16xf32>
        %parallel_loop3A_235 = arith.constant 0.693147182 : f32
        %parallel_loop3A_236 = vector.broadcast %parallel_loop3A_235 : f32 to vector<16xf32>
        %parallel_loop3A_237 = arith.mulf %parallel_loop3A_234, %parallel_loop3A_236 : vector<16xf32>
        %parallel_loop3A_238 = arith.addf %parallel_loop3A_237, %parallel_loop3A_233 : vector<16xf32>
        %parallel_loop3A_239 = arith.constant -4.60517025 : f32
        %parallel_loop3A_240 = vector.broadcast %parallel_loop3A_239 : f32 to vector<16xf32>
        %parallel_loop3A_241 = arith.maximumf %parallel_loop3A_238, %parallel_loop3A_240 : vector<16xf32>
        %parallel_loop3A_242 = arith.constant 6.90775537 : f32
        %parallel_loop3A_243 = vector.broadcast %parallel_loop3A_242 : f32 to vector<16xf32>
        %parallel_loop3A_244 = arith.minimumf %parallel_loop3A_241, %parallel_loop3A_243 : vector<16xf32>
        %parallel_loop3A_245 = arith.constant -4.60517025 : f32
        %parallel_loop3A_246 = vector.broadcast %parallel_loop3A_245 : f32 to vector<16xf32>
        %parallel_loop3A_247 = arith.subf %parallel_loop3A_244, %parallel_loop3A_246 : vector<16xf32>
        %parallel_loop3A_248 = arith.constant 2.77948451 : f32
        %parallel_loop3A_249 = vector.broadcast %parallel_loop3A_248 : f32 to vector<16xf32>
        %parallel_loop3A_250 = arith.mulf %parallel_loop3A_247, %parallel_loop3A_249 : vector<16xf32>
        %parallel_loop3A_251 = arith.constant 3.100000e+01 : f32
        %parallel_loop3A_252 = vector.broadcast %parallel_loop3A_251 : f32 to vector<16xf32>
        %parallel_loop3A_253 = arith.addf %parallel_loop3A_250, %parallel_loop3A_252 : vector<16xf32>
        %parallel_loop3A_254 = arith.constant 3.100000e+01 : f32
        %parallel_loop3A_255 = vector.broadcast %parallel_loop3A_254 : f32 to vector<16xf32>
        %parallel_loop3A_256 = arith.subf %parallel_loop3A_255, %parallel_loop3A_250 : vector<16xf32>
        %parallel_loop3A_257 = arith.select %parallel_loop3A_177, %parallel_loop3A_253, %parallel_loop3A_256 : vector<16xi1>, vector<16xf32>
        %parallel_loop3A_258 = arith.fptosi %parallel_loop3A_257 : vector<16xf32> to vector<16xi32>
        %parallel_loop3A_259 = arith.constant 0 : i32
        %parallel_loop3A_260 = vector.broadcast %parallel_loop3A_259 : i32 to vector<16xi32>
        %parallel_loop3A_261 = arith.cmpi slt, %parallel_loop3A_258, %parallel_loop3A_260 : vector<16xi32>
        %parallel_loop3A_262 = arith.constant 65 : i32
        %parallel_loop3A_263 = vector.broadcast %parallel_loop3A_262 : i32 to vector<16xi32>
        %parallel_loop3A_264 = arith.addi %parallel_loop3A_258, %parallel_loop3A_263 : vector<16xi32>
        %parallel_loop3A_265 = arith.select %parallel_loop3A_261, %parallel_loop3A_264, %parallel_loop3A_258 : vector<16xi1>, vector<16xi32>
        %parallel_loop3A_266 = arith.constant 16 : i32
        %parallel_loop3A_267 = vector.broadcast %parallel_loop3A_266 : i32 to vector<16xi32>
        %parallel_loop3A_268 = arith.muli %parallel_loop3A_265, %parallel_loop3A_267 : vector<16xi32>
        %parallel_loop3A_269 = vector.extract_strided_slice %parallel_loop3A_268 {offsets = [0], sizes = [1], strides = [1]} : vector<16xi32> to vector<1xi32>
        %parallel_loop3A_270 = vector.extract %parallel_loop3A_269[0] : i32 from vector<1xi32>
        %parallel_loop3A_271 = vector.broadcast %parallel_loop3A_270 : i32 to vector<16xi32>
        %parallel_loop3A_272 = arith.addi %parallel_loop3A_271, %iota3A : vector<16xi32>
        %parallel_loop3A_273 = tpu.vector_load_idx %arg7[%parallel_loop3A_272] : memref<1040xf32, #tpu.memory_space<vmem>>[vector<16xi32>], vector<16xf32>,
        %parallel_loop3A_274 = arith.constant 2 : i32
        %parallel_loop3A_275 = arith.muli %parallel_loop3A_163, %parallel_loop3A_274 : i32
        %parallel_loop3A_276 = arith.constant 0 : i32
        %parallel_loop3A_277 = arith.addi %parallel_loop3A_275, %parallel_loop3A_276 : i32
        %parallel_loop3A_278 = arith.constant 1 : i32
        %parallel_loop3A_279 = arith.index_cast %parallel_loop3A_278 : i32 to index
        %parallel_loop3A_280 = arith.index_cast %parallel_loop3A_277 : i32 to index
        %parallel_loop3A_281 = arith.constant 0 : index
        %parallel_loop3A_282 = tpu.vector_load %arg6[%parallel_loop3A_279, %parallel_loop3A_280, %parallel_loop3A_281] {strides = array<i32>} : memref<2x256x128xf32, #tpu.memory_space<vmem>>, vector<16xf32>,
        tpu.vector_store %arg6[%parallel_loop3A_279, %parallel_loop3A_280, %parallel_loop3A_281], %parallel_loop3A_273 {strides = array<i32>} : memref<2x256x128xf32, #tpu.memory_space<vmem>>, vector<16xf32>,
        %parallel_loop3A_283 = vector.extract_strided_slice %parallel_loop3A_268 {offsets = [1], sizes = [1], strides = [1]} : vector<16xi32> to vector<1xi32>
        %parallel_loop3A_284 = vector.extract %parallel_loop3A_283[0] : i32 from vector<1xi32>
        %parallel_loop3A_285 = vector.broadcast %parallel_loop3A_284 : i32 to vector<16xi32>
        %parallel_loop3A_286 = arith.addi %parallel_loop3A_285, %iota3A : vector<16xi32>
        %parallel_loop3A_287 = tpu.vector_load_idx %arg7[%parallel_loop3A_286] : memref<1040xf32, #tpu.memory_space<vmem>>[vector<16xi32>], vector<16xf32>,
        %parallel_loop3A_288 = arith.constant 2 : i32
        %parallel_loop3A_289 = arith.muli %parallel_loop3A_163, %parallel_loop3A_288 : i32
        %parallel_loop3A_290 = arith.constant 0 : i32
        %parallel_loop3A_291 = arith.addi %parallel_loop3A_289, %parallel_loop3A_290 : i32
        %parallel_loop3A_292 = arith.constant 1 : i32
        %parallel_loop3A_293 = arith.index_cast %parallel_loop3A_292 : i32 to index
        %parallel_loop3A_294 = arith.index_cast %parallel_loop3A_291 : i32 to index
        %parallel_loop3A_295 = arith.constant 16 : index
        %parallel_loop3A_296 = tpu.vector_load %arg6[%parallel_loop3A_293, %parallel_loop3A_294, %parallel_loop3A_295] {strides = array<i32>} : memref<2x256x128xf32, #tpu.memory_space<vmem>>, vector<16xf32>,
        tpu.vector_store %arg6[%parallel_loop3A_293, %parallel_loop3A_294, %parallel_loop3A_295], %parallel_loop3A_287 {strides = array<i32>} : memref<2x256x128xf32, #tpu.memory_space<vmem>>, vector<16xf32>,
        %parallel_loop3A_297 = vector.extract_strided_slice %parallel_loop3A_268 {offsets = [2], sizes = [1], strides = [1]} : vector<16xi32> to vector<1xi32>
        %parallel_loop3A_298 = vector.extract %parallel_loop3A_297[0] : i32 from vector<1xi32>
        %parallel_loop3A_299 = vector.broadcast %parallel_loop3A_298 : i32 to vector<16xi32>
        %parallel_loop3A_300 = arith.addi %parallel_loop3A_299, %iota3A : vector<16xi32>
        %parallel_loop3A_301 = tpu.vector_load_idx %arg7[%parallel_loop3A_300] : memref<1040xf32, #tpu.memory_space<vmem>>[vector<16xi32>], vector<16xf32>,
        %parallel_loop3A_302 = arith.constant 2 : i32
        %parallel_loop3A_303 = arith.muli %parallel_loop3A_163, %parallel_loop3A_302 : i32
        %parallel_loop3A_304 = arith.constant 0 : i32
        %parallel_loop3A_305 = arith.addi %parallel_loop3A_303, %parallel_loop3A_304 : i32
        %parallel_loop3A_306 = arith.constant 1 : i32
        %parallel_loop3A_307 = arith.index_cast %parallel_loop3A_306 : i32 to index
        %parallel_loop3A_308 = arith.index_cast %parallel_loop3A_305 : i32 to index
        %parallel_loop3A_309 = arith.constant 32 : index
        %parallel_loop3A_310 = tpu.vector_load %arg6[%parallel_loop3A_307, %parallel_loop3A_308, %parallel_loop3A_309] {strides = array<i32>} : memref<2x256x128xf32, #tpu.memory_space<vmem>>, vector<16xf32>,
        tpu.vector_store %arg6[%parallel_loop3A_307, %parallel_loop3A_308, %parallel_loop3A_309], %parallel_loop3A_301 {strides = array<i32>} : memref<2x256x128xf32, #tpu.memory_space<vmem>>, vector<16xf32>,
        %parallel_loop3A_311 = vector.extract_strided_slice %parallel_loop3A_268 {offsets = [3], sizes = [1], strides = [1]} : vector<16xi32> to vector<1xi32>
        %parallel_loop3A_312 = vector.extract %parallel_loop3A_311[0] : i32 from vector<1xi32>
        %parallel_loop3A_313 = vector.broadcast %parallel_loop3A_312 : i32 to vector<16xi32>
        %parallel_loop3A_314 = arith.addi %parallel_loop3A_313, %iota3A : vector<16xi32>
        %parallel_loop3A_315 = tpu.vector_load_idx %arg7[%parallel_loop3A_314] : memref<1040xf32, #tpu.memory_space<vmem>>[vector<16xi32>], vector<16xf32>,
        %parallel_loop3A_316 = arith.constant 2 : i32
        %parallel_loop3A_317 = arith.muli %parallel_loop3A_163, %parallel_loop3A_316 : i32
        %parallel_loop3A_318 = arith.constant 0 : i32
        %parallel_loop3A_319 = arith.addi %parallel_loop3A_317, %parallel_loop3A_318 : i32
        %parallel_loop3A_320 = arith.constant 1 : i32
        %parallel_loop3A_321 = arith.index_cast %parallel_loop3A_320 : i32 to index
        %parallel_loop3A_322 = arith.index_cast %parallel_loop3A_319 : i32 to index
        %parallel_loop3A_323 = arith.constant 48 : index
        %parallel_loop3A_324 = tpu.vector_load %arg6[%parallel_loop3A_321, %parallel_loop3A_322, %parallel_loop3A_323] {strides = array<i32>} : memref<2x256x128xf32, #tpu.memory_space<vmem>>, vector<16xf32>,
        tpu.vector_store %arg6[%parallel_loop3A_321, %parallel_loop3A_322, %parallel_loop3A_323], %parallel_loop3A_315 {strides = array<i32>} : memref<2x256x128xf32, #tpu.memory_space<vmem>>, vector<16xf32>,
        %parallel_loop3A_325 = vector.extract_strided_slice %parallel_loop3A_268 {offsets = [4], sizes = [1], strides = [1]} : vector<16xi32> to vector<1xi32>
        %parallel_loop3A_326 = vector.extract %parallel_loop3A_325[0] : i32 from vector<1xi32>
        %parallel_loop3A_327 = vector.broadcast %parallel_loop3A_326 : i32 to vector<16xi32>
        %parallel_loop3A_328 = arith.addi %parallel_loop3A_327, %iota3A : vector<16xi32>
        %parallel_loop3A_329 = tpu.vector_load_idx %arg7[%parallel_loop3A_328] : memref<1040xf32, #tpu.memory_space<vmem>>[vector<16xi32>], vector<16xf32>,
        %parallel_loop3A_330 = arith.constant 2 : i32
        %parallel_loop3A_331 = arith.muli %parallel_loop3A_163, %parallel_loop3A_330 : i32
        %parallel_loop3A_332 = arith.constant 0 : i32
        %parallel_loop3A_333 = arith.addi %parallel_loop3A_331, %parallel_loop3A_332 : i32
        %parallel_loop3A_334 = arith.constant 1 : i32
        %parallel_loop3A_335 = arith.index_cast %parallel_loop3A_334 : i32 to index
        %parallel_loop3A_336 = arith.index_cast %parallel_loop3A_333 : i32 to index
        %parallel_loop3A_337 = arith.constant 64 : index
        %parallel_loop3A_338 = tpu.vector_load %arg6[%parallel_loop3A_335, %parallel_loop3A_336, %parallel_loop3A_337] {strides = array<i32>} : memref<2x256x128xf32, #tpu.memory_space<vmem>>, vector<16xf32>,
        tpu.vector_store %arg6[%parallel_loop3A_335, %parallel_loop3A_336, %parallel_loop3A_337], %parallel_loop3A_329 {strides = array<i32>} : memref<2x256x128xf32, #tpu.memory_space<vmem>>, vector<16xf32>,
        %parallel_loop3A_339 = vector.extract_strided_slice %parallel_loop3A_268 {offsets = [5], sizes = [1], strides = [1]} : vector<16xi32> to vector<1xi32>
        %parallel_loop3A_340 = vector.extract %parallel_loop3A_339[0] : i32 from vector<1xi32>
        %parallel_loop3A_341 = vector.broadcast %parallel_loop3A_340 : i32 to vector<16xi32>
        %parallel_loop3A_342 = arith.addi %parallel_loop3A_341, %iota3A : vector<16xi32>
        %parallel_loop3A_343 = tpu.vector_load_idx %arg7[%parallel_loop3A_342] : memref<1040xf32, #tpu.memory_space<vmem>>[vector<16xi32>], vector<16xf32>,
        %parallel_loop3A_344 = arith.constant 2 : i32
        %parallel_loop3A_345 = arith.muli %parallel_loop3A_163, %parallel_loop3A_344 : i32
        %parallel_loop3A_346 = arith.constant 0 : i32
        %parallel_loop3A_347 = arith.addi %parallel_loop3A_345, %parallel_loop3A_346 : i32
        %parallel_loop3A_348 = arith.constant 1 : i32
        %parallel_loop3A_349 = arith.index_cast %parallel_loop3A_348 : i32 to index
        %parallel_loop3A_350 = arith.index_cast %parallel_loop3A_347 : i32 to index
        %parallel_loop3A_351 = arith.constant 80 : index
        %parallel_loop3A_352 = tpu.vector_load %arg6[%parallel_loop3A_349, %parallel_loop3A_350, %parallel_loop3A_351] {strides = array<i32>} : memref<2x256x128xf32, #tpu.memory_space<vmem>>, vector<16xf32>,
        tpu.vector_store %arg6[%parallel_loop3A_349, %parallel_loop3A_350, %parallel_loop3A_351], %parallel_loop3A_343 {strides = array<i32>} : memref<2x256x128xf32, #tpu.memory_space<vmem>>, vector<16xf32>,
        %parallel_loop3A_353 = vector.extract_strided_slice %parallel_loop3A_268 {offsets = [6], sizes = [1], strides = [1]} : vector<16xi32> to vector<1xi32>
        %parallel_loop3A_354 = vector.extract %parallel_loop3A_353[0] : i32 from vector<1xi32>
        %parallel_loop3A_355 = vector.broadcast %parallel_loop3A_354 : i32 to vector<16xi32>
        %parallel_loop3A_356 = arith.addi %parallel_loop3A_355, %iota3A : vector<16xi32>
        %parallel_loop3A_357 = tpu.vector_load_idx %arg7[%parallel_loop3A_356] : memref<1040xf32, #tpu.memory_space<vmem>>[vector<16xi32>], vector<16xf32>,
        %parallel_loop3A_358 = arith.constant 2 : i32
        %parallel_loop3A_359 = arith.muli %parallel_loop3A_163, %parallel_loop3A_358 : i32
        %parallel_loop3A_360 = arith.constant 0 : i32
        %parallel_loop3A_361 = arith.addi %parallel_loop3A_359, %parallel_loop3A_360 : i32
        %parallel_loop3A_362 = arith.constant 1 : i32
        %parallel_loop3A_363 = arith.index_cast %parallel_loop3A_362 : i32 to index
        %parallel_loop3A_364 = arith.index_cast %parallel_loop3A_361 : i32 to index
        %parallel_loop3A_365 = arith.constant 96 : index
        %parallel_loop3A_366 = tpu.vector_load %arg6[%parallel_loop3A_363, %parallel_loop3A_364, %parallel_loop3A_365] {strides = array<i32>} : memref<2x256x128xf32, #tpu.memory_space<vmem>>, vector<16xf32>,
        tpu.vector_store %arg6[%parallel_loop3A_363, %parallel_loop3A_364, %parallel_loop3A_365], %parallel_loop3A_357 {strides = array<i32>} : memref<2x256x128xf32, #tpu.memory_space<vmem>>, vector<16xf32>,
        %parallel_loop3A_367 = vector.extract_strided_slice %parallel_loop3A_268 {offsets = [7], sizes = [1], strides = [1]} : vector<16xi32> to vector<1xi32>
        %parallel_loop3A_368 = vector.extract %parallel_loop3A_367[0] : i32 from vector<1xi32>
        %parallel_loop3A_369 = vector.broadcast %parallel_loop3A_368 : i32 to vector<16xi32>
        %parallel_loop3A_370 = arith.addi %parallel_loop3A_369, %iota3A : vector<16xi32>
        %parallel_loop3A_371 = tpu.vector_load_idx %arg7[%parallel_loop3A_370] : memref<1040xf32, #tpu.memory_space<vmem>>[vector<16xi32>], vector<16xf32>,
        %parallel_loop3A_372 = arith.constant 2 : i32
        %parallel_loop3A_373 = arith.muli %parallel_loop3A_163, %parallel_loop3A_372 : i32
        %parallel_loop3A_374 = arith.constant 0 : i32
        %parallel_loop3A_375 = arith.addi %parallel_loop3A_373, %parallel_loop3A_374 : i32
        %parallel_loop3A_376 = arith.constant 1 : i32
        %parallel_loop3A_377 = arith.index_cast %parallel_loop3A_376 : i32 to index
        %parallel_loop3A_378 = arith.index_cast %parallel_loop3A_375 : i32 to index
        %parallel_loop3A_379 = arith.constant 112 : index
        %parallel_loop3A_380 = tpu.vector_load %arg6[%parallel_loop3A_377, %parallel_loop3A_378, %parallel_loop3A_379] {strides = array<i32>} : memref<2x256x128xf32, #tpu.memory_space<vmem>>, vector<16xf32>,
        tpu.vector_store %arg6[%parallel_loop3A_377, %parallel_loop3A_378, %parallel_loop3A_379], %parallel_loop3A_371 {strides = array<i32>} : memref<2x256x128xf32, #tpu.memory_space<vmem>>, vector<16xf32>,
        %parallel_loop3A_381 = vector.extract_strided_slice %parallel_loop3A_268 {offsets = [8], sizes = [1], strides = [1]} : vector<16xi32> to vector<1xi32>
        %parallel_loop3A_382 = vector.extract %parallel_loop3A_381[0] : i32 from vector<1xi32>
        %parallel_loop3A_383 = vector.broadcast %parallel_loop3A_382 : i32 to vector<16xi32>
        %parallel_loop3A_384 = arith.addi %parallel_loop3A_383, %iota3A : vector<16xi32>
        %parallel_loop3A_385 = tpu.vector_load_idx %arg7[%parallel_loop3A_384] : memref<1040xf32, #tpu.memory_space<vmem>>[vector<16xi32>], vector<16xf32>,
        %parallel_loop3A_386 = arith.constant 2 : i32
        %parallel_loop3A_387 = arith.muli %parallel_loop3A_163, %parallel_loop3A_386 : i32
        %parallel_loop3A_388 = arith.constant 1 : i32
        %parallel_loop3A_389 = arith.addi %parallel_loop3A_387, %parallel_loop3A_388 : i32
        %parallel_loop3A_390 = arith.constant 1 : i32
        %parallel_loop3A_391 = arith.index_cast %parallel_loop3A_390 : i32 to index
        %parallel_loop3A_392 = arith.index_cast %parallel_loop3A_389 : i32 to index
        %parallel_loop3A_393 = arith.constant 0 : index
        %parallel_loop3A_394 = tpu.vector_load %arg6[%parallel_loop3A_391, %parallel_loop3A_392, %parallel_loop3A_393] {strides = array<i32>} : memref<2x256x128xf32, #tpu.memory_space<vmem>>, vector<16xf32>,
        tpu.vector_store %arg6[%parallel_loop3A_391, %parallel_loop3A_392, %parallel_loop3A_393], %parallel_loop3A_385 {strides = array<i32>} : memref<2x256x128xf32, #tpu.memory_space<vmem>>, vector<16xf32>,
        %parallel_loop3A_395 = vector.extract_strided_slice %parallel_loop3A_268 {offsets = [9], sizes = [1], strides = [1]} : vector<16xi32> to vector<1xi32>
        %parallel_loop3A_396 = vector.extract %parallel_loop3A_395[0] : i32 from vector<1xi32>
        %parallel_loop3A_397 = vector.broadcast %parallel_loop3A_396 : i32 to vector<16xi32>
        %parallel_loop3A_398 = arith.addi %parallel_loop3A_397, %iota3A : vector<16xi32>
        %parallel_loop3A_399 = tpu.vector_load_idx %arg7[%parallel_loop3A_398] : memref<1040xf32, #tpu.memory_space<vmem>>[vector<16xi32>], vector<16xf32>,
        %parallel_loop3A_400 = arith.constant 2 : i32
        %parallel_loop3A_401 = arith.muli %parallel_loop3A_163, %parallel_loop3A_400 : i32
        %parallel_loop3A_402 = arith.constant 1 : i32
        %parallel_loop3A_403 = arith.addi %parallel_loop3A_401, %parallel_loop3A_402 : i32
        %parallel_loop3A_404 = arith.constant 1 : i32
        %parallel_loop3A_405 = arith.index_cast %parallel_loop3A_404 : i32 to index
        %parallel_loop3A_406 = arith.index_cast %parallel_loop3A_403 : i32 to index
        %parallel_loop3A_407 = arith.constant 16 : index
        %parallel_loop3A_408 = tpu.vector_load %arg6[%parallel_loop3A_405, %parallel_loop3A_406, %parallel_loop3A_407] {strides = array<i32>} : memref<2x256x128xf32, #tpu.memory_space<vmem>>, vector<16xf32>,
        tpu.vector_store %arg6[%parallel_loop3A_405, %parallel_loop3A_406, %parallel_loop3A_407], %parallel_loop3A_399 {strides = array<i32>} : memref<2x256x128xf32, #tpu.memory_space<vmem>>, vector<16xf32>,
        %parallel_loop3A_409 = vector.extract_strided_slice %parallel_loop3A_268 {offsets = [10], sizes = [1], strides = [1]} : vector<16xi32> to vector<1xi32>
        %parallel_loop3A_410 = vector.extract %parallel_loop3A_409[0] : i32 from vector<1xi32>
        %parallel_loop3A_411 = vector.broadcast %parallel_loop3A_410 : i32 to vector<16xi32>
        %parallel_loop3A_412 = arith.addi %parallel_loop3A_411, %iota3A : vector<16xi32>
        %parallel_loop3A_413 = tpu.vector_load_idx %arg7[%parallel_loop3A_412] : memref<1040xf32, #tpu.memory_space<vmem>>[vector<16xi32>], vector<16xf32>,
        %parallel_loop3A_414 = arith.constant 2 : i32
        %parallel_loop3A_415 = arith.muli %parallel_loop3A_163, %parallel_loop3A_414 : i32
        %parallel_loop3A_416 = arith.constant 1 : i32
        %parallel_loop3A_417 = arith.addi %parallel_loop3A_415, %parallel_loop3A_416 : i32
        %parallel_loop3A_418 = arith.constant 1 : i32
        %parallel_loop3A_419 = arith.index_cast %parallel_loop3A_418 : i32 to index
        %parallel_loop3A_420 = arith.index_cast %parallel_loop3A_417 : i32 to index
        %parallel_loop3A_421 = arith.constant 32 : index
        %parallel_loop3A_422 = tpu.vector_load %arg6[%parallel_loop3A_419, %parallel_loop3A_420, %parallel_loop3A_421] {strides = array<i32>} : memref<2x256x128xf32, #tpu.memory_space<vmem>>, vector<16xf32>,
        tpu.vector_store %arg6[%parallel_loop3A_419, %parallel_loop3A_420, %parallel_loop3A_421], %parallel_loop3A_413 {strides = array<i32>} : memref<2x256x128xf32, #tpu.memory_space<vmem>>, vector<16xf32>,
        %parallel_loop3A_423 = vector.extract_strided_slice %parallel_loop3A_268 {offsets = [11], sizes = [1], strides = [1]} : vector<16xi32> to vector<1xi32>
        %parallel_loop3A_424 = vector.extract %parallel_loop3A_423[0] : i32 from vector<1xi32>
        %parallel_loop3A_425 = vector.broadcast %parallel_loop3A_424 : i32 to vector<16xi32>
        %parallel_loop3A_426 = arith.addi %parallel_loop3A_425, %iota3A : vector<16xi32>
        %parallel_loop3A_427 = tpu.vector_load_idx %arg7[%parallel_loop3A_426] : memref<1040xf32, #tpu.memory_space<vmem>>[vector<16xi32>], vector<16xf32>,
        %parallel_loop3A_428 = arith.constant 2 : i32
        %parallel_loop3A_429 = arith.muli %parallel_loop3A_163, %parallel_loop3A_428 : i32
        %parallel_loop3A_430 = arith.constant 1 : i32
        %parallel_loop3A_431 = arith.addi %parallel_loop3A_429, %parallel_loop3A_430 : i32
        %parallel_loop3A_432 = arith.constant 1 : i32
        %parallel_loop3A_433 = arith.index_cast %parallel_loop3A_432 : i32 to index
        %parallel_loop3A_434 = arith.index_cast %parallel_loop3A_431 : i32 to index
        %parallel_loop3A_435 = arith.constant 48 : index
        %parallel_loop3A_436 = tpu.vector_load %arg6[%parallel_loop3A_433, %parallel_loop3A_434, %parallel_loop3A_435] {strides = array<i32>} : memref<2x256x128xf32, #tpu.memory_space<vmem>>, vector<16xf32>,
        tpu.vector_store %arg6[%parallel_loop3A_433, %parallel_loop3A_434, %parallel_loop3A_435], %parallel_loop3A_427 {strides = array<i32>} : memref<2x256x128xf32, #tpu.memory_space<vmem>>, vector<16xf32>,
        %parallel_loop3A_437 = vector.extract_strided_slice %parallel_loop3A_268 {offsets = [12], sizes = [1], strides = [1]} : vector<16xi32> to vector<1xi32>
        %parallel_loop3A_438 = vector.extract %parallel_loop3A_437[0] : i32 from vector<1xi32>
        %parallel_loop3A_439 = vector.broadcast %parallel_loop3A_438 : i32 to vector<16xi32>
        %parallel_loop3A_440 = arith.addi %parallel_loop3A_439, %iota3A : vector<16xi32>
        %parallel_loop3A_441 = tpu.vector_load_idx %arg7[%parallel_loop3A_440] : memref<1040xf32, #tpu.memory_space<vmem>>[vector<16xi32>], vector<16xf32>,
        %parallel_loop3A_442 = arith.constant 2 : i32
        %parallel_loop3A_443 = arith.muli %parallel_loop3A_163, %parallel_loop3A_442 : i32
        %parallel_loop3A_444 = arith.constant 1 : i32
        %parallel_loop3A_445 = arith.addi %parallel_loop3A_443, %parallel_loop3A_444 : i32
        %parallel_loop3A_446 = arith.constant 1 : i32
        %parallel_loop3A_447 = arith.index_cast %parallel_loop3A_446 : i32 to index
        %parallel_loop3A_448 = arith.index_cast %parallel_loop3A_445 : i32 to index
        %parallel_loop3A_449 = arith.constant 64 : index
        %parallel_loop3A_450 = tpu.vector_load %arg6[%parallel_loop3A_447, %parallel_loop3A_448, %parallel_loop3A_449] {strides = array<i32>} : memref<2x256x128xf32, #tpu.memory_space<vmem>>, vector<16xf32>,
        tpu.vector_store %arg6[%parallel_loop3A_447, %parallel_loop3A_448, %parallel_loop3A_449], %parallel_loop3A_441 {strides = array<i32>} : memref<2x256x128xf32, #tpu.memory_space<vmem>>, vector<16xf32>,
        %parallel_loop3A_451 = vector.extract_strided_slice %parallel_loop3A_268 {offsets = [13], sizes = [1], strides = [1]} : vector<16xi32> to vector<1xi32>
        %parallel_loop3A_452 = vector.extract %parallel_loop3A_451[0] : i32 from vector<1xi32>
        %parallel_loop3A_453 = vector.broadcast %parallel_loop3A_452 : i32 to vector<16xi32>
        %parallel_loop3A_454 = arith.addi %parallel_loop3A_453, %iota3A : vector<16xi32>
        %parallel_loop3A_455 = tpu.vector_load_idx %arg7[%parallel_loop3A_454] : memref<1040xf32, #tpu.memory_space<vmem>>[vector<16xi32>], vector<16xf32>,
        %parallel_loop3A_456 = arith.constant 2 : i32
        %parallel_loop3A_457 = arith.muli %parallel_loop3A_163, %parallel_loop3A_456 : i32
        %parallel_loop3A_458 = arith.constant 1 : i32
        %parallel_loop3A_459 = arith.addi %parallel_loop3A_457, %parallel_loop3A_458 : i32
        %parallel_loop3A_460 = arith.constant 1 : i32
        %parallel_loop3A_461 = arith.index_cast %parallel_loop3A_460 : i32 to index
        %parallel_loop3A_462 = arith.index_cast %parallel_loop3A_459 : i32 to index
        %parallel_loop3A_463 = arith.constant 80 : index
        %parallel_loop3A_464 = tpu.vector_load %arg6[%parallel_loop3A_461, %parallel_loop3A_462, %parallel_loop3A_463] {strides = array<i32>} : memref<2x256x128xf32, #tpu.memory_space<vmem>>, vector<16xf32>,
        tpu.vector_store %arg6[%parallel_loop3A_461, %parallel_loop3A_462, %parallel_loop3A_463], %parallel_loop3A_455 {strides = array<i32>} : memref<2x256x128xf32, #tpu.memory_space<vmem>>, vector<16xf32>,
        %parallel_loop3A_465 = vector.extract_strided_slice %parallel_loop3A_268 {offsets = [14], sizes = [1], strides = [1]} : vector<16xi32> to vector<1xi32>
        %parallel_loop3A_466 = vector.extract %parallel_loop3A_465[0] : i32 from vector<1xi32>
        %parallel_loop3A_467 = vector.broadcast %parallel_loop3A_466 : i32 to vector<16xi32>
        %parallel_loop3A_468 = arith.addi %parallel_loop3A_467, %iota3A : vector<16xi32>
        %parallel_loop3A_469 = tpu.vector_load_idx %arg7[%parallel_loop3A_468] : memref<1040xf32, #tpu.memory_space<vmem>>[vector<16xi32>], vector<16xf32>,
        %parallel_loop3A_470 = arith.constant 2 : i32
        %parallel_loop3A_471 = arith.muli %parallel_loop3A_163, %parallel_loop3A_470 : i32
        %parallel_loop3A_472 = arith.constant 1 : i32
        %parallel_loop3A_473 = arith.addi %parallel_loop3A_471, %parallel_loop3A_472 : i32
        %parallel_loop3A_474 = arith.constant 1 : i32
        %parallel_loop3A_475 = arith.index_cast %parallel_loop3A_474 : i32 to index
        %parallel_loop3A_476 = arith.index_cast %parallel_loop3A_473 : i32 to index
        %parallel_loop3A_477 = arith.constant 96 : index
        %parallel_loop3A_478 = tpu.vector_load %arg6[%parallel_loop3A_475, %parallel_loop3A_476, %parallel_loop3A_477] {strides = array<i32>} : memref<2x256x128xf32, #tpu.memory_space<vmem>>, vector<16xf32>,
        tpu.vector_store %arg6[%parallel_loop3A_475, %parallel_loop3A_476, %parallel_loop3A_477], %parallel_loop3A_469 {strides = array<i32>} : memref<2x256x128xf32, #tpu.memory_space<vmem>>, vector<16xf32>,
        %parallel_loop3A_479 = vector.extract_strided_slice %parallel_loop3A_268 {offsets = [15], sizes = [1], strides = [1]} : vector<16xi32> to vector<1xi32>
        %parallel_loop3A_480 = vector.extract %parallel_loop3A_479[0] : i32 from vector<1xi32>
        %parallel_loop3A_481 = vector.broadcast %parallel_loop3A_480 : i32 to vector<16xi32>
        %parallel_loop3A_482 = arith.addi %parallel_loop3A_481, %iota3A : vector<16xi32>
        %parallel_loop3A_483 = tpu.vector_load_idx %arg7[%parallel_loop3A_482] : memref<1040xf32, #tpu.memory_space<vmem>>[vector<16xi32>], vector<16xf32>,
        %parallel_loop3A_484 = arith.constant 2 : i32
        %parallel_loop3A_485 = arith.muli %parallel_loop3A_163, %parallel_loop3A_484 : i32
        %parallel_loop3A_486 = arith.constant 1 : i32
        %parallel_loop3A_487 = arith.addi %parallel_loop3A_485, %parallel_loop3A_486 : i32
        %parallel_loop3A_488 = arith.constant 1 : i32
        %parallel_loop3A_489 = arith.index_cast %parallel_loop3A_488 : i32 to index
        %parallel_loop3A_490 = arith.index_cast %parallel_loop3A_487 : i32 to index
        %parallel_loop3A_491 = arith.constant 112 : index
        %parallel_loop3A_492 = tpu.vector_load %arg6[%parallel_loop3A_489, %parallel_loop3A_490, %parallel_loop3A_491] {strides = array<i32>} : memref<2x256x128xf32, #tpu.memory_space<vmem>>, vector<16xf32>,
        tpu.vector_store %arg6[%parallel_loop3A_489, %parallel_loop3A_490, %parallel_loop3A_491], %parallel_loop3A_483 {strides = array<i32>} : memref<2x256x128xf32, #tpu.memory_space<vmem>>, vector<16xf32>,
      } {sc.loop_unroll_factor = 2 : i64, sc.parallel_access}
      %add3A_140 = arith.constant 2 : i32
      %add3A_141 = arith.addi %add3A_116, %add3A_140 : i32
      %lt3A_142 = arith.constant 64 : i32
      %lt3A_143 = arith.cmpi slt, %add3A_141, %lt3A_142 : i32
      %convert_element_type3A_144 = arith.extui %lt3A_143 : i1 to i32
      %cond3A_145 = arith.constant 0 : i32
      %cond3A_146 = arith.cmpi ne, %convert_element_type3A_144, %cond3A_145 : i32
      scf.if %cond3A_146 {
        %add3A_163 = arith.constant 2 : i32
        %add3A_164 = arith.addi %add3A_116, %add3A_163 : i32
        %mul3A_165 = arith.constant 16 : i32
        %mul3A_166 = arith.muli %add3A_164, %mul3A_165 : i32
        %add3A_167 = arith.addi %mul3A_2, %mul3A_166 : i32
        %dma_start3A_168 = arith.constant 1 : i32
        %dma_start3A_169 = arith.constant 0 : i32
        %dma_start3A_170 = arith.constant 0 : i32
        %dma_start3A_171 = tpu.memref_slice %arg5[%dma_start3A_168, %dma_start3A_169, %dma_start3A_170] : memref<2x16x128xf32, #tpu.memory_space<vmem>> -> memref<1x16x128xf32, #tpu.memory_space<vmem>>
        %dma_start3A_172 = tpu.memref_squeeze %dma_start3A_171 : memref<1x16x128xf32, #tpu.memory_space<vmem>> -> memref<16x128xf32, #tpu.memory_space<vmem>>
        %dma_start3A_173 = arith.constant 0 : i32
        %dma_start3A_174 = tpu.memref_slice %arg2[%add3A_167, %dma_start3A_173] : memref<32768x128xf32, #tpu.memory_space<hbm>> -> memref<16x128xf32, #tpu.memory_space<hbm>>
        %dma_start3A_175 = arith.constant 0 : i32
        %dma_start3A_176 = arith.constant 0 : i32
        %dma_start3A_177 = tpu.memref_slice %arg5[%dma_start3A_168, %dma_start3A_175, %dma_start3A_176] : memref<2x16x128xf32, #tpu.memory_space<vmem>> -> memref<1x16x128xf32, #tpu.memory_space<vmem>>
        %dma_start3A_178 = tpu.memref_squeeze %dma_start3A_177 : memref<1x16x128xf32, #tpu.memory_space<vmem>> -> memref<16x128xf32, #tpu.memory_space<vmem>>
        %dma_start3A_179 = arith.constant 0 : i32
        %dma_start3A_180 = tpu.memref_slice %arg2[%add3A_167, %dma_start3A_179] : memref<32768x128xf32, #tpu.memory_space<hbm>> -> memref<16x128xf32, #tpu.memory_space<hbm>>
        tpu.enqueue_dma source(%dma_start3A_180 : memref<16x128xf32, #tpu.memory_space<hbm>>) target(%dma_start3A_178 : memref<16x128xf32, #tpu.memory_space<vmem>>) target_semaphore(%arg9 : memref<!tpu.dma_semaphore, #tpu.memory_space<semaphore_mem>>)
      } else {
      }
      %mul3A_147 = arith.constant 256 : i32
      %mul3A_148 = arith.muli %add3A_116, %mul3A_147 : i32
      %add3A_149 = arith.addi %mul3A_4, %mul3A_148 : i32
      %dma_start3A_150 = arith.constant 1 : i32
      %dma_start3A_151 = arith.constant 0 : i32
      %dma_start3A_152 = arith.constant 0 : i32
      %dma_start3A_153 = tpu.memref_slice %arg6[%dma_start3A_150, %dma_start3A_151, %dma_start3A_152] : memref<2x256x128xf32, #tpu.memory_space<vmem>> -> memref<1x256x128xf32, #tpu.memory_space<vmem>>
      %dma_start3A_154 = tpu.memref_squeeze %dma_start3A_153 : memref<1x256x128xf32, #tpu.memory_space<vmem>> -> memref<256x128xf32, #tpu.memory_space<vmem>>
      %dma_start3A_155 = arith.constant 0 : i32
      %dma_start3A_156 = tpu.memref_slice %arg4[%add3A_149, %dma_start3A_155] : memref<524288x128xf32, #tpu.memory_space<hbm>> -> memref<256x128xf32, #tpu.memory_space<hbm>>
      %dma_start3A_157 = arith.constant 0 : i32
      %dma_start3A_158 = tpu.memref_slice %arg4[%add3A_149, %dma_start3A_157] : memref<524288x128xf32, #tpu.memory_space<hbm>> -> memref<256x128xf32, #tpu.memory_space<hbm>>
      %dma_start3A_159 = arith.constant 0 : i32
      %dma_start3A_160 = arith.constant 0 : i32
      %dma_start3A_161 = tpu.memref_slice %arg6[%dma_start3A_150, %dma_start3A_159, %dma_start3A_160] : memref<2x256x128xf32, #tpu.memory_space<vmem>> -> memref<1x256x128xf32, #tpu.memory_space<vmem>>
      %dma_start3A_162 = tpu.memref_squeeze %dma_start3A_161 : memref<1x256x128xf32, #tpu.memory_space<vmem>> -> memref<256x128xf32, #tpu.memory_space<vmem>>
      tpu.enqueue_dma source(%dma_start3A_162 : memref<256x128xf32, #tpu.memory_space<vmem>>) target(%dma_start3A_158 : memref<256x128xf32, #tpu.memory_space<hbm>>) target_semaphore(%arg11 : memref<!tpu.dma_semaphore, #tpu.memory_space<semaphore_mem>>)
    }
    %scan3A_37 = arith.constant 32 : i32
    %dma_wait3A = arith.constant 0 : i32
    %dma_wait3A_38 = arith.constant 0 : i32
    %dma_wait3A_39 = arith.constant 0 : i32
    %dma_wait3A_40 = tpu.memref_slice %arg6[%dma_wait3A, %dma_wait3A_38, %dma_wait3A_39] : memref<2x256x128xf32, #tpu.memory_space<vmem>> -> memref<1x256x128xf32, #tpu.memory_space<vmem>>
    %dma_wait3A_41 = tpu.memref_squeeze %dma_wait3A_40 : memref<1x256x128xf32, #tpu.memory_space<vmem>> -> memref<256x128xf32, #tpu.memory_space<vmem>>
    %dma_wait3A_42 = arith.constant 0 : i32
    %dma_wait3A_43 = arith.constant 0 : i32
    %dma_wait3A_44 = tpu.memref_slice %arg4[%dma_wait3A_42, %dma_wait3A_43] : memref<524288x128xf32, #tpu.memory_space<hbm>> -> memref<256x128xf32, #tpu.memory_space<hbm>>
    %dma_wait3A_45 = arith.constant 0 : i32
    %dma_wait3A_46 = arith.constant 0 : i32
    %dma_wait3A_47 = tpu.memref_slice %arg4[%dma_wait3A_45, %dma_wait3A_46] : memref<524288x128xf32, #tpu.memory_space<hbm>> -> memref<256x128xf32, #tpu.memory_space<hbm>>
    %dma_wait3A_48 = arith.constant 0 : i32
    %dma_wait3A_49 = arith.constant 0 : i32
    %dma_wait3A_50 = tpu.memref_slice %arg6[%dma_wait3A, %dma_wait3A_48, %dma_wait3A_49] : memref<2x256x128xf32, #tpu.memory_space<vmem>> -> memref<1x256x128xf32, #tpu.memory_space<vmem>>
    %dma_wait3A_51 = tpu.memref_squeeze %dma_wait3A_50 : memref<1x256x128xf32, #tpu.memory_space<vmem>> -> memref<256x128xf32, #tpu.memory_space<vmem>>
    tpu.wait_dma2 semaphore(%arg10 : memref<!tpu.dma_semaphore, #tpu.memory_space<semaphore_mem>>) src(%dma_wait3A_51 : memref<256x128xf32, #tpu.memory_space<vmem>>) dst(%dma_wait3A_47 : memref<256x128xf32, #tpu.memory_space<hbm>>)
    %dma_wait3A_52 = arith.constant 1 : i32
    %dma_wait3A_53 = arith.constant 0 : i32
    %dma_wait3A_54 = arith.constant 0 : i32
    %dma_wait3A_55 = tpu.memref_slice %arg6[%dma_wait3A_52, %dma_wait3A_53, %dma_wait3A_54] : memref<2x256x128xf32, #tpu.memory_space<vmem>> -> memref<1x256x128xf32, #tpu.memory_space<vmem>>
    %dma_wait3A_56 = tpu.memref_squeeze %dma_wait3A_55 : memref<1x256x128xf32, #tpu.memory_space<vmem>> -> memref<256x128xf32, #tpu.memory_space<vmem>>
    %dma_wait3A_57 = arith.constant 0 : i32
    %dma_wait3A_58 = arith.constant 0 : i32
    %dma_wait3A_59 = tpu.memref_slice %arg4[%dma_wait3A_57, %dma_wait3A_58] : memref<524288x128xf32, #tpu.memory_space<hbm>> -> memref<256x128xf32, #tpu.memory_space<hbm>>
    %dma_wait3A_60 = arith.constant 0 : i32
    %dma_wait3A_61 = arith.constant 0 : i32
    %dma_wait3A_62 = tpu.memref_slice %arg4[%dma_wait3A_60, %dma_wait3A_61] : memref<524288x128xf32, #tpu.memory_space<hbm>> -> memref<256x128xf32, #tpu.memory_space<hbm>>
    %dma_wait3A_63 = arith.constant 0 : i32
    %dma_wait3A_64 = arith.constant 0 : i32
    %dma_wait3A_65 = tpu.memref_slice %arg6[%dma_wait3A_52, %dma_wait3A_63, %dma_wait3A_64] : memref<2x256x128xf32, #tpu.memory_space<vmem>> -> memref<1x256x128xf32, #tpu.memory_space<vmem>>
    %dma_wait3A_66 = tpu.memref_squeeze %dma_wait3A_65 : memref<1x256x128xf32, #tpu.memory_space<vmem>> -> memref<256x128xf32, #tpu.memory_space<vmem>>
    tpu.wait_dma2 semaphore(%arg11 : memref<!tpu.dma_semaphore, #tpu.memory_space<semaphore_mem>>) src(%dma_wait3A_66 : memref<256x128xf32, #tpu.memory_space<vmem>>) dst(%dma_wait3A_62 : memref<256x128xf32, #tpu.memory_space<hbm>>)
    return
  }
}

</mosaic_0001>

<sc_bundles>
// kernel: _run.3.cloned.1.call-start
scs
__scs_entry_jumppad:
0x0: {  	(pc) =	sbr.rel $0x88, $3  }
0x1: {  	(tag) =	ssettag $0x0;
	lr =	simm.s32 $0x1  }
0x2: {  	[smem:$0x3F9F] =	sst lr;
	_ =	strace $0xD0000000  }
0x3: {  	_ = 	snop  }
0x4: {  	_ = 	snop  }
0x5: {  	_ = 	snop  }
0x6: {  	_ = 	snop  }
0x7: {  	_ = 	snop  }
__scs_overlays_trampoline_lowered:
0x8: {  	[smem:$0x3FAE] =	sst s0  }
0x9: {  	[smem:$0x3FAF] =	sst s1  }
0xa: {  	[smem:$0x3FB0] =	sst s2  }
0xb: {  	[smem:$0x3FB1] =	sst s3  }
0xc: {  	[smem:$0x3FB2] =	sst s4  }
0xd: {  	[smem:$0x3FB3] =	sst s5  }
0xe: {  	[smem:$0x3FB4] =	sst s6  }
0xf: {  	[smem:$0x3FB5] =	sst s7  }
0x10: {  	[smem:$0x3FB6] =	sst s8  }
0x11: {  	[smem:$0x3FB7] =	sst s9;
	s0 =	simm.s32 @!p0 $0x0  }
0x12: {  	s1 =	sld [smem:$0x3F9D];
	s0 =	simm.s32 @p0 $0x1  }
0x13: {  	[smem:$0x3FB8] =	sst s0;
	s0 =	simm.s32 @!p1 $0x0  }
0x14: {  	s2 =	sld [smem:$0x3F9C];
	s0 =	simm.s32 @p1 $0x1  }
0x15: {  	[smem:$0x3FB9] =	sst s0;
	s0 =	simm.s32 @!p2 $0x0  }
0x16: {  	s3 =	sld [smem:$0x3FDB];
	s0 =	simm.s32 @p2 $0x1  }
0x17: {  	s4 =	simm.s32 $0x1BF5;
	[smem:$0x3FBB] =	sst s0  }
0x18: {  	s0 =	sld [smem:$0x3F9E];
	_ =	swait.ge [sflag:s4], $0x0  }
0x19: {  	s7 =	sld [smem:$0x3F9F]  }
0x1a: {  	s8 =	sadd.s32 $0xFFFFE003, lr  }
0x1b: {  	s9 =	sadd.s32 $0xFFFFFEF7, lr;
	s5 =	simm.s32 $0xFFFFFFFF;
	p2 =	slt.u32 s8, $0xFFFFF086  }
0x1c: {  	p1 =	slt.u32 s9, $0xF7A;
	s5 =	simm.s32 @!p2 $0x0  }
0x1d: {  	s5 =	simm.s32 @p1 $0x1;
	p0 =	seq.s32 s7, s2  }
0x1e: {  	s7 =	smul.u32 @!p0 $0xF7A, s2;
	p2 =	seq.s32 @!p0 s5, $0x0  }
0x1f: {  	s9 =	smul.u32 $0xF7A, s1;
	s8 =	simm.s32 @!p0 $0x1BF5;
	p2 =	por !p2, p0  }
0x20: {  	[sflag:s8] =	ssyncset.s32 @!p0 $0xFFFFF086;
	s6 =	sadd.s32 @!p0 s3, s7;
	s7 =	simm.s32 @!p0 $0x108  }
0x21: {  	s3 =	sadd.s32 s3, s9;
	s6 =	sadd.s32 @!p0 $0x88, s6;
	s7 =	simm.s32 @p2 $0x1082  }
0x22: {  	[simem:s7], [sflag:s8] =	dma.local @!p0 [hbm:s6], $0xF7A  }
0x23: {  	s9 =	sor.u32 $0xD0000000, s2;
	s6 =	simm.s32 $0x108;
	_ =	swait.ge @!p0 [sflag:s8], $0x0  }
0x24: {  	s3 =	sadd.s32 $0x88, s3;
	s6 =	simm.s32 @!p1 $0x1082;
	[sflag:s4] =	ssyncset.s32 $0xFFFFF086  }
0x25: {  	[simem:s6], [sflag:s4] =	dma.local [hbm:s3], $0xF7A  }
0x26: {  	[smem:$0x3F9F] =	sst s1;
	(tag) =	ssettag s2;
	_ =	strace s9  }
0x27: {  	s1 =	sld [smem:$0x3FAF]  }
0x28: {  	s2 =	sld [smem:$0x3FB0]  }
0x29: {  	s4 =	sld [smem:$0x3FB2]  }
0x2a: {  	p0 =	seq.s32 s5, $0x0;
	s5 =	sld [smem:$0x3FB3]  }
0x2b: {  	s6 =	sld [smem:$0x3FB4]  }
0x2c: {  	s7 =	sld [smem:$0x3FB5]  }
0x2d: {  	s3 =	simm.s32 $0x108;
	s8 =	sld [smem:$0x3FB6]  }
0x2e: {  	s3 =	simm.s32 @!p0 $0x1082;
	s9 =	sld [smem:$0x3FB7]  }
0x2f: {  	lr =	sadd.s32 s0, s3;
	s0 =	sld [smem:$0x3FAE]  }
0x30: {  	s3 =	sld [smem:$0x3FB1]  }
0x31: {  	[smem:$0x3FBA] =	sst s10  }
0x32: {  	s10 =	sld [smem:$0x3FB8];
	_ =	sdelay $0x3  }
0x33: {  	p0 =	seq.s32 s10, $0x1;
	s10 =	sld [smem:$0x3FBA];
	_ =	sdelay $0x3  }
0x34: {  	[smem:$0x3FBA] =	sst s10  }
0x35: {  	s10 =	sld [smem:$0x3FB9];
	_ =	sdelay $0x3  }
0x36: {  	p1 =	seq.s32 s10, $0x1;
	s10 =	sld [smem:$0x3FBA];
	_ =	sdelay $0x3  }
0x37: {  	[smem:$0x3FBA] =	sst s10  }
0x38: {  	s10 =	sld [smem:$0x3FBB]  }
0x39: {  	_ = 	snop;
	(pc) =	sbr.ind lr, $3  }
0x3a: {  	_ = 	snop  }
0x3b: {  	_ = 	snop  }
0x3c: {  	p2 =	seq.s32 s10, $0x1;
	s10 =	sld [smem:$0x3FBA]  }
0x3d: {  	_ =	shalt  }
0x3e: {  	_ =	shalt  }
0x3f: {  	_ =	shalt  }
0x40: {  	_ =	shalt  }
0x41: {  	_ =	shalt  }
0x42: {  	_ =	shalt  }
0x43: {  	_ =	shalt  }
0x44: {  	_ =	shalt  }
0x45: {  	_ =	shalt  }
0x46: {  	_ =	shalt  }
0x47: {  	_ =	shalt  }
0x48: {  	_ =	shalt  }
0x49: {  	_ =	shalt  }
0x4a: {  	_ =	shalt  }
0x4b: {  	_ =	shalt  }
0x4c: {  	_ =	shalt  }
0x4d: {  	_ =	shalt  }
0x4e: {  	_ =	shalt  }
0x4f: {  	_ =	shalt  }
0x50: {  	_ =	shalt  }
0x51: {  	_ =	shalt  }
0x52: {  	_ =	shalt  }
0x53: {  	_ =	shalt  }
0x54: {  	_ =	shalt  }
0x55: {  	_ =	shalt  }
0x56: {  	_ =	shalt  }
0x57: {  	_ =	shalt  }
0x58: {  	_ =	shalt  }
0x59: {  	_ =	shalt  }
0x5a: {  	_ =	shalt  }
0x5b: {  	_ =	shalt  }
0x5c: {  	_ =	shalt  }
0x5d: {  	_ =	shalt  }
0x5e: {  	_ =	shalt  }
0x5f: {  	_ =	shalt  }
0x60: {  	_ =	shalt  }
0x61: {  	_ =	shalt  }
0x62: {  	_ =	shalt  }
0x63: {  	_ =	shalt  }
0x64: {  	_ =	shalt  }
0x65: {  	_ =	shalt  }
0x66: {  	_ =	shalt  }
0x67: {  	_ =	shalt  }
0x68: {  	_ =	shalt  }
0x69: {  	_ =	shalt  }
0x6a: {  	_ =	shalt  }
0x6b: {  	_ =	shalt  }
0x6c: {  	_ =	shalt  }
0x6d: {  	_ =	shalt  }
0x6e: {  	_ =	shalt  }
0x6f: {  	_ =	shalt  }
0x70: {  	_ =	shalt  }
0x71: {  	_ =	shalt  }
0x72: {  	_ =	shalt  }
0x73: {  	_ =	shalt  }
0x74: {  	_ =	shalt  }
0x75: {  	_ =	shalt  }
0x76: {  	_ =	shalt  }
0x77: {  	_ =	shalt  }
0x78: {  	_ =	shalt  }
0x79: {  	_ =	shalt  }
0x7a: {  	_ =	shalt  }
0x7b: {  	_ =	shalt  }
0x7c: {  	_ =	shalt  }
0x7d: {  	_ =	shalt  }
0x7e: {  	_ =	shalt  }
0x7f: {  	_ =	shalt  }
0x80: {  	_ =	shalt  }
0x81: {  	_ =	shalt  }
0x82: {  	_ =	shalt  }
0x83: {  	_ =	shalt  }
0x84: {  	_ =	shalt  }
0x85: {  	_ =	shalt  }
0x86: {  	_ =	shalt  }
0x87: {  	_ =	shalt  }
.Lfunc_end0:
.L_simem_size_0:
called_computation_lowered:
.L_overlay_start_0:
0x88: {  	s2 =	sld [smem:$0x3FD9]  }
0x89: {  	s3 =	sld [smem:$0x3FFE];
	_ =	sdelay $0x1  }
0x8a: {  	s1 =	srdreg.scid  }
0x8b: {  	s0 =	sand.u32 $0x1, s1  }
0x8c: {  	s18 =	sshll.u32 s0, $0xA;
	s2 =	sadd.s32 s3, s2  }
0x8d: {  	s2 =	sadd.s32 s2, s18  }
0x8e: {  	[smem:$0x3FC6] =	sst s2  }
0x8f: {  	_ = 	snop  }
0x90: {  	s2 =	sld [smem:$0x3FC9]  }
0x91: {  	s19 =	sld [smem:$0x3FC8]  }
0x92: {  	s4 =	sld [smem:$0x3FD0];
	(tm) =	ssettm $0x1  }
0x93: {  	s5 =	sld [smem:$0x3FFB];
	_ =	sdelay $0x3  }
0x94: {  	_ =	strace s5  }
0x95: {  	s5 =	sld [smem:$0x3FFC];
	_ =	sdelay $0x3  }
0x96: {  	_ =	strace s5  }
0x97: {  	s5 =	sld [smem:$0x3FFD];
	_ =	sdelay $0x3  }
0x98: {  	_ =	strace s5  }
0x99: {  	_ =	strace $0x8FFFFFFF  }
0x9a: {  	s20 =	sld [smem:$0x3FDB];
	_ =	sdelay $0x1  }
0x9b: {  	s6 =	simm.s32 $_scs_section_size  }
0x9c: {  	s7 =	simm.s32 $_size__tile_overlayer_lowered;
	s8 =	simm.s32 $_tile_overlayer_lowered  }
0x9d: {  	s23 =	simm.s32 $0x1BFF;
	s22 =	sshll.u32 s8, $0x1;
	s5 =	sadd.s32 s6, s20  }
0x9e: {  	s9 =	simm.s32 $0x0;
	s21 =	sshll.u32 s7, $0x1;
	s7 =	sadd.s32 s22, s5  }
0x9f: {  	[timem:s9], [sflag:s23] =	dma.local [hbm:s7], s21  }
0xa0: {  	_ =	swait.ge [sflag:s23], s21  }
0xa1: {  	s6 =	ssub.s32 $0x0, s21;
	[sflag:s23] =	ssyncset.done $0x0  }
0xa2: {  	[sflag:s23] =	ssyncadd.s32 s6;
	_ =	sdelay $0x1  }
0xa3: {  	s24 =	simm.s32 $0x1B8B  }
0xa4: {  	_ =	swait.ge [sflag:s24], $0x1  }
0xa5: {  	[sflag:s24] =	ssyncset.done $0x0  }
0xa6: {  	s25 =	simm.s32 $0x1B8E;
	[sflag:s24] =	ssyncadd.s32 $0xFFFFFFFF  }
0xa7: {  	s26 =	simm.s32 $execute0_lowered;
	[smem:$0x3FD2] =	sst s25  }
0xa8: {  	s6 =	sshll.u32 s26, $0x1;
	_ =	strace $0x80000046;
	[dreg:$0x1] =	wrdreg $0xFFFFFFFF  }
0xa9: {  	s28 =	simm.s32 $_size_execute0_lowered;
	s5 =	sadd.s32 s5, s6;
	[dreg:$0x0] =	wrdreg $0x0  }
0xaa: {  	s6 =	sshll.u32 s28, $0x1;
	[dreg:$0x2] =	wrdreg s5  }
0xab: {  	[dreg:$0x3] =	wrdreg s6  }
0xac: {  	[dreg:$0x4] =	wrdreg $0xC0  }
0xad: {  	_ =	task [dreg:s9], $0x5FFFF  }
0xae: {  	[dreg:$0x1] =	wrdreg $0xFFFFFFFF  }
0xaf: {  	[dreg:$0x0] =	wrdreg $0x60  }
0xb0: {  	[dreg:$0x2] =	wrdreg s2  }
0xb1: {  	[dreg:$0x3] =	wrdreg s19  }
0xb2: {  	[dreg:$0x4] =	wrdreg s4  }
0xb3: {  	[dreg:$0x5] =	wrdreg $0x9  }
0xb4: {  	_ =	task.clear_ibuf [dreg:s9], $0x6FFFF;
	_ =	strace $0x90000046  }
0xb5: {  	s29 =	simm.s32 $0x9;
	_ =	strace $0x80000048  }
0xb6: {  	_ =	swait.ge [sflag:s29], $0x1  }
0xb7: {  	[sflag:s29] =	ssyncadd.s32 $0xFFFFFFFF  }
0xb8: {  	_ =	strace $0x90000048  }
0xb9: {  	_ =	sfence  }
0xba: {  	s30 =	sld [smem:$0x0];
	_ =	sdelay $0x2  }
0xbb: {  	s31 =	sshll.u32 s1, $0xD;
	s1 =	sshrl.u32 s1, $0x2  }
0xbc: {  	s3 =	sand.u32 $0x4000, s31;
	s1 =	sadd.s32 s1, s30  }
0xbd: {  	s0 =	sor.u32 s3, s0;
	s1 =	sshll.u32 s1, $0x11  }
0xbe: {  	s0 =	sor.u32 s1, s0  }
0xbf: {  	s0 =	sadd.s32 $0x8F2B, s0  }
0xc0: {  	[sflag:s0] =	ssyncadd.remote.s32 $0x1  }
0xc1: {  	_ =	sfence.sel $0xFFFF  }
0xc2: {  	[dreg:$0x0] =	wrdreg $0xFFFFFFFF;
	(pc) =	sbr.abs _section_cstart, $3  }
0xc3: {  	[dreg:$0x1] =	wrdreg $0xFFFFFFFF  }
0xc4: {  	_ =	task.clear_ibuf [dreg:s9], $0x2FFFF;
	_ =	strace $0x9FFFFFFF  }
0xc5: {  	(tm) =	ssettm $0x7FFFFFFF  }
tec
execute0_lowered:
.L_overlay_start_1:
0x0: {  	(tag) =	ssettag $0x1  }
0x1: {  	s4 =	rddreg [dreg:$0x0]  }
0x2: {  	s2 =	rddreg [dreg:$0x1]  }
0x3: {  	s7 =	rddreg [dreg:$0x2]  }
0x4: {  	s0 =	rddreg [dreg:$0x3]  }
0x5: {  	s5 =	srdreg.scid;
	s1 =	stileid.u32  }
0x6: {  	s3 =	simm.s32 $0x0;
	s11 =	simm.s32 $0x5;
	s12 =	simm.s32 $0x800  }
0x7: {  	s13 =	simm.s32 $0x1;
	s14 =	simm.s32 $0x1000;
	s15 =	simm.s32 $0x2  }
0x8: {  	s16 =	simm.s32 $0x9000;
	s17 =	simm.s32 $0x3;
	s18 =	simm.s32 $0x4  }
0x9: {  	s19 =	simm.s32 $0x0;
	s5 =	sand.u32 $0x1, s5;
	s6 =	sshll.u32 s1, $0x1  }
0xa: {  	[smem:$0x7FF] =	sst s3;
	s8 =	ssub.s32 $0x2, s5;
	s5 =	sor.u32 s5, s6  }
0xb: {  	_ =	strace $0x80000047;
	s30 =	sshrl.u32 s8, $0x1;
	s9 =	sshll.u32 s5, $0xE  }
0xc: {  	s31 =	sshll.u32 s5, $0x12;
	s10 =	ssub.s32 s8, s30;
	s4 =	sadd.s32 s4, s9  }
0xd: {  	s7 =	sadd.s32 s7, s31;
	s5 =	sadd.s32 $0x100, s4;
	s6 =	sadd.s32 $0x200, s4  }
0xe: {  	v0 =	vlaneseq.u32;
	s8 =	sadd.s32 $0x300, s4;
	s9 =	smax.u32 s10, $0x1;
	s10 =	simm.s32 $0x11000  }
.LBB2_1:
0xf: {  	[tilespmem:s10], [sflag:$0x5] =	stream.linear.gather [hbm4b:s2+s3], $0x480, $0x38;
	[tilespmem:$0x11480] =	vst v63  }
0x10: {  	_ =	swait.ge [sflag:s11], $0x480  }
0x11: {  	[sflag:s11] =	ssyncset.done $0x0  }
0x12: {  	[sflag:s11] =	ssyncadd.s32 $0xFFFFFB80  }
0x13: {  	[tilespmem:s3], [sflag:$0x1] =	stream.linear.gather [hbm4b:s4+s3], $0x800, $0x38;
	[tilespmem:$0x11480] =	vst v63  }
0x14: {  	s20 =	simm.s32 $0x0  }
0x15: {  	[tilespmem:s12], [sflag:$0x2] =	stream.linear.gather [hbm4b:s5+s3], $0x800, $0x38;
	[tilespmem:$0x11480] =	vst v63  }
.LBB2_2:
0x16: {  	_ =	swait.ge [sflag:s13], $0x800  }
0x17: {  	p1 =	seq.s32 s20, $0x0;
	[sflag:s13] =	ssyncset.done $0x0  }
0x18: {  	s21 =	simm.s32 @!p1 $0x3;
	[sflag:s13] =	ssyncadd.s32 $0xFFFFF800  }
0x19: {  	s22 =	simm.s32 $0x0;
	s23 =	simm.s32 $0x10;
	_ =	swait.ge @!p1 [sflag:s21], $0x8000  }
0x1a: {  	s24 =	sand.u32 $0x780, s22;
	s23 =	sand.u32 $0x70, s23;
	[sflag:s21] =	ssyncset.done @!p1 $0x0  }
0x1b: {  	s29 =	sor.u32 s23, s24;
	[sflag:s21] =	ssyncadd.s32 @!p1 $0xFFFF8000  }
0x1c: {  	v2 =	vld [tilespmem:s29+$0x0];
	_ =	sdelay $0x4  }
0x1d: {  	v1 =	vand.u32 $0x7FFFFFFF, v2  }
0x1e: {  	v3 =	vand.u32 $0x7FFFFF, v1  }
0x1f: {  	v3 =	vor.u32 $0x3F800000, v3  }
0x20: {  	v3 =	vadd.f32 $-1.500000000e+00, v3;
	_ =	sdelay $0x1  }
0x21: {  	v4 =	vmul.f32 $3.662242090e-03, v3  }
0x22: {  	s30 =	sand.u32 $0x7E0, s22  }
0x23: {  	v5 =	vld [tilespmem:s30+$0x0];
	v4 =	vadd.f32 $-6.147917360e-03, v4;
	_ =	sdelay $0x1  }
0x24: {  	v4 =	vmul.f32 v4, v3;
	_ =	sdelay $0x1  }
0x25: {  	v4 =	vadd.f32 $8.183676740e-03, v4  }
0x26: {  	v6 =	vand.u32 $0x7FFFFFFF, v5  }
0x27: {  	v7 =	vand.u32 $0x7FFFFF, v6;
	v4 =	vmul.f32 v4, v3  }
0x28: {  	v7 =	vor.u32 $0x3F800000, v7  }
0x29: {  	v7 =	vadd.f32 $-1.500000000e+00, v7;
	v4 =	vadd.f32 $-1.434011290e-02, v4;
	_ =	sdelay $0x1  }
0x2a: {  	v8 =	vmul.f32 $3.662242090e-03, v7;
	v4 =	vmul.f32 v4, v3;
	_ =	sdelay $0x1  }
0x2b: {  	v8 =	vadd.f32 $-6.147917360e-03, v8;
	v4 =	vadd.f32 $2.635364230e-02, v4;
	_ =	sdelay $0x1  }
0x2c: {  	v8 =	vmul.f32 v8, v7;
	v4 =	vmul.f32 v4, v3;
	_ =	sdelay $0x1  }
0x2d: {  	v8 =	vadd.f32 $8.183676740e-03, v8;
	v4 =	vadd.f32 $-4.940934110e-02, v4;
	_ =	sdelay $0x1  }
0x2e: {  	v8 =	vmul.f32 v8, v7;
	v4 =	vmul.f32 v4, v3;
	_ =	sdelay $0x1  }
0x2f: {  	v8 =	vadd.f32 $-1.434011290e-02, v8;
	v4 =	vadd.f32 $9.876491870e-02, v4;
	_ =	sdelay $0x1  }
0x30: {  	v8 =	vmul.f32 v8, v7;
	v4 =	vmul.f32 v4, v3;
	_ =	sdelay $0x1  }
0x31: {  	v8 =	vadd.f32 $2.635364230e-02, v8;
	v4 =	vadd.f32 $-2.222213750e-01, v4;
	_ =	sdelay $0x1  }
0x32: {  	v8 =	vmul.f32 v8, v7;
	v4 =	vmul.f32 v4, v3  }
0x33: {  	v1 =	vshrl.u32 v1, $0x17  }
0x34: {  	s31 =	simm.s32 $0x20;
	s24 =	simm.s32 $0x30;
	v1 =	vadd.s32 $0xFFFFFF81, v1;
	v8 =	vadd.f32 $-4.940934110e-02, v8;
	v4 =	vadd.f32 $6.666666860e-01, v4  }
0x35: {  	s25 =	sand.u32 $0x780, s31;
	s22 =	sand.u32 $0x70, s24;
	v1 =	vcvt.s32.f32 v1  }
0x36: {  	s22 =	sor.u32 s22, s25;
	v3 =	vmul.f32 v4, v3;
	v4 =	vmul.f32 v8, v7  }
0x37: {  	v8 =	vmul.f32 $6.931471820e-01, v1;
	v1 =	vld [tilespmem:s22+$0x0]  }
0x38: {  	v3 =	vadd.f32 $4.054650960e-01, v3;
	v4 =	vadd.f32 $9.876491870e-02, v4;
	_ =	sdelay $0x1  }
0x39: {  	s21 =	sand.u32 $0x7E0, s31;
	v3 =	vadd.f32 v3, v8;
	v4 =	vmul.f32 v4, v7  }
0x3a: {  	v8 =	vld [tilespmem:s21+$0x0]  }
0x3b: {  	v9 =	vand.u32 $0x7FFFFFFF, v1;
	v3 =	vmax.f32 v3, $-4.605170250e+00;
	v4 =	vadd.f32 $-2.222213750e-01, v4  }
0x3c: {  	v6 =	vshrl.u32 v6, $0x17;
	v10 =	vand.u32 $0x7FFFFF, v9;
	v3 =	vmin.f32 v3, $6.907755370e+00  }
0x3d: {  	v10 =	vor.u32 $0x3F800000, v10;
	v3 =	vadd.f32 $4.605170250e+00, v3;
	v4 =	vmul.f32 v4, v7  }
0x3e: {  	vm0 =	vlt.f32 v2, $0.0e+00;
	v6 =	vadd.s32 $0xFFFFFF81, v6;
	v10 =	vadd.f32 $-1.500000000e+00, v10  }
0x3f: {  	v11 =	vand.u32 $0x7FFFFFFF, v8;
	v3 =	vmul.f32 $2.779484510e+00, v3;
	v4 =	vadd.f32 $6.666666860e-01, v4  }
0x40: {  	v6 =	vcvt.s32.f32 v6;
	v2 =	vand.u32 $0x7FFFFF, v11;
	v13 =	vmul.f32 $3.662242090e-03, v10  }
0x41: {  	v2 =	vor.u32 $0x3F800000, v2;
	v12 =	vxor.u32 $0x80000000, v3;
	v4 =	vmul.f32 v4, v7  }
0x42: {  	v14 =	vadd.f32 $-1.500000000e+00, v2;
	v2 =	vsel vm0, v3, v12;
	v3 =	vadd.f32 $-6.147917360e-03, v13  }
0x43: {  	v6 =	vmul.f32 $6.931471820e-01, v6;
	v4 =	vadd.f32 $4.054650960e-01, v4  }
0x44: {  	v2 =	vadd.f32 $3.100000000e+01, v2;
	v3 =	vmul.f32 v3, v10  }
0x45: {  	v9 =	vshrl.u32 v9, $0x17;
	v7 =	vmul.f32 $3.662242090e-03, v14;
	v4 =	vadd.f32 v4, v6  }
0x46: {  	v2 =	vtrunc.f32 v2;
	v6 =	vadd.s32 $0xFFFFFF81, v9;
	v3 =	vadd.f32 $8.183676740e-03, v3  }
0x47: {  	v7 =	vadd.f32 $-6.147917360e-03, v7;
	v2 =	vcvt.f32.s32 v2;
	v4 =	vmax.f32 v4, $-4.605170250e+00  }
0x48: {  	v12 =	vcvt.s32.f32 v6;
	v4 =	vmin.f32 v4, $6.907755370e+00;
	v3 =	vmul.f32 v3, v10  }
0x49: {  	v7 =	vmul.f32 v7, v14;
	v6 =	vshll.u32 v2, $0x4;
	v4 =	vadd.f32 $4.605170250e+00, v4  }
0x4a: {  	vm6 =	vlt.s32 v2, $0x0;
	v2 =	vadd.s32 $0x410, v6;
	v3 =	vadd.f32 $-1.434011290e-02, v3  }
0x4b: {  	v16 =	vsel vm6, v2, v6;
	v2 =	vadd.f32 $8.183676740e-03, v7;
	v4 =	vmul.f32 $2.779484510e+00, v4  }
0x4c: {  	v3 =	vmul.f32 v3, v10  }
0x4d: {  	vm7 =	vlt.f32 v5, $0.0e+00;
	v2 =	vmul.f32 v2, v14;
	v5 =	vxor.u32 $0x80000000, v4  }
0x4e: {  	v4 =	vsel vm7, v4, v5;
	v3 =	vadd.f32 $2.635364230e-02, v3  }
0x4f: {  	v2 =	vadd.f32 $-1.434011290e-02, v2;
	v4 =	vadd.f32 $3.100000000e+01, v4  }
0x50: {  	vm1 =	vlt.f32 v1, $0.0e+00;
	v3 =	vmul.f32 v3, v10  }
0x51: {  	vm9 =	vlt.f32 v8, $0.0e+00;
	v2 =	vmul.f32 v2, v14;
	v4 =	vtrunc.f32 v4  }
0x52: {  	v12 =	vmul.f32 $6.931471820e-01, v12;
	v4 =	vcvt.f32.s32 v4;
	v3 =	vadd.f32 $-4.940934110e-02, v3  }
0x53: {  	v7 =	vbroadcast v16, $0x0;
	v13 =	vbroadcast v16, $0x2;
	v2 =	vadd.f32 $2.635364230e-02, v2  }
0x54: {  	v17 =	vbroadcast v16, $0x1;
	v6 =	vshll.u32 v4, $0x4;
	v3 =	vmul.f32 v3, v10  }
0x55: {  	v2 =	vmul.f32 v2, v14;
	vm8 =	vlt.s32 v4, $0x0;
	v4 =	vadd.s32 $0x410, v6  }
0x56: {  	v19 =	vbroadcast v16, $0x3;
	v31 =	vsel vm8, v4, v6;
	v4 =	vadd.f32 $9.876491870e-02, v3  }
0x57: {  	v28 =	vbroadcast v16, $0x4;
	v29 =	vbroadcast v16, $0x6;
	v2 =	vadd.f32 $-4.940934110e-02, v2  }
0x58: {  	v24 =	vbroadcast v16, $0xC;
	v5 =	vshrl.u32 v11, $0x17;
	v4 =	vmul.f32 v4, v10  }
0x59: {  	v22 =	vor.u32 v0, v7;
	v5 =	vadd.s32 $0xFFFFFF81, v5;
	v2 =	vmul.f32 v2, v14  }
0x5a: {  	v36 =	vor.u32 v0, v17;
	v30 =	vcvt.s32.f32 v5;
	v4 =	vadd.f32 $-2.222213750e-01, v4  }
0x5b: {  	v11 =	vbroadcast v16, $0x5;
	v5 =	vbroadcast v16, $0x7;
	v2 =	vadd.f32 $9.876491870e-02, v2  }
0x5c: {  	v19 =	vor.u32 v0, v19;
	v30 =	vmul.f32 $6.931471820e-01, v30;
	v15 =	vmul.f32 v4, v10  }
0x5d: {  	s26 =	simm.s32 $0x40;
	s28 =	simm.s32 $0x50;
	v28 =	vor.u32 v0, v28;
	v3 =	vbroadcast v16, $0x8;
	v2 =	vmul.f32 v2, v14  }
0x5e: {  	s22 =	sand.u32 $0x70, s28;
	s21 =	sand.u32 $0x780, s26;
	v18 =	vbroadcast v31, $0x0;
	v20 =	vbroadcast v31, $0x1;
	v21 =	vadd.f32 $6.666666860e-01, v15  }
0x5f: {  	s21 =	sor.u32 s22, s21;
	v38 =	vld.idx.msk [tilespmem:v22+s10+$0x0], $0xffff;
	v27 =	vbroadcast v31, $0x2;
	v32 =	vbroadcast v31, $0x3;
	v2 =	vadd.f32 $-2.222213750e-01, v2  }
0x60: {  	v11 =	vor.u32 v0, v11;
	v22 =	vld [tilespmem:s21+$0x0];
	v33 =	vbroadcast v31, $0x4;
	v10 =	vmul.f32 v21, v10  }
0x61: {  	v63 =	vor.u32 v0, v5;
	v34 =	vbroadcast v31, $0x5;
	v23 =	vmul.f32 v2, v14  }
0x62: {  	v9 =	vbroadcast v31, $0x6;
	v6 =	vbroadcast v31, $0x7;
	v10 =	vadd.f32 $4.054650960e-01, v10  }
0x63: {  	v7 =	vbroadcast v31, $0xA;
	v17 =	vbroadcast v31, $0xC;
	v21 =	vadd.f32 $6.666666860e-01, v23  }
0x64: {  	s29 =	sand.u32 $0x7E0, s26;
	v25 =	vbroadcast v31, $0xD;
	v35 =	vor.u32 v0, v18;
	v10 =	vadd.f32 v10, v12  }
0x65: {  	v26 =	vbroadcast v31, $0xE;
	v51 =	vand.u32 $0x7FFFFFFF, v22;
	v14 =	vmul.f32 v21, v14;
	v21 =	vld [tilespmem:s29+$0x0]  }
0x66: {  	vm13 =	vlt.f32 v22, $0.0e+00;
	v41 =	vand.u32 $0x7FFFFF, v51;
	v10 =	vmax.f32 v10, $-4.605170250e+00  }
0x67: {  	v18 =	vbroadcast v31, $0xB;
	v37 =	vor.u32 v0, v20;
	v10 =	vmin.f32 v10, $6.907755370e+00  }
0x68: {  	v20 =	vbroadcast v16, $0xA;
	v4 =	vbroadcast v31, $0x8;
	v10 =	vadd.f32 $4.605170250e+00, v10  }
0x69: {  	s22 =	simm.s32 $0x1100;
	v15 =	vbroadcast v31, $0x9;
	v39 =	vadd.f32 $4.054650960e-01, v14;
	v14 =	vbroadcast v31, $0xF;
	v31 =	vld.idx.msk [tilespmem:v35+s10+$0x0], $0xffff  }
0x6a: {  	[tilespmem:s22+$0x0] =	vst v38;
	v40 =	vor.u32 v0, v27;
	v8 =	vand.u32 $0x7FFFFFFF, v21;
	v1 =	vmul.f32 $2.779484510e+00, v10  }
0x6b: {  	v36 =	vld.idx.msk [tilespmem:v36+s10+$0x0], $0xffff;
	v27 =	vbroadcast v16, $0xD;
	v10 =	vor.u32 v0, v29;
	v29 =	vand.u32 $0x7FFFFF, v8  }
0x6c: {  	v12 =	vor.u32 v0, v13;
	v29 =	vor.u32 $0x3F800000, v29;
	v52 =	vxor.u32 $0x80000000, v1  }
0x6d: {  	v42 =	vadd.f32 $-1.500000000e+00, v29;
	v29 =	vor.u32 $0x3F800000, v41;
	v1 =	vsel vm1, v1, v52  }
0x6e: {  	v32 =	vor.u32 v0, v32;
	[tilespmem:s22+$0xFFFFFF00] =	vst v31;
	v41 =	vadd.f32 $-1.500000000e+00, v29;
	v1 =	vadd.f32 $3.100000000e+01, v1  }
0x6f: {  	v57 =	vor.u32 v0, v34;
	v9 =	vor.u32 v0, v9;
	v29 =	vld.idx.msk [tilespmem:v37+s10+$0x0], $0xffff;
	v31 =	vmul.f32 $3.662242090e-03, v42  }
0x70: {  	[tilespmem:s22+$0x10] =	vst v36;
	v30 =	vadd.f32 v39, v30;
	v53 =	vmul.f32 $3.662242090e-03, v41;
	v1 =	vtrunc.f32 v1  }
0x71: {  	v50 =	vor.u32 v0, v6;
	v12 =	vld.idx.msk [tilespmem:v12+s10+$0x0], $0xffff;
	v31 =	vadd.f32 $-6.147917360e-03, v31;
	v1 =	vcvt.f32.s32 v1  }
0x72: {  	v20 =	vor.u32 v0, v20;
	v30 =	vmax.f32 v30, $-4.605170250e+00;
	v54 =	vadd.f32 $-6.147917360e-03, v53  }
0x73: {  	v31 =	vmul.f32 v31, v42;
	vm10 =	vlt.s32 v1, $0x0;
	v1 =	vshll.u32 v1, $0x4  }
0x74: {  	[tilespmem:s22+$0xFFFFFF10] =	vst v29;
	v29 =	vmin.f32 v30, $6.907755370e+00;
	v36 =	vmul.f32 v54, v41;
	v30 =	vadd.s32 $0x410, v1  }
0x75: {  	v55 =	vld.idx.msk [tilespmem:v40+s10+$0x0], $0xffff;
	v29 =	vadd.f32 $4.605170250e+00, v29;
	v1 =	vsel vm10, v30, v1;
	v30 =	vadd.f32 $8.183676740e-03, v31  }
0x76: {  	v2 =	vbroadcast v16, $0x9;
	v23 =	vbroadcast v16, $0xB;
	[tilespmem:s22+$0x20] =	vst v12;
	v56 =	vadd.f32 $8.183676740e-03, v36  }
0x77: {  	v35 =	vshrl.u32 v51, $0x17;
	v19 =	vld.idx.msk [tilespmem:v19+s10+$0x0], $0xffff;
	v29 =	vmul.f32 $2.779484510e+00, v29;
	v30 =	vmul.f32 v30, v42  }
0x78: {  	v13 =	vbroadcast v16, $0xE;
	v35 =	vadd.s32 $0xFFFFFF81, v35;
	v58 =	vmul.f32 v56, v41  }
0x79: {  	v8 =	vshrl.u32 v8, $0x17;
	v60 =	vxor.u32 $0x80000000, v29;
	v30 =	vadd.f32 $-1.434011290e-02, v30  }
0x7a: {  	v8 =	vadd.s32 $0xFFFFFF81, v8;
	[tilespmem:s22+$0xFFFFFF20] =	vst v55;
	v29 =	vsel vm9, v29, v60;
	v34 =	vadd.f32 $-1.434011290e-02, v58  }
0x7b: {  	v45 =	vcvt.s32.f32 v8;
	v32 =	vld.idx.msk [tilespmem:v32+s10+$0x0], $0xffff;
	v29 =	vadd.f32 $3.100000000e+01, v29;
	v30 =	vmul.f32 v30, v42  }
0x7c: {  	v12 =	vor.u32 v0, v33;
	v40 =	vcvt.s32.f32 v35;
	[tilespmem:s22+$0x30] =	vst v19;
	v34 =	vmul.f32 v34, v41  }
0x7d: {  	v31 =	vbroadcast v1, $0x0;
	v19 =	vtrunc.f32 v29;
	v29 =	vadd.f32 $2.635364230e-02, v30;
	v30 =	vld.idx.msk [tilespmem:v28+s10+$0x0], $0xffff  }
0x7e: {  	v40 =	vmul.f32 $6.931471820e-01, v40;
	v28 =	vcvt.f32.s32 v19;
	v34 =	vadd.f32 $2.635364230e-02, v34  }
0x7f: {  	v36 =	vbroadcast v1, $0x2;
	v59 =	vbroadcast v1, $0x1;
	v61 =	vor.u32 v0, v31  }
0x80: {  	[tilespmem:s22+$0xFFFFFF30] =	vst v32;
	v8 =	vmul.f32 v29, v42;
	v29 =	vshll.u32 v28, $0x4;
	v31 =	vmul.f32 v34, v41  }
0x81: {  	v43 =	vbroadcast v1, $0x3;
	v12 =	vld.idx.msk [tilespmem:v12+s10+$0x0], $0xffff;
	vm11 =	vlt.s32 v28, $0x0;
	v62 =	vadd.s32 $0x410, v29  }
0x82: {  	v8 =	vadd.f32 $-4.940934110e-02, v8;
	v46 =	vsel vm11, v62, v29;
	v29 =	vadd.f32 $-4.940934110e-02, v31;
	[tilespmem:s22+$0x40] =	vst v30  }
0x83: {  	v18 =	vor.u32 v0, v18;
	v39 =	vbroadcast v1, $0x4;
	v38 =	vbroadcast v1, $0x5;
	v11 =	vld.idx.msk [tilespmem:v11+s10+$0x0], $0xffff  }
0x84: {  	v23 =	vor.u32 v0, v23;
	v8 =	vmul.f32 v8, v42;
	v29 =	vmul.f32 v29, v41  }
0x85: {  	vm12 =	vlt.f32 v21, $0.0e+00;
	v44 =	vbroadcast v1, $0x6;
	v35 =	vbroadcast v1, $0x9  }
0x86: {  	v52 =	vor.u32 v0, v59;
	[tilespmem:s22+$0xFFFFFF40] =	vst v12;
	v8 =	vadd.f32 $9.876491870e-02, v8;
	v12 =	vadd.f32 $9.876491870e-02, v29  }
0x87: {  	v55 =	vor.u32 v0, v3;
	v22 =	vor.u32 v0, v44;
	v39 =	vor.u32 v0, v39;
	v33 =	vld.idx.msk [tilespmem:v57+s10+$0x0], $0xffff  }
0x88: {  	v38 =	vor.u32 v0, v38;
	v6 =	vmul.f32 v8, v42;
	v8 =	vmul.f32 v12, v41;
	[tilespmem:s22+$0x50] =	vst v11  }
0x89: {  	v58 =	vor.u32 v0, v36;
	v19 =	vbroadcast v1, $0x7;
	v32 =	vor.u32 v0, v13;
	v53 =	vld.idx.msk [tilespmem:v10+s10+$0x0], $0xffff  }
0x8a: {  	v37 =	vld.idx.msk [tilespmem:v61+s10+$0x0], $0xffff;
	v13 =	vbroadcast v1, $0xD;
	v30 =	vbroadcast v46, $0x0;
	v8 =	vadd.f32 $-2.222213750e-01, v8  }
0x8b: {  	v36 =	vor.u32 v0, v27;
	v28 =	vbroadcast v1, $0x8;
	v5 =	vbroadcast v46, $0x1  }
0x8c: {  	v47 =	vbroadcast v46, $0x2;
	v51 =	vor.u32 v0, v30;
	[tilespmem:s22+$0xFFFFFF50] =	vst v33;
	v8 =	vmul.f32 v8, v41  }
0x8d: {  	v28 =	vor.u32 v0, v28;
	v48 =	vbroadcast v46, $0x3;
	v49 =	vbroadcast v46, $0x4;
	v33 =	vld.idx.msk [tilespmem:v9+s10+$0x0], $0xffff  }
0x8e: {  	s23 =	simm.s32 $0x1300;
	v34 =	vbroadcast v46, $0x5;
	v31 =	vbroadcast v46, $0x6;
	v57 =	vadd.f32 $6.666666860e-01, v8;
	[tilespmem:s22+$0x60] =	vst v53  }
0x8f: {  	v3 =	vbroadcast v46, $0xB;
	[tilespmem:s23+$0x0] =	vst v37;
	v37 =	vor.u32 v0, v26;
	v26 =	vor.u32 v0, v7;
	v60 =	vld.idx.msk [tilespmem:v63+s10+$0x0], $0xffff  }
0x90: {  	v30 =	vbroadcast v46, $0x7;
	v54 =	vor.u32 v0, v5;
	v61 =	vmul.f32 v57, v41  }
0x91: {  	v29 =	vbroadcast v46, $0x8;
	v12 =	vbroadcast v1, $0xA;
	v11 =	vadd.f32 $-2.222213750e-01, v6;
	v51 =	vld.idx.msk [tilespmem:v51+s10+$0x0], $0xffff  }
0x92: {  	s30 =	simm.s32 $0x60;
	v10 =	vbroadcast v46, $0x9;
	v6 =	vbroadcast v46, $0xA;
	v63 =	vld.idx.msk [tilespmem:v52+s10+$0x0], $0xffff;
	[tilespmem:s22+$0xFFFFFF60] =	vst v33;
	v62 =	vadd.f32 $4.054650960e-01, v61  }
0x93: {  	s25 =	simm.s32 $0x70;
	s31 =	sand.u32 $0x7E0, s30;
	v47 =	vor.u32 v0, v47;
	v5 =	vmul.f32 v11, v42;
	v11 =	vbroadcast v1, $0xB;
	v50 =	vld.idx.msk [tilespmem:v50+s10+$0x0], $0xffff  }
0x94: {  	s25 =	sand.u32 $0x70, s25;
	s21 =	sand.u32 $0x780, s30;
	v53 =	vor.u32 v0, v4;
	v27 =	vadd.f32 v62, v40;
	v40 =	vor.u32 v0, v15;
	v15 =	vld [tilespmem:s31+$0x0];
	[tilespmem:s22+$0x70] =	vst v60  }
0x95: {  	s21 =	sor.u32 s25, s21;
	v9 =	vbroadcast v1, $0xC;
	v56 =	vadd.f32 $6.666666860e-01, v5;
	v33 =	vor.u32 v0, v25;
	v25 =	vld.idx.msk [tilespmem:v55+s10+$0x0], $0xffff  }
0x96: {  	v5 =	vbroadcast v46, $0xC;
	v8 =	vbroadcast v46, $0xD;
	[tilespmem:s23+$0xFFFFFF00] =	vst v51;
	v55 =	vor.u32 v0, v17;
	v17 =	vld [tilespmem:s21+$0x0]  }
0x97: {  	v4 =	vbroadcast v46, $0xE;
	v52 =	vor.u32 v0, v24;
	[tilespmem:s23+$0x10] =	vst v63;
	v24 =	vmax.f32 v27, $-4.605170250e+00;
	v27 =	vld.idx.msk [tilespmem:v54+s10+$0x0], $0xffff  }
0x98: {  	v42 =	vmul.f32 v56, v42;
	v57 =	vor.u32 v0, v2;
	v60 =	vld.idx.msk [tilespmem:v58+s10+$0x0], $0xffff;
	v24 =	vmin.f32 v24, $6.907755370e+00;
	[tilespmem:s22+$0xFFFFFF70] =	vst v50  }
0x99: {  	v2 =	vbroadcast v46, $0xF;
	v56 =	vmul.f32 $6.931471820e-01, v45;
	v7 =	vadd.f32 $4.605170250e+00, v24;
	v21 =	vld.idx.msk [tilespmem:v53+s10+$0x0], $0xffff  }
0x9a: {  	v24 =	vor.u32 v0, v48;
	v48 =	vor.u32 v0, v43;
	v44 =	vand.u32 $0x7FFFFFFF, v15  }
0x9b: {  	v41 =	vbroadcast v1, $0xE;
	v7 =	vmul.f32 $2.779484510e+00, v7;
	v59 =	vand.u32 $0x7FFFFF, v44;
	[tilespmem:s22+$0x80] =	vst v25  }
0x9c: {  	v42 =	vadd.f32 $4.054650960e-01, v42;
	v25 =	vor.u32 $0x3F800000, v59;
	v61 =	vand.u32 $0x7FFFFFFF, v17;
	[tilespmem:s23+$0xFFFFFF10] =	vst v27  }
0x9d: {  	[tilespmem:s23+$0x20] =	vst v60;
	v62 =	vxor.u32 $0x80000000, v7;
	v63 =	vld.idx.msk [tilespmem:v57+s10+$0x0], $0xffff;
	v43 =	vadd.f32 $-1.500000000e+00, v25;
	v25 =	vand.u32 $0x7FFFFF, v61  }
0x9e: {  	v27 =	vld.idx.msk [tilespmem:v47+s10+$0x0], $0xffff;
	v7 =	vsel vm13, v7, v62;
	v25 =	vor.u32 $0x3F800000, v25;
	[tilespmem:s22+$0xFFFFFF80] =	vst v21;
	v21 =	vshrl.u32 v61, $0x17  }
0x9f: {  	v48 =	vld.idx.msk [tilespmem:v48+s10+$0x0], $0xffff;
	v7 =	vadd.f32 $3.100000000e+01, v7;
	v45 =	vadd.f32 $-1.500000000e+00, v25;
	v21 =	vadd.s32 $0xFFFFFF81, v21  }
0xa0: {  	v56 =	vadd.f32 v42, v56;
	v54 =	vmul.f32 $3.662242090e-03, v43;
	v25 =	vld.idx.msk [tilespmem:v40+s10+$0x0], $0xffff;
	v46 =	vcvt.s32.f32 v21  }
0xa1: {  	v34 =	vor.u32 v0, v34;
	v7 =	vtrunc.f32 v7;
	v58 =	vmul.f32 $3.662242090e-03, v45  }
0xa2: {  	v21 =	vmax.f32 v56, $-4.605170250e+00;
	v47 =	vadd.f32 $-6.147917360e-03, v54;
	v7 =	vcvt.f32.s32 v7;
	[tilespmem:s22+$0x90] =	vst v63  }
0xa3: {  	v57 =	vor.u32 v0, v49;
	v21 =	vmin.f32 v21, $6.907755370e+00;
	[tilespmem:s23+$0xFFFFFF20] =	vst v27;
	v20 =	vld.idx.msk [tilespmem:v20+s10+$0x0], $0xffff;
	v59 =	vadd.f32 $-6.147917360e-03, v58  }
0xa4: {  	v27 =	vmul.f32 v47, v43;
	v24 =	vld.idx.msk [tilespmem:v24+s10+$0x0], $0xffff;
	[tilespmem:s23+$0x30] =	vst v48;
	vm14 =	vlt.s32 v7, $0x0;
	v7 =	vshll.u32 v7, $0x4  }
0xa5: {  	v21 =	vadd.f32 $4.605170250e+00, v21;
	[tilespmem:s22+$0xFFFFFF90] =	vst v25;
	v39 =	vld.idx.msk [tilespmem:v39+s10+$0x0], $0xffff;
	v60 =	vadd.s32 $0x410, v7;
	v25 =	vmul.f32 v59, v45  }
0xa6: {  	v49 =	vbroadcast v16, $0xF;
	v26 =	vld.idx.msk [tilespmem:v26+s10+$0x0], $0xffff;
	v27 =	vadd.f32 $8.183676740e-03, v27;
	v7 =	vsel vm14, v60, v7  }
0xa7: {  	v21 =	vmul.f32 $2.779484510e+00, v21;
	v61 =	vbroadcast v7, $0x0;
	v25 =	vadd.f32 $8.183676740e-03, v25  }
0xa8: {  	v30 =	vor.u32 v0, v30;
	v47 =	vbroadcast v7, $0x2;
	[tilespmem:s22+$0xA0] =	vst v20;
	v20 =	vmul.f32 v27, v43  }
0xa9: {  	v48 =	vbroadcast v7, $0x1;
	[tilespmem:s23+$0xFFFFFF30] =	vst v24;
	v16 =	vld.idx.msk [tilespmem:v23+s10+$0x0], $0xffff;
	v23 =	vmul.f32 v25, v45;
	v25 =	vxor.u32 $0x80000000, v21  }
0xaa: {  	v27 =	vbroadcast v7, $0x3;
	v42 =	vld.idx.msk [tilespmem:v57+s10+$0x0], $0xffff;
	[tilespmem:s23+$0x40] =	vst v39;
	v20 =	vadd.f32 $-1.434011290e-02, v20;
	v21 =	vsel vm12, v21, v25  }
0xab: {  	v24 =	vbroadcast v7, $0x5;
	[tilespmem:s22+$0xFFFFFFA0] =	vst v26;
	v38 =	vld.idx.msk [tilespmem:v38+s10+$0x0], $0xffff;
	v23 =	vadd.f32 $-1.434011290e-02, v23;
	v21 =	vadd.f32 $3.100000000e+01, v21  }
0xac: {  	v60 =	vor.u32 v0, v19;
	v25 =	vbroadcast v7, $0x4;
	v62 =	vld.idx.msk [tilespmem:v18+s10+$0x0], $0xffff;
	v18 =	vmul.f32 v20, v43  }
0xad: {  	v20 =	vshrl.u32 v44, $0x17;
	v23 =	vmul.f32 v23, v45;
	v21 =	vtrunc.f32 v21  }
0xae: {  	[tilespmem:s22+$0xB0] =	vst v16;
	v16 =	vadd.s32 $0xFFFFFF81, v20;
	v20 =	vadd.f32 $2.635364230e-02, v18;
	v21 =	vcvt.f32.s32 v21  }
0xaf: {  	v26 =	vbroadcast v7, $0x6;
	[tilespmem:s23+$0xFFFFFF40] =	vst v42;
	v63 =	vld.idx.msk [tilespmem:v52+s10+$0x0], $0xffff;
	v40 =	vcvt.s32.f32 v16;
	v16 =	vadd.f32 $2.635364230e-02, v23  }
0xb0: {  	v23 =	vor.u32 v0, v31;
	v34 =	vld.idx.msk [tilespmem:v34+s10+$0x0], $0xffff;
	[tilespmem:s23+$0x50] =	vst v38;
	v20 =	vmul.f32 v20, v43;
	v31 =	vshll.u32 v21, $0x4  }
0xb1: {  	[tilespmem:s22+$0xFFFFFFB0] =	vst v62;
	vm15 =	vlt.s32 v21, $0x0;
	v59 =	vld.idx.msk [tilespmem:v22+s10+$0x0], $0xffff;
	v56 =	vmul.f32 v16, v45;
	v21 =	vadd.s32 $0x410, v31  }
0xb2: {  	v18 =	vbroadcast v7, $0x7;
	v57 =	vld.idx.msk [tilespmem:v55+s10+$0x0], $0xffff;
	v20 =	vadd.f32 $-4.940934110e-02, v20;
	v21 =	vsel vm15, v21, v31  }
0xb3: {  	v16 =	vbroadcast v7, $0x8;
	v31 =	vadd.f32 $-4.940934110e-02, v56;
	v58 =	vbroadcast v21, $0x0  }
0xb4: {  	v51 =	vor.u32 v0, v61;
	v50 =	vbroadcast v21, $0x1;
	[tilespmem:s22+$0xC0] =	vst v63;
	v19 =	vmul.f32 v20, v43  }
0xb5: {  	v55 =	vbroadcast v21, $0x2;
	[tilespmem:s23+$0xFFFFFF50] =	vst v34;
	v20 =	vld.idx.msk [tilespmem:v36+s10+$0x0], $0xffff;
	v22 =	vmul.f32 v31, v45;
	v38 =	vor.u32 v0, v58  }
0xb6: {  	v42 =	vbroadcast v21, $0x3;
	v39 =	vbroadcast v21, $0x9;
	v54 =	vld.idx.msk [tilespmem:v23+s10+$0x0], $0xffff;
	[tilespmem:s23+$0x60] =	vst v59;
	v19 =	vadd.f32 $9.876491870e-02, v19  }
0xb7: {  	v34 =	vbroadcast v21, $0xA;
	v36 =	vbroadcast v21, $0x4;
	[tilespmem:s22+$0xFFFFFFC0] =	vst v57;
	v53 =	vld.idx.msk [tilespmem:v60+s10+$0x0], $0xffff;
	v61 =	vadd.f32 $9.876491870e-02, v22  }
0xb8: {  	v48 =	vor.u32 v0, v48;
	v31 =	vbroadcast v21, $0x5;
	v44 =	vld.idx.msk [tilespmem:v33+s10+$0x0], $0xffff;
	v62 =	vmul.f32 v19, v43  }
0xb9: {  	v51 =	vld.idx.msk [tilespmem:v51+s10+$0x0], $0xffff;
	v56 =	vor.u32 v0, v49;
	v23 =	vbroadcast v21, $0x6;
	v63 =	vmul.f32 v61, v45  }
0xba: {  	v22 =	vbroadcast v21, $0x7;
	v19 =	vbroadcast v21, $0x8;
	[tilespmem:s22+$0xD0] =	vst v20;
	v33 =	vadd.f32 $-2.222213750e-01, v62;
	v52 =	vld.idx.msk [tilespmem:v38+s10+$0x0], $0xffff  }
0xbb: {  	v20 =	vbroadcast v7, $0x9;
	[tilespmem:s23+$0xFFFFFF60] =	vst v54;
	v38 =	vbroadcast v7, $0xA;
	v57 =	vld.idx.msk [tilespmem:v32+s10+$0x0], $0xffff;
	v60 =	vadd.f32 $-2.222213750e-01, v63  }
0xbc: {  	v50 =	vor.u32 v0, v50;
	v58 =	vld.idx.msk [tilespmem:v30+s10+$0x0], $0xffff;
	v30 =	vbroadcast v21, $0xC;
	[tilespmem:s23+$0x70] =	vst v53;
	v61 =	vmul.f32 v33, v43  }
0xbd: {  	s24 =	simm.s32 $0x1500;
	v53 =	vor.u32 v0, v47;
	v33 =	vbroadcast v21, $0xB;
	[tilespmem:s22+$0xFFFFFFD0] =	vst v44;
	v47 =	vld.idx.msk [tilespmem:v28+s10+$0x0], $0xffff;
	v32 =	vmul.f32 v60, v45  }
0xbe: {  	[tilespmem:s24+$0x0] =	vst v51;
	v44 =	vor.u32 v0, v14;
	v28 =	vbroadcast v21, $0xE;
	v59 =	vld.idx.msk [tilespmem:v37+s10+$0x0], $0xffff;
	v60 =	vor.u32 v0, v29  }
0xbf: {  	v49 =	vld.idx.msk [tilespmem:v48+s10+$0x0], $0xffff;
	v37 =	vbroadcast v7, $0xB;
	v14 =	vadd.f32 $6.666666860e-01, v61;
	v62 =	vadd.f32 $6.666666860e-01, v32  }
0xc0: {  	v29 =	vbroadcast v21, $0xD;
	v32 =	vbroadcast v7, $0xC;
	[tilespmem:s24+$0xFFFFFF00] =	vst v52;
	v52 =	vor.u32 v0, v55  }
0xc1: {  	v43 =	vmul.f32 v14, v43;
	[tilespmem:s22+$0xE0] =	vst v57;
	v54 =	vld.idx.msk [tilespmem:v50+s10+$0x0], $0xffff;
	v63 =	vmul.f32 v62, v45  }
0xc2: {  	v14 =	vor.u32 v0, v41;
	[tilespmem:s23+$0xFFFFFF70] =	vst v58;
	v48 =	vld.idx.msk [tilespmem:v56+s10+$0x0], $0xffff;
	v45 =	vor.u32 v0, v35;
	v56 =	vmul.f32 $6.931471820e-01, v46  }
0xc3: {  	s26 =	simm.s32 $0x80;
	s25 =	simm.s32 $0x6;
	s21 =	sshll.u32 s20, $0x9;
	v35 =	vbroadcast v7, $0xD;
	v51 =	vadd.f32 $4.054650960e-01, v43;
	v46 =	vld.idx.msk [tilespmem:v60+s10+$0x0], $0xffff;
	[tilespmem:s22+$0xFFFFFFE0] =	vst v59;
	v55 =	vadd.f32 $4.054650960e-01, v63  }
.LBB2_3:
0xc4: {  	s28 =	sand.u32 $0x7E0, s26;
	s29 =	sadd.s32 $0x10, s26;
	s25 =	sadd.s32 $0x2, s25;
	v43 =	vbroadcast v21, $0xF;
	[tilespmem:s24+$0x10] =	vst v49;
	v41 =	vbroadcast v7, $0xE;
	v50 =	vor.u32 v0, v13;
	v13 =	vld.idx.msk [tilespmem:v44+s10+$0x0], $0xffff  }
0xc5: {  	s30 =	sand.u32 $0x780, s26;
	v44 =	vor.u32 v0, v4;
	s29 =	sand.u32 $0x70, s29;
	p0 =	slt.u32 s25, $0x7E;
	v21 =	vadd.f32 v55, v56;
	v53 =	vld.idx.msk [tilespmem:v53+s10+$0x0], $0xffff;
	v55 =	vor.u32 v0, v10  }
0xc6: {  	v49 =	vor.u32 v0, v8;
	v56 =	vor.u32 v0, v11;
	v4 =	vld [tilespmem:s28+$0x0];
	s28 =	sor.u32 s29, s30;
	[tilespmem:s23+$0x80] =	vst v47;
	v47 =	vor.u32 v0, v9  }
0xc7: {  	v57 =	vor.u32 v0, v12;
	v10 =	vmovc v39;
	v8 =	vld [tilespmem:s28+$0x0];
	v9 =	vmax.f32 v21, $-4.605170250e+00;
	v21 =	vor.u32 v0, v5;
	[tilespmem:s22+$0xF0] =	vst v48  }
0xc8: {  	v48 =	vor.u32 v0, v6;
	v5 =	vmin.f32 v9, $6.907755370e+00;
	[tilespmem:s24+$0xFFFFFF10] =	vst v54;
	v54 =	vor.u32 v0, v3;
	v9 =	vld.idx.msk [tilespmem:v45+s10+$0x0], $0xffff  }
0xc9: {  	v42 =	vor.u32 v0, v42;
	v27 =	vor.u32 v0, v27;
	v5 =	vadd.f32 $4.605170250e+00, v5;
	v52 =	vld.idx.msk [tilespmem:v52+s10+$0x0], $0xffff;
	[tilespmem:s23+$0xFFFFFF80] =	vst v46  }
0xca: {  	vm0 =	vlt.f32 v15, $0.0e+00;
	vm1 =	vlt.f32 v17, $0.0e+00;
	v39 =	vor.u32 v0, v26;
	v6 =	vmovc v34;
	v26 =	vld.idx.msk [tilespmem:v55+s10+$0x0], $0xffff;
	[tilespmem:s22+$0xFFFFFFF0] =	vst v13;
	s22 =	smov.u32 s23;
	s23 =	smov.u32 s24  }
0xcb: {  	v40 =	vmul.f32 $6.931471820e-01, v40;
	v3 =	vmovc v33;
	v34 =	vand.u32 $0x7FFFFFFF, v4;
	v13 =	vmul.f32 $2.779484510e+00, v5;
	v15 =	vmovc v4  }
0xcc: {  	v25 =	vor.u32 v0, v25;
	v12 =	vmovc v38;
	v33 =	vor.u32 v0, v24;
	v4 =	vand.u32 $0x7FFFFF, v34;
	v17 =	vmovc v8  }
0xcd: {  	v11 =	vmovc v37;
	v55 =	vor.u32 $0x3F800000, v4;
	v38 =	vand.u32 $0x7FFFFFFF, v17;
	v24 =	vxor.u32 $0x80000000, v13;
	[tilespmem:s24+$0x20] =	vst v53;
	v5 =	vmovc v30  }
0xce: {  	v45 =	vadd.f32 $-1.500000000e+00, v55;
	v46 =	vand.u32 $0x7FFFFF, v38;
	v53 =	vsel vm1, v13, v24;
	v24 =	vld.idx.msk [tilespmem:v27+s10+$0x0], $0xffff;
	[tilespmem:s22+$0x90] =	vst v9;
	v9 =	vmovc v32  }
0xcf: {  	v8 =	vmovc v29;
	v27 =	vshrl.u32 v38, $0x17;
	v30 =	vor.u32 $0x3F800000, v46;
	v32 =	vadd.f32 $3.100000000e+01, v53;
	[tilespmem:s24+$0xFFFFFF20] =	vst v52;
	v37 =	vld.idx.msk [tilespmem:v57+s10+$0x0], $0xffff;
	v4 =	vmovc v28  }
0xd0: {  	v27 =	vadd.s32 $0xFFFFFF81, v27;
	v13 =	vmovc v35;
	v29 =	vmul.f32 $3.662242090e-03, v45;
	v28 =	vadd.f32 $-1.500000000e+00, v30;
	v30 =	vld.idx.msk [tilespmem:v42+s10+$0x0], $0xffff;
	[tilespmem:s22+$0xFFFFFF90] =	vst v26  }
0xd1: {  	v36 =	vor.u32 v0, v36;
	v26 =	vadd.f32 v51, v40;
	v32 =	vtrunc.f32 v32;
	v38 =	vld.idx.msk [tilespmem:v48+s10+$0x0], $0xffff  }
0xd2: {  	v29 =	vadd.f32 $-6.147917360e-03, v29;
	v40 =	vmul.f32 $3.662242090e-03, v28;
	v32 =	vcvt.f32.s32 v32  }
0xd3: {  	v31 =	vor.u32 v0, v31;
	v35 =	vcvt.s32.f32 v27;
	v26 =	vmax.f32 v26, $-4.605170250e+00  }
0xd4: {  	v27 =	vadd.f32 $-6.147917360e-03, v40;
	vm1 =	vlt.s32 v32, $0x0;
	v32 =	vshll.u32 v32, $0x4;
	[tilespmem:s24+$0x30] =	vst v24  }
0xd5: {  	v26 =	vmin.f32 v26, $6.907755370e+00;
	v24 =	vmul.f32 v29, v45;
	v29 =	vadd.s32 $0x410, v32;
	v40 =	vld.idx.msk [tilespmem:v25+s10+$0x0], $0xffff;
	[tilespmem:s22+$0xA0] =	vst v37  }
0xd6: {  	v26 =	vadd.f32 $4.605170250e+00, v26;
	v25 =	vmul.f32 v27, v28;
	v27 =	vsel vm1, v29, v32;
	[tilespmem:s24+$0xFFFFFF30] =	vst v30;
	v29 =	vld.idx.msk [tilespmem:v56+s10+$0x0], $0xffff  }
0xd7: {  	v24 =	vadd.f32 $8.183676740e-03, v24;
	v30 =	vbroadcast v27, $0x0;
	v46 =	vbroadcast v27, $0x2;
	v32 =	vld.idx.msk [tilespmem:v36+s10+$0x0], $0xffff;
	[tilespmem:s22+$0xFFFFFFA0] =	vst v38  }
0xd8: {  	v26 =	vmul.f32 $2.779484510e+00, v26;
	v37 =	vbroadcast v27, $0x1;
	v25 =	vadd.f32 $8.183676740e-03, v25;
	v36 =	vld.idx.msk [tilespmem:v54+s10+$0x0], $0xffff  }
0xd9: {  	v38 =	vbroadcast v1, $0xF;
	v1 =	vmovc v7;
	v7 =	vmovc v27;
	v24 =	vmul.f32 v24, v45;
	v30 =	vor.u32 v0, v30  }
0xda: {  	v27 =	vbroadcast v7, $0x3;
	v42 =	vmul.f32 v25, v28;
	v25 =	vxor.u32 $0x80000000, v26  }
0xdb: {  	v48 =	vadd.f32 $-1.434011290e-02, v24;
	v24 =	vsel vm0, v26, v25;
	v25 =	vbroadcast v7, $0x4;
	[tilespmem:s24+$0x40] =	vst v40  }
0xdc: {  	v40 =	vadd.f32 $-1.434011290e-02, v42;
	v42 =	vadd.f32 $3.100000000e+01, v24;
	v24 =	vbroadcast v7, $0x5;
	v33 =	vld.idx.msk [tilespmem:v33+s10+$0x0], $0xffff;
	[tilespmem:s22+$0xB0] =	vst v29  }
0xdd: {  	v26 =	vbroadcast v7, $0x6;
	v29 =	vshrl.u32 v34, $0x17;
	v34 =	vmul.f32 v48, v45;
	[tilespmem:s24+$0xFFFFFF40] =	vst v32;
	v32 =	vld.idx.msk [tilespmem:v47+s10+$0x0], $0xffff  }
0xde: {  	v29 =	vadd.s32 $0xFFFFFF81, v29;
	v47 =	vmul.f32 v40, v28;
	v42 =	vtrunc.f32 v42;
	v30 =	vld.idx.msk [tilespmem:v30+s10+$0x0], $0xffff;
	[tilespmem:s22+$0xFFFFFFB0] =	vst v36  }
0xdf: {  	v34 =	vadd.f32 $2.635364230e-02, v34;
	v40 =	vcvt.s32.f32 v29;
	v29 =	vcvt.f32.s32 v42;
	v31 =	vld.idx.msk [tilespmem:v31+s10+$0x0], $0xffff  }
0xe0: {  	v23 =	vor.u32 v0, v23;
	v42 =	vbroadcast v7, $0x7;
	v36 =	vadd.f32 $2.635364230e-02, v47;
	v47 =	vld.idx.msk [tilespmem:v21+s10+$0x0], $0xffff  }
0xe1: {  	v21 =	vmul.f32 v34, v45;
	vm0 =	vlt.s32 v29, $0x0;
	v29 =	vshll.u32 v29, $0x4  }
0xe2: {  	v48 =	vbroadcast v7, $0x8;
	v34 =	vmul.f32 v36, v28;
	v36 =	vadd.s32 $0x410, v29;
	[tilespmem:s24+$0x50] =	vst v33  }
0xe3: {  	v51 =	vor.u32 v0, v18;
	v33 =	vadd.f32 $-4.940934110e-02, v21;
	s24 =	sadd.s32 $0x200, s24;
	v21 =	vsel vm0, v36, v29;
	v29 =	vld.idx.msk [tilespmem:v39+s10+$0x0], $0xffff;
	[tilespmem:s22+$0xC0] =	vst v32  }
0xe4: {  	v18 =	vmovc v42;
	v32 =	vadd.f32 $-4.940934110e-02, v34;
	v34 =	vbroadcast v21, $0x0;
	v52 =	vbroadcast v21, $0x1;
	[tilespmem:s24+$0x0] =	vst v30;
	v30 =	vld.idx.msk [tilespmem:v50+s10+$0x0], $0xffff  }
0xe5: {  	v53 =	vor.u32 v0, v22;
	v33 =	vmul.f32 v33, v45;
	v50 =	vbroadcast v21, $0x2;
	[tilespmem:s23+$0xFFFFFF50] =	vst v31  }
0xe6: {  	v42 =	vbroadcast v21, $0x3;
	v22 =	vmul.f32 v32, v28;
	v32 =	vor.u32 v0, v34;
	v54 =	vld.idx.msk [tilespmem:v23+s10+$0x0], $0xffff;
	[tilespmem:s22+$0xFFFFFFC0] =	vst v47  }
0xe7: {  	v36 =	vbroadcast v21, $0x4;
	v31 =	vbroadcast v21, $0x5;
	v33 =	vadd.f32 $9.876491870e-02, v33;
	v47 =	vld.idx.msk [tilespmem:v49+s10+$0x0], $0xffff  }
0xe8: {  	v23 =	vbroadcast v21, $0x6;
	v34 =	vadd.f32 $9.876491870e-02, v22;
	v22 =	vbroadcast v21, $0x7  }
0xe9: {  	v37 =	vor.u32 v0, v37;
	v55 =	vbroadcast v21, $0x8;
	v33 =	vmul.f32 v33, v45;
	[tilespmem:s23+$0x60] =	vst v29  }
0xea: {  	v56 =	vor.u32 v0, v38;
	v39 =	vbroadcast v21, $0x9;
	v29 =	vmul.f32 v34, v28;
	v51 =	vld.idx.msk [tilespmem:v51+s10+$0x0], $0xffff;
	[tilespmem:s22+$0xD0] =	vst v30  }
0xeb: {  	v57 =	vbroadcast v7, $0x9;
	v30 =	vadd.f32 $-2.222213750e-01, v33;
	v34 =	vbroadcast v21, $0xA;
	v14 =	vld.idx.msk [tilespmem:v14+s10+$0x0], $0xffff  }
0xec: {  	v52 =	vor.u32 v0, v52;
	v29 =	vadd.f32 $-2.222213750e-01, v29;
	v58 =	vld.idx.msk [tilespmem:v32+s10+$0x0], $0xffff;
	[tilespmem:s23+$0xFFFFFF60] =	vst v54;
	v54 =	vor.u32 v0, v16  }
0xed: {  	v33 =	vbroadcast v21, $0xB;
	v30 =	vmul.f32 v30, v45;
	v16 =	vmov v48;
	v59 =	vld.idx.msk [tilespmem:v53+s10+$0x0], $0xffff;
	[tilespmem:s22+$0xFFFFFFD0] =	vst v47  }
0xee: {  	v38 =	vbroadcast v7, $0xA;
	v29 =	vmul.f32 v29, v28;
	v60 =	vld.idx.msk [tilespmem:v44+s10+$0x0], $0xffff;
	v44 =	vor.u32 v0, v2;
	v2 =	vmovc v43  }
0xef: {  	v61 =	vor.u32 v0, v19;
	v19 =	vmovc v55;
	v43 =	vadd.f32 $6.666666860e-01, v30;
	v30 =	vbroadcast v21, $0xC;
	v49 =	vld.idx.msk [tilespmem:v37+s10+$0x0], $0xffff  }
.Ltmp0:
0xf0: {  	v32 =	vbroadcast v7, $0xC;
	v37 =	vbroadcast v7, $0xB;
	v48 =	vadd.f32 $6.666666860e-01, v29;
	[tilespmem:s23+$0x70] =	vst v51;
	(pc) =	sbr.rel @p0 .LBB2_3-.Ltmp0, $4  }
0xf1: {  	v53 =	vor.u32 v0, v46;
	v43 =	vmul.f32 v43, v45;
	v29 =	vbroadcast v21, $0xD;
	v47 =	vld.idx.msk [tilespmem:v54+s10+$0x0], $0xffff;
	[tilespmem:s22+$0xE0] =	vst v14  }
0xf2: {  	v14 =	vor.u32 v0, v41;
	v46 =	vmul.f32 v48, v28;
	[tilespmem:s24+$0xFFFFFF00] =	vst v58;
	v28 =	vbroadcast v21, $0xE;
	v48 =	vld.idx.msk [tilespmem:v56+s10+$0x0], $0xffff  }
0xf3: {  	v45 =	vor.u32 v0, v20;
	v51 =	vadd.f32 $4.054650960e-01, v43;
	v54 =	vld.idx.msk [tilespmem:v52+s10+$0x0], $0xffff;
	v52 =	vor.u32 v0, v50;
	[tilespmem:s23+$0xFFFFFF70] =	vst v59  }
0xf4: {  	s26 =	sadd.s32 $0x20, s26;
	v20 =	vmovc v57;
	v56 =	vmul.f32 $6.931471820e-01, v35;
	v35 =	vbroadcast v7, $0xD;
	v55 =	vadd.f32 $4.054650960e-01, v46;
	v46 =	vld.idx.msk [tilespmem:v61+s10+$0x0], $0xffff;
	[tilespmem:s22+$0xFFFFFFE0] =	vst v60  }
0xf5: {  	v40 =	vmul.f32 $6.931471820e-01, v40  }
0xf6: {  	v41 =	vadd.f32 v55, v56  }
0xf7: {  	v40 =	vadd.f32 v51, v40  }
0xf8: {  	v41 =	vmax.f32 v41, $-4.605170250e+00  }
0xf9: {  	v41 =	vmin.f32 v41, $6.907755370e+00;
	v40 =	vmax.f32 v40, $-4.605170250e+00  }
0xfa: {  	v41 =	vadd.f32 $4.605170250e+00, v41;
	v40 =	vmin.f32 v40, $6.907755370e+00  }
0xfb: {  	v40 =	vadd.f32 $4.605170250e+00, v40  }
0xfc: {  	v41 =	vmul.f32 $2.779484510e+00, v41  }
0xfd: {  	v40 =	vmul.f32 $2.779484510e+00, v40  }
0xfe: {  	vm0 =	vlt.f32 v17, $0.0e+00;
	v17 =	vxor.u32 $0x80000000, v41  }
0xff: {  	vm1 =	vlt.f32 v15, $0.0e+00;
	v15 =	vsel vm0, v41, v17;
	v17 =	vxor.u32 $0x80000000, v40  }
0x100: {  	v15 =	vadd.f32 $3.100000000e+01, v15;
	v17 =	vsel vm1, v40, v17  }
0x101: {  	v17 =	vadd.f32 $3.100000000e+01, v17  }
0x102: {  	v15 =	vtrunc.f32 v15  }
0x103: {  	v15 =	vcvt.f32.s32 v15;
	v17 =	vtrunc.f32 v17  }
0x104: {  	v17 =	vcvt.f32.s32 v17  }
0x105: {  	v58 =	vshll.u32 v15, $0x4  }
0x106: {  	vm14 =	vlt.s32 v15, $0x0;
	v15 =	vadd.s32 $0x410, v58;
	v59 =	vshll.u32 v17, $0x4  }
0x107: {  	vm15 =	vlt.s32 v17, $0x0;
	v15 =	vsel vm14, v15, v58;
	v17 =	vadd.s32 $0x410, v59  }
0x108: {  	v40 =	vbroadcast v15, $0x0;
	v17 =	vsel vm15, v17, v59  }
0x109: {  	v41 =	vbroadcast v17, $0x0  }
0x10a: {  	v40 =	vor.u32 v0, v40  }
0x10b: {  	v41 =	vor.u32 v0, v41;
	_ =	sdelay $0x2  }
0x10c: {  	v43 =	vbroadcast v15, $0x1  }
0x10d: {  	v50 =	vbroadcast v17, $0x1;
	v40 =	vld.idx.msk [tilespmem:v40+s10+$0x0], $0xffff  }
0x10e: {  	v43 =	vor.u32 v0, v43;
	v41 =	vld.idx.msk [tilespmem:v41+s10+$0x0], $0xffff  }
0x10f: {  	v50 =	vor.u32 v0, v50;
	_ =	sdelay $0x1  }
0x110: {  	s25 =	sadd.s32 $0x200, s24  }
0x111: {  	v60 =	vbroadcast v15, $0x2;
	[tilespmem:s25+$0x0] =	vst v40  }
0x112: {  	v61 =	vbroadcast v17, $0x2;
	v43 =	vld.idx.msk [tilespmem:v43+s10+$0x0], $0xffff;
	[tilespmem:s25+$0xFFFFFF00] =	vst v41  }
0x113: {  	v62 =	vor.u32 v0, v60;
	v50 =	vld.idx.msk [tilespmem:v50+s10+$0x0], $0xffff  }
0x114: {  	[tilespmem:s24+$0x10] =	vst v49;
	v40 =	vor.u32 v0, v61  }
0x115: {  	v49 =	vld.idx.msk [tilespmem:v53+s10+$0x0], $0xffff;
	[tilespmem:s24+$0xFFFFFF10] =	vst v54  }
0x116: {  	v27 =	vor.u32 v0, v27;
	v63 =	vld.idx.msk [tilespmem:v52+s10+$0x0], $0xffff  }
0x117: {  	v42 =	vor.u32 v0, v42;
	v56 =	vbroadcast v15, $0x3;
	[tilespmem:s25+$0x10] =	vst v43  }
0x118: {  	v57 =	vbroadcast v17, $0x3;
	v41 =	vld.idx.msk [tilespmem:v62+s10+$0x0], $0xffff;
	[tilespmem:s25+$0xFFFFFF10] =	vst v50  }
0x119: {  	v58 =	vor.u32 v0, v56;
	v40 =	vld.idx.msk [tilespmem:v40+s10+$0x0], $0xffff  }
0x11a: {  	[tilespmem:s24+$0x20] =	vst v49;
	v43 =	vor.u32 v0, v57  }
0x11b: {  	v27 =	vld.idx.msk [tilespmem:v27+s10+$0x0], $0xffff;
	[tilespmem:s24+$0xFFFFFF20] =	vst v63  }
0x11c: {  	v25 =	vor.u32 v0, v25;
	v42 =	vld.idx.msk [tilespmem:v42+s10+$0x0], $0xffff  }
0x11d: {  	v36 =	vor.u32 v0, v36;
	v59 =	vbroadcast v15, $0x4;
	[tilespmem:s25+$0x20] =	vst v41  }
0x11e: {  	v60 =	vbroadcast v17, $0x4;
	v50 =	vld.idx.msk [tilespmem:v58+s10+$0x0], $0xffff;
	[tilespmem:s25+$0xFFFFFF20] =	vst v40  }
0x11f: {  	v61 =	vor.u32 v0, v59;
	v43 =	vld.idx.msk [tilespmem:v43+s10+$0x0], $0xffff  }
0x120: {  	[tilespmem:s24+$0x30] =	vst v27;
	v41 =	vor.u32 v0, v60  }
0x121: {  	v25 =	vld.idx.msk [tilespmem:v25+s10+$0x0], $0xffff;
	[tilespmem:s24+$0xFFFFFF30] =	vst v42  }
0x122: {  	v24 =	vor.u32 v0, v24;
	v27 =	vld.idx.msk [tilespmem:v36+s10+$0x0], $0xffff  }
0x123: {  	v31 =	vor.u32 v0, v31;
	v62 =	vbroadcast v15, $0x5;
	[tilespmem:s25+$0x30] =	vst v50  }
0x124: {  	v63 =	vbroadcast v17, $0x5;
	v40 =	vld.idx.msk [tilespmem:v61+s10+$0x0], $0xffff;
	[tilespmem:s25+$0xFFFFFF30] =	vst v43  }
0x125: {  	v36 =	vor.u32 v0, v62;
	v41 =	vld.idx.msk [tilespmem:v41+s10+$0x0], $0xffff  }
0x126: {  	[tilespmem:s24+$0x40] =	vst v25;
	v42 =	vor.u32 v0, v63  }
0x127: {  	v24 =	vld.idx.msk [tilespmem:v24+s10+$0x0], $0xffff;
	[tilespmem:s24+$0xFFFFFF40] =	vst v27  }
0x128: {  	v25 =	vor.u32 v0, v26;
	v27 =	vld.idx.msk [tilespmem:v31+s10+$0x0], $0xffff  }
0x129: {  	v23 =	vor.u32 v0, v23;
	v26 =	vbroadcast v15, $0x6;
	[tilespmem:s25+$0x40] =	vst v40  }
0x12a: {  	v31 =	vbroadcast v17, $0x6;
	v36 =	vld.idx.msk [tilespmem:v36+s10+$0x0], $0xffff;
	[tilespmem:s25+$0xFFFFFF40] =	vst v41  }
0x12b: {  	v26 =	vor.u32 v0, v26;
	v49 =	vld.idx.msk [tilespmem:v42+s10+$0x0], $0xffff  }
0x12c: {  	v31 =	vor.u32 v0, v31;
	[tilespmem:s24+$0x50] =	vst v24  }
0x12d: {  	v24 =	vld.idx.msk [tilespmem:v25+s10+$0x0], $0xffff;
	[tilespmem:s24+$0xFFFFFF50] =	vst v27  }
0x12e: {  	v18 =	vor.u32 v0, v18;
	v23 =	vld.idx.msk [tilespmem:v23+s10+$0x0], $0xffff  }
0x12f: {  	v22 =	vor.u32 v0, v22;
	v25 =	vbroadcast v15, $0x7;
	[tilespmem:s25+$0x50] =	vst v36  }
0x130: {  	v27 =	vbroadcast v17, $0x7;
	v26 =	vld.idx.msk [tilespmem:v26+s10+$0x0], $0xffff;
	[tilespmem:s25+$0xFFFFFF50] =	vst v49  }
0x131: {  	v25 =	vor.u32 v0, v25;
	v31 =	vld.idx.msk [tilespmem:v31+s10+$0x0], $0xffff  }
0x132: {  	v27 =	vor.u32 v0, v27;
	[tilespmem:s24+$0x60] =	vst v24  }
0x133: {  	v18 =	vld.idx.msk [tilespmem:v18+s10+$0x0], $0xffff;
	[tilespmem:s24+$0xFFFFFF60] =	vst v23  }
0x134: {  	v16 =	vor.u32 v0, v16;
	v22 =	vld.idx.msk [tilespmem:v22+s10+$0x0], $0xffff  }
0x135: {  	v19 =	vor.u32 v0, v19;
	v23 =	vbroadcast v15, $0x8;
	[tilespmem:s25+$0x60] =	vst v26  }
0x136: {  	v24 =	vbroadcast v17, $0x8;
	v25 =	vld.idx.msk [tilespmem:v25+s10+$0x0], $0xffff;
	[tilespmem:s25+$0xFFFFFF60] =	vst v31  }
0x137: {  	[tilespmem:s23+$0x80] =	vst v47;
	v23 =	vor.u32 v0, v23;
	v26 =	vld.idx.msk [tilespmem:v27+s10+$0x0], $0xffff  }
0x138: {  	v24 =	vor.u32 v0, v24;
	[tilespmem:s24+$0x70] =	vst v18  }
0x139: {  	v16 =	vld.idx.msk [tilespmem:v16+s10+$0x0], $0xffff;
	[tilespmem:s24+$0xFFFFFF70] =	vst v22  }
0x13a: {  	v10 =	vor.u32 v0, v10;
	[tilespmem:s22+$0xF0] =	vst v48;
	v19 =	vld.idx.msk [tilespmem:v19+s10+$0x0], $0xffff  }
0x13b: {  	v20 =	vor.u32 v0, v20;
	v18 =	vbroadcast v15, $0x9;
	v27 =	vld.idx.msk [tilespmem:v44+s10+$0x0], $0xffff;
	[tilespmem:s25+$0x70] =	vst v25  }
0x13c: {  	v22 =	vbroadcast v17, $0x9;
	v25 =	vor.u32 v0, v39;
	v23 =	vld.idx.msk [tilespmem:v23+s10+$0x0], $0xffff;
	[tilespmem:s25+$0xFFFFFF70] =	vst v26  }
0x13d: {  	[tilespmem:s23+$0xFFFFFF80] =	vst v46;
	v18 =	vor.u32 v0, v18;
	v24 =	vld.idx.msk [tilespmem:v24+s10+$0x0], $0xffff  }
0x13e: {  	v22 =	vor.u32 v0, v22;
	[tilespmem:s24+$0x80] =	vst v16;
	v26 =	vld.idx.msk [tilespmem:v45+s10+$0x0], $0xffff  }
0x13f: {  	v12 =	vor.u32 v0, v12;
	v10 =	vld.idx.msk [tilespmem:v10+s10+$0x0], $0xffff;
	[tilespmem:s24+$0xFFFFFF80] =	vst v19  }
0x140: {  	v6 =	vor.u32 v0, v6;
	v16 =	vld.idx.msk [tilespmem:v20+s10+$0x0], $0xffff;
	[tilespmem:s22+$0xFFFFFFF0] =	vst v27  }
0x141: {  	v20 =	vor.u32 v0, v38;
	v19 =	vbroadcast v15, $0xA;
	v25 =	vld.idx.msk [tilespmem:v25+s10+$0x0], $0xffff;
	[tilespmem:s25+$0x80] =	vst v23  }
0x142: {  	v27 =	vor.u32 v0, v34;
	v23 =	vbroadcast v17, $0xA;
	v18 =	vld.idx.msk [tilespmem:v18+s10+$0x0], $0xffff;
	[tilespmem:s25+$0xFFFFFF80] =	vst v24  }
0x143: {  	v19 =	vor.u32 v0, v19;
	[tilespmem:s23+$0x90] =	vst v26;
	v22 =	vld.idx.msk [tilespmem:v22+s10+$0x0], $0xffff  }
0x144: {  	[tilespmem:s23+$0xFFFFFF90] =	vst v10;
	v12 =	vld.idx.msk [tilespmem:v12+s10+$0x0], $0xffff;
	v10 =	vor.u32 v0, v23  }
0x145: {  	v11 =	vor.u32 v0, v11;
	v6 =	vld.idx.msk [tilespmem:v6+s10+$0x0], $0xffff;
	[tilespmem:s24+$0x90] =	vst v16  }
0x146: {  	v3 =	vor.u32 v0, v3;
	v16 =	vld.idx.msk [tilespmem:v20+s10+$0x0], $0xffff;
	[tilespmem:s24+$0xFFFFFF90] =	vst v25  }
0x147: {  	v20 =	vbroadcast v15, $0xB;
	v23 =	vor.u32 v0, v37;
	v24 =	vld.idx.msk [tilespmem:v27+s10+$0x0], $0xffff;
	[tilespmem:s25+$0x90] =	vst v18  }
0x148: {  	v25 =	vor.u32 v0, v33;
	v18 =	vbroadcast v17, $0xB;
	v19 =	vld.idx.msk [tilespmem:v19+s10+$0x0], $0xffff;
	[tilespmem:s25+$0xFFFFFF90] =	vst v22  }
0x149: {  	[tilespmem:s23+$0xA0] =	vst v12;
	v12 =	vor.u32 v0, v20;
	v10 =	vld.idx.msk [tilespmem:v10+s10+$0x0], $0xffff  }
0x14a: {  	[tilespmem:s23+$0xFFFFFFA0] =	vst v6;
	v11 =	vld.idx.msk [tilespmem:v11+s10+$0x0], $0xffff;
	v6 =	vor.u32 v0, v18  }
0x14b: {  	v9 =	vor.u32 v0, v9;
	v3 =	vld.idx.msk [tilespmem:v3+s10+$0x0], $0xffff;
	[tilespmem:s24+$0xA0] =	vst v16  }
0x14c: {  	v5 =	vor.u32 v0, v5;
	v16 =	vld.idx.msk [tilespmem:v23+s10+$0x0], $0xffff;
	[tilespmem:s24+$0xFFFFFFA0] =	vst v24  }
0x14d: {  	v20 =	vor.u32 v0, v32;
	v18 =	vbroadcast v15, $0xC;
	v22 =	vld.idx.msk [tilespmem:v25+s10+$0x0], $0xffff;
	[tilespmem:s25+$0xA0] =	vst v19  }
0x14e: {  	v23 =	vor.u32 v0, v30;
	v19 =	vbroadcast v17, $0xC;
	v12 =	vld.idx.msk [tilespmem:v12+s10+$0x0], $0xffff;
	[tilespmem:s25+$0xFFFFFFA0] =	vst v10  }
0x14f: {  	[tilespmem:s23+$0xB0] =	vst v11;
	v10 =	vor.u32 v0, v18;
	v6 =	vld.idx.msk [tilespmem:v6+s10+$0x0], $0xffff  }
0x150: {  	[tilespmem:s23+$0xFFFFFFB0] =	vst v3;
	v9 =	vld.idx.msk [tilespmem:v9+s10+$0x0], $0xffff;
	v3 =	vor.u32 v0, v19  }
0x151: {  	v5 =	vld.idx.msk [tilespmem:v5+s10+$0x0], $0xffff;
	v11 =	vor.u32 v0, v13;
	[tilespmem:s24+$0xB0] =	vst v16  }
0x152: {  	v8 =	vor.u32 v0, v8;
	v13 =	vld.idx.msk [tilespmem:v20+s10+$0x0], $0xffff;
	[tilespmem:s24+$0xFFFFFFB0] =	vst v22  }
0x153: {  	v16 =	vbroadcast v15, $0xD;
	v18 =	vor.u32 v0, v35;
	v19 =	vld.idx.msk [tilespmem:v23+s10+$0x0], $0xffff;
	[tilespmem:s25+$0xB0] =	vst v12  }
0x154: {  	v20 =	vor.u32 v0, v29;
	v12 =	vbroadcast v17, $0xD;
	v10 =	vld.idx.msk [tilespmem:v10+s10+$0x0], $0xffff;
	[tilespmem:s25+$0xFFFFFFB0] =	vst v6  }
0x155: {  	[tilespmem:s23+$0xC0] =	vst v9;
	v6 =	vor.u32 v0, v16;
	v3 =	vld.idx.msk [tilespmem:v3+s10+$0x0], $0xffff  }
0x156: {  	[tilespmem:s23+$0xFFFFFFC0] =	vst v5;
	v9 =	vld.idx.msk [tilespmem:v11+s10+$0x0], $0xffff;
	v5 =	vor.u32 v0, v12  }
0x157: {  	v8 =	vld.idx.msk [tilespmem:v8+s10+$0x0], $0xffff;
	[tilespmem:s24+$0xC0] =	vst v13;
	v11 =	vbroadcast v7, $0xE  }
0x158: {  	v4 =	vor.u32 v0, v4;
	v12 =	vld.idx.msk [tilespmem:v18+s10+$0x0], $0xffff;
	[tilespmem:s24+$0xFFFFFFC0] =	vst v19  }
0x159: {  	v13 =	vbroadcast v15, $0xE;
	v11 =	vor.u32 v0, v11;
	v16 =	vld.idx.msk [tilespmem:v20+s10+$0x0], $0xffff;
	[tilespmem:s25+$0xC0] =	vst v10  }
0x15a: {  	v18 =	vor.u32 v0, v28;
	v10 =	vbroadcast v17, $0xE;
	v6 =	vld.idx.msk [tilespmem:v6+s10+$0x0], $0xffff;
	[tilespmem:s25+$0xFFFFFFC0] =	vst v3  }
0x15b: {  	v1 =	vbroadcast v1, $0xF;
	[tilespmem:s23+$0xD0] =	vst v9;
	v3 =	vor.u32 v0, v13;
	v5 =	vld.idx.msk [tilespmem:v5+s10+$0x0], $0xffff  }
0x15c: {  	[tilespmem:s23+$0xFFFFFFD0] =	vst v8;
	v9 =	vld.idx.msk [tilespmem:v14+s10+$0x0], $0xffff;
	v8 =	vor.u32 v0, v10  }
0x15d: {  	v1 =	vor.u32 v0, v1;
	v4 =	vld.idx.msk [tilespmem:v4+s10+$0x0], $0xffff;
	v7 =	vbroadcast v7, $0xF;
	[tilespmem:s24+$0xD0] =	vst v12  }
0x15e: {  	v2 =	vor.u32 v0, v2;
	v10 =	vbroadcast v21, $0xF;
	v11 =	vld.idx.msk [tilespmem:v11+s10+$0x0], $0xffff;
	[tilespmem:s24+$0xFFFFFFD0] =	vst v16  }
0x15f: {  	v7 =	vor.u32 v0, v7;
	v13 =	vbroadcast v15, $0xF;
	v12 =	vld.idx.msk [tilespmem:v18+s10+$0x0], $0xffff;
	[tilespmem:s25+$0xD0] =	vst v6  }
0x160: {  	v10 =	vor.u32 v0, v10;
	v6 =	vbroadcast v17, $0xF;
	v3 =	vld.idx.msk [tilespmem:v3+s10+$0x0], $0xffff;
	[tilespmem:s25+$0xFFFFFFD0] =	vst v5  }
0x161: {  	[tilespmem:s23+$0xE0] =	vst v9;
	v5 =	vor.u32 v0, v13;
	v8 =	vld.idx.msk [tilespmem:v8+s10+$0x0], $0xffff  }
0x162: {  	[tilespmem:s23+$0xFFFFFFE0] =	vst v4;
	v1 =	vld.idx.msk [tilespmem:v1+s10+$0x0], $0xffff;
	v4 =	vor.u32 v0, v6  }
0x163: {  	v2 =	vld.idx.msk [tilespmem:v2+s10+$0x0], $0xffff;
	[tilespmem:s24+$0xE0] =	vst v11  }
0x164: {  	v6 =	vld.idx.msk [tilespmem:v7+s10+$0x0], $0xffff;
	[tilespmem:s24+$0xFFFFFFE0] =	vst v12  }
0x165: {  	v7 =	vld.idx.msk [tilespmem:v10+s10+$0x0], $0xffff;
	[tilespmem:s25+$0xE0] =	vst v3  }
0x166: {  	v3 =	vld.idx.msk [tilespmem:v5+s10+$0x0], $0xffff;
	[tilespmem:s25+$0xFFFFFFE0] =	vst v8  }
0x167: {  	[tilespmem:s23+$0xF0] =	vst v1;
	v1 =	vld.idx.msk [tilespmem:v4+s10+$0x0], $0xffff  }
0x168: {  	[tilespmem:s23+$0xFFFFFFF0] =	vst v2  }
0x169: {  	[tilespmem:s24+$0xF0] =	vst v6  }
0x16a: {  	[tilespmem:s24+$0xFFFFFFF0] =	vst v7  }
0x16b: {  	p0 =	seq.s32 s20, $0x1F;
	[tilespmem:s25+$0xF0] =	vst v3  }
0x16c: {  	s29 =	sshll.u32 s20, $0xD;
	s22 =	sadd.s32 @!p0 s21, s6;
	s23 =	simm.s32 @!p0 $0x0;
	[tilespmem:s25+$0xFFFFFFF0] =	vst v1  }
0x16d: {  	[tilespmem:s23], [sflag:$0x1] =	stream.linear.gather @!p0 [hbm4b:s22+s23], $0x800, $0x38;
	[tilespmem:$0x11480] =	vst v63  }
0x16e: {  	s22 =	sadd.s32 s29, s7  }
0x16f: {  	[hbm4b:s22+s3] =	stream.linear.scatter [tilespmem:s14], [sflag:$0x3], $0x8000, $0x38;
	[tilespmem:$0x11480] =	vst v63  }
0x170: {  	_ =	swait.ge [sflag:s15], $0x800  }
0x171: {  	[sflag:s15] =	ssyncset.done $0x0  }
0x172: {  	s30 =	simm.s32 $0x0;
	s23 =	simm.s32 @!p1 $0x4;
	[sflag:s15] =	ssyncadd.s32 $0xFFFFF800  }
0x173: {  	s31 =	sand.u32 $0x780, s30;
	_ =	swait.ge @!p1 [sflag:s23], $0x8000  }
0x174: {  	s24 =	sand.u32 $0x60, s30;
	s25 =	sor.u32 $0x800, s31;
	[sflag:s23] =	ssyncset.done @!p1 $0x0  }
0x175: {  	s24 =	sor.u32 s24, s25;
	[sflag:s23] =	ssyncadd.s32 @!p1 $0xFFFF8000  }
0x176: {  	v4 =	vld [tilespmem:s24+$0x0];
	_ =	sdelay $0x4  }
0x177: {  	v1 =	vand.u32 $0x7FFFFFFF, v4  }
0x178: {  	v2 =	vand.u32 $0x7FFFFF, v1  }
0x179: {  	v2 =	vor.u32 $0x3F800000, v2  }
0x17a: {  	v3 =	vadd.f32 $-1.500000000e+00, v2;
	_ =	sdelay $0x1  }
0x17b: {  	s26 =	simm.s32 $0x10;
	v2 =	vmul.f32 $3.662242090e-03, v3  }
0x17c: {  	s23 =	sand.u32 $0x70, s26  }
0x17d: {  	s23 =	sor.u32 s23, s25;
	v2 =	vadd.f32 $-6.147917360e-03, v2  }
0x17e: {  	v5 =	vld [tilespmem:s23+$0x0]  }
0x17f: {  	v2 =	vmul.f32 v2, v3;
	_ =	sdelay $0x1  }
0x180: {  	v2 =	vadd.f32 $8.183676740e-03, v2;
	_ =	sdelay $0x1  }
0x181: {  	v6 =	vand.u32 $0x7FFFFFFF, v5;
	v2 =	vmul.f32 v2, v3  }
0x182: {  	v7 =	vand.u32 $0x7FFFFF, v6  }
0x183: {  	v7 =	vor.u32 $0x3F800000, v7;
	v2 =	vadd.f32 $-1.434011290e-02, v2  }
0x184: {  	v7 =	vadd.f32 $-1.500000000e+00, v7  }
0x185: {  	v2 =	vmul.f32 v2, v3  }
0x186: {  	v8 =	vmul.f32 $3.662242090e-03, v7  }
0x187: {  	v2 =	vadd.f32 $2.635364230e-02, v2  }
0x188: {  	v8 =	vadd.f32 $-6.147917360e-03, v8  }
0x189: {  	v2 =	vmul.f32 v2, v3  }
0x18a: {  	v8 =	vmul.f32 v8, v7  }
0x18b: {  	v2 =	vadd.f32 $-4.940934110e-02, v2  }
0x18c: {  	v8 =	vadd.f32 $8.183676740e-03, v8  }
0x18d: {  	v2 =	vmul.f32 v2, v3  }
0x18e: {  	v8 =	vmul.f32 v8, v7  }
0x18f: {  	v2 =	vadd.f32 $9.876491870e-02, v2  }
0x190: {  	v8 =	vadd.f32 $-1.434011290e-02, v8  }
0x191: {  	v2 =	vmul.f32 v2, v3  }
0x192: {  	v8 =	vmul.f32 v8, v7  }
0x193: {  	s29 =	simm.s32 $0x20;
	v2 =	vadd.f32 $-2.222213750e-01, v2  }
0x194: {  	s30 =	sand.u32 $0x780, s29;
	v8 =	vadd.f32 $2.635364230e-02, v8  }
0x195: {  	s24 =	sor.u32 $0x800, s30;
	s23 =	sand.u32 $0x60, s29;
	v2 =	vmul.f32 v2, v3  }
0x196: {  	s31 =	simm.s32 $0x30;
	s23 =	sor.u32 s23, s24;
	v8 =	vmul.f32 v8, v7  }
0x197: {  	s25 =	sand.u32 $0x70, s31;
	v1 =	vshrl.u32 v1, $0x17;
	v9 =	vadd.f32 $6.666666860e-01, v2;
	v2 =	vld [tilespmem:s23+$0x0]  }
0x198: {  	s24 =	sor.u32 s25, s24;
	v1 =	vadd.s32 $0xFFFFFF81, v1;
	v8 =	vadd.f32 $-4.940934110e-02, v8  }
0x199: {  	v10 =	vcvt.s32.f32 v1;
	v1 =	vld [tilespmem:s24+$0x0];
	v3 =	vmul.f32 v9, v3  }
0x19a: {  	v8 =	vmul.f32 v8, v7  }
0x19b: {  	v9 =	vmul.f32 $6.931471820e-01, v10;
	v3 =	vadd.f32 $4.054650960e-01, v3  }
0x19c: {  	v8 =	vadd.f32 $9.876491870e-02, v8;
	v10 =	vand.u32 $0x7FFFFFFF, v2  }
0x19d: {  	v3 =	vadd.f32 v3, v9;
	v9 =	vand.u32 $0x7FFFFF, v10  }
0x19e: {  	v11 =	vand.u32 $0x7FFFFFFF, v1;
	v8 =	vmul.f32 v8, v7;
	v9 =	vor.u32 $0x3F800000, v9  }
0x19f: {  	v12 =	vand.u32 $0x7FFFFF, v11;
	v3 =	vmax.f32 v3, $-4.605170250e+00;
	v13 =	vadd.f32 $-1.500000000e+00, v9  }
0x1a0: {  	v8 =	vadd.f32 $-2.222213750e-01, v8;
	v9 =	vor.u32 $0x3F800000, v12;
	v3 =	vmin.f32 v3, $6.907755370e+00  }
0x1a1: {  	v12 =	vadd.f32 $4.605170250e+00, v3;
	v3 =	vadd.f32 $-1.500000000e+00, v9;
	v9 =	vmul.f32 $3.662242090e-03, v13  }
0x1a2: {  	v8 =	vmul.f32 v8, v7  }
0x1a3: {  	vm4 =	vlt.f32 v4, $0.0e+00;
	v14 =	vmul.f32 $3.662242090e-03, v3;
	v9 =	vadd.f32 $-6.147917360e-03, v9  }
0x1a4: {  	v6 =	vshrl.u32 v6, $0x17;
	v8 =	vadd.f32 $6.666666860e-01, v8;
	v12 =	vmul.f32 $2.779484510e+00, v12  }
0x1a5: {  	v6 =	vadd.s32 $0xFFFFFF81, v6;
	v14 =	vadd.f32 $-6.147917360e-03, v14;
	v9 =	vmul.f32 v9, v13  }
0x1a6: {  	v6 =	vcvt.s32.f32 v6;
	v7 =	vmul.f32 v8, v7;
	v4 =	vxor.u32 $0x80000000, v12  }
0x1a7: {  	v4 =	vsel vm4, v12, v4;
	v12 =	vmul.f32 v14, v3;
	v9 =	vadd.f32 $8.183676740e-03, v9  }
0x1a8: {  	vm6 =	vlt.f32 v5, $0.0e+00;
	v6 =	vmul.f32 $6.931471820e-01, v6;
	v7 =	vadd.f32 $4.054650960e-01, v7  }
0x1a9: {  	v4 =	vadd.f32 $3.100000000e+01, v4;
	v8 =	vadd.f32 $8.183676740e-03, v12;
	v9 =	vmul.f32 v9, v13  }
0x1aa: {  	v11 =	vshrl.u32 v11, $0x17;
	v10 =	vshrl.u32 v10, $0x17;
	v6 =	vadd.f32 v7, v6  }
0x1ab: {  	v4 =	vtrunc.f32 v4;
	v8 =	vmul.f32 v8, v3;
	v9 =	vadd.f32 $-1.434011290e-02, v9  }
0x1ac: {  	v10 =	vadd.s32 $0xFFFFFF81, v10;
	v6 =	vmax.f32 v6, $-4.605170250e+00;
	v4 =	vcvt.f32.s32 v4  }
0x1ad: {  	v6 =	vmin.f32 v6, $6.907755370e+00;
	v8 =	vadd.f32 $-1.434011290e-02, v8;
	v9 =	vmul.f32 v9, v13  }
0x1ae: {  	v12 =	vcvt.s32.f32 v10;
	v7 =	vshll.u32 v4, $0x4;
	vm5 =	vlt.s32 v4, $0x0  }
0x1af: {  	s25 =	simm.s32 $0x40;
	v4 =	vadd.s32 $0x410, v7;
	v8 =	vmul.f32 v8, v3;
	v9 =	vadd.f32 $2.635364230e-02, v9  }
0x1b0: {  	s29 =	simm.s32 $0x50;
	s26 =	sand.u32 $0x780, s25;
	v10 =	vadd.s32 $0xFFFFFF81, v11;
	v7 =	vsel vm5, v4, v7;
	v4 =	vadd.f32 $4.605170250e+00, v6  }
0x1b1: {  	s24 =	sor.u32 $0x800, s26;
	s23 =	sand.u32 $0x60, s25;
	s25 =	sand.u32 $0x70, s29;
	v15 =	vcvt.s32.f32 v10;
	v8 =	vadd.f32 $2.635364230e-02, v8;
	v9 =	vmul.f32 v9, v13  }
0x1b2: {  	vm10 =	vlt.f32 v1, $0.0e+00;
	s23 =	sor.u32 s23, s24;
	s24 =	sor.u32 s25, s24;
	v12 =	vmul.f32 $6.931471820e-01, v12;
	v4 =	vmul.f32 $2.779484510e+00, v4  }
0x1b3: {  	v21 =	vld [tilespmem:s24+$0x0];
	v15 =	vmul.f32 $6.931471820e-01, v15;
	v8 =	vmul.f32 v8, v3;
	v9 =	vadd.f32 $-4.940934110e-02, v9  }
0x1b4: {  	v6 =	vbroadcast v7, $0x1;
	v11 =	vbroadcast v7, $0x0;
	v10 =	vxor.u32 $0x80000000, v4  }
0x1b5: {  	v29 =	vld [tilespmem:s23+$0x0];
	v4 =	vsel vm6, v4, v10;
	v8 =	vadd.f32 $-4.940934110e-02, v8;
	v10 =	vmul.f32 v9, v13  }
0x1b6: {  	vm8 =	vlt.f32 v2, $0.0e+00;
	v5 =	vbroadcast v7, $0x6;
	v14 =	vbroadcast v7, $0x2  }
0x1b7: {  	v16 =	vbroadcast v7, $0x3;
	v8 =	vmul.f32 v8, v3;
	v10 =	vadd.f32 $9.876491870e-02, v10  }
0x1b8: {  	v55 =	vand.u32 $0x7FFFFFFF, v21;
	v17 =	vbroadcast v7, $0x5;
	v24 =	vbroadcast v7, $0x9  }
0x1b9: {  	v26 =	vbroadcast v7, $0xA;
	v8 =	vadd.f32 $9.876491870e-02, v8;
	v19 =	vmul.f32 v10, v13  }
0x1ba: {  	vm12 =	vlt.f32 v29, $0.0e+00;
	v27 =	vbroadcast v7, $0xB;
	v28 =	vbroadcast v7, $0xC  }
0x1bb: {  	v10 =	vor.u32 v0, v5;
	v5 =	vmul.f32 v8, v3;
	v8 =	vadd.f32 $-2.222213750e-01, v19  }
0x1bc: {  	v20 =	vbroadcast v7, $0xD;
	v36 =	vbroadcast v7, $0xE;
	v18 =	vadd.f32 $3.100000000e+01, v4  }
0x1bd: {  	v42 =	vshrl.u32 v55, $0x17;
	v34 =	vbroadcast v7, $0xF;
	v8 =	vmul.f32 v8, v13  }
0x1be: {  	v56 =	vbroadcast v7, $0x4;
	v6 =	vor.u32 v0, v6;
	v18 =	vtrunc.f32 v18  }
0x1bf: {  	v23 =	vor.u32 v0, v11;
	v18 =	vcvt.f32.s32 v18;
	v8 =	vadd.f32 $6.666666860e-01, v8  }
0x1c0: {  	v51 =	vor.u32 v0, v14;
	v24 =	vor.u32 v0, v24;
	v26 =	vor.u32 v0, v26  }
0x1c1: {  	vm7 =	vlt.s32 v18, $0x0;
	v18 =	vshll.u32 v18, $0x4;
	v8 =	vmul.f32 v8, v13  }
0x1c2: {  	v4 =	vbroadcast v7, $0x8;
	v9 =	vbroadcast v7, $0x7;
	v19 =	vadd.s32 $0x410, v18  }
0x1c3: {  	v7 =	vand.u32 $0x7FFFFF, v55;
	v18 =	vsel vm7, v19, v18;
	v8 =	vadd.f32 $4.054650960e-01, v8  }
0x1c4: {  	v57 =	vor.u32 $0x3F800000, v7;
	v5 =	vadd.f32 $-2.222213750e-01, v5;
	v19 =	vbroadcast v18, $0x0  }
0x1c5: {  	v25 =	vbroadcast v18, $0x1;
	v50 =	vbroadcast v18, $0x2;
	v12 =	vadd.f32 v8, v12  }
0x1c6: {  	v52 =	vbroadcast v18, $0x3;
	v53 =	vbroadcast v18, $0x4;
	v13 =	vor.u32 v0, v16  }
0x1c7: {  	v16 =	vor.u32 v0, v17;
	v17 =	vor.u32 v0, v19;
	v12 =	vmax.f32 v12, $-4.605170250e+00  }
0x1c8: {  	v19 =	vor.u32 v0, v25;
	v25 =	vand.u32 $0x7FFFFFFF, v29;
	v12 =	vmin.f32 v12, $6.907755370e+00  }
0x1c9: {  	v54 =	vbroadcast v18, $0x5;
	v30 =	vand.u32 $0x7FFFFF, v25;
	v12 =	vadd.f32 $4.605170250e+00, v12  }
0x1ca: {  	v14 =	vbroadcast v18, $0x6;
	v11 =	vbroadcast v18, $0x7;
	v30 =	vor.u32 $0x3F800000, v30  }
0x1cb: {  	v23 =	vld.idx.msk [tilespmem:v23+s10+$0x0], $0xffff;
	v37 =	vbroadcast v18, $0x8;
	v46 =	vadd.f32 $-1.500000000e+00, v30;
	v12 =	vmul.f32 $2.779484510e+00, v12  }
0x1cc: {  	v31 =	vbroadcast v18, $0x9;
	v22 =	vbroadcast v18, $0xA;
	v30 =	vadd.f32 $-1.500000000e+00, v57  }
0x1cd: {  	v33 =	vbroadcast v18, $0xB;
	v58 =	vmul.f32 $3.662242090e-03, v46;
	v17 =	vld.idx.msk [tilespmem:v17+s10+$0x0], $0xffff;
	v2 =	vxor.u32 $0x80000000, v12  }
0x1ce: {  	v35 =	vbroadcast v18, $0xC;
	v2 =	vsel vm8, v12, v2;
	v12 =	vmul.f32 $3.662242090e-03, v30  }
0x1cf: {  	s24 =	simm.s32 $0x91F0;
	v32 =	vbroadcast v18, $0xD;
	v5 =	vmul.f32 v5, v3;
	v43 =	vadd.f32 $-6.147917360e-03, v58  }
0x1d0: {  	[tilespmem:s24+$0xFFFFFE10] =	vst v23;
	v25 =	vshrl.u32 v25, $0x17;
	v2 =	vadd.f32 $3.100000000e+01, v2;
	v12 =	vadd.f32 $-6.147917360e-03, v12  }
0x1d1: {  	v6 =	vld.idx.msk [tilespmem:v6+s10+$0x0], $0xffff;
	v5 =	vadd.f32 $6.666666860e-01, v5;
	v23 =	vadd.s32 $0xFFFFFF81, v25;
	v25 =	vmul.f32 v43, v46  }
0x1d2: {  	v20 =	vor.u32 v0, v20;
	[tilespmem:s24+$0xFFFFFF10] =	vst v17;
	v2 =	vtrunc.f32 v2;
	v12 =	vmul.f32 v12, v30  }
0x1d3: {  	v3 =	vmul.f32 v5, v3;
	v5 =	vadd.f32 $8.183676740e-03, v25;
	v17 =	vld.idx.msk [tilespmem:v19+s10+$0x0], $0xffff;
	v2 =	vcvt.f32.s32 v2  }
0x1d4: {  	v7 =	vbroadcast v18, $0xF;
	v38 =	vor.u32 v0, v50;
	v12 =	vadd.f32 $8.183676740e-03, v12  }
0x1d5: {  	v3 =	vadd.f32 $4.054650960e-01, v3;
	v5 =	vmul.f32 v5, v46;
	v59 =	vshll.u32 v2, $0x4  }
0x1d6: {  	[tilespmem:s24+$0xFFFFFE20] =	vst v6;
	vm9 =	vlt.s32 v2, $0x0;
	v2 =	vadd.s32 $0x410, v59;
	v6 =	vmul.f32 v12, v30  }
0x1d7: {  	v12 =	vld.idx.msk [tilespmem:v51+s10+$0x0], $0xffff;
	v39 =	vsel vm9, v2, v59;
	v2 =	vadd.f32 v3, v15;
	v3 =	vadd.f32 $-1.434011290e-02, v5  }
0x1d8: {  	v23 =	vcvt.s32.f32 v23;
	v8 =	vbroadcast v18, $0xE;
	v18 =	vor.u32 v0, v56;
	[tilespmem:s24+$0xFFFFFF20] =	vst v17  }
0x1d9: {  	v19 =	vadd.s32 $0xFFFFFF81, v42;
	v25 =	vor.u32 v0, v52;
	v17 =	vld.idx.msk [tilespmem:v38+s10+$0x0], $0xffff;
	v3 =	vmul.f32 v3, v46  }
0x1da: {  	v40 =	vcvt.s32.f32 v19;
	v5 =	vbroadcast v39, $0x1;
	v6 =	vadd.f32 $-1.434011290e-02, v6  }
0x1db: {  	v15 =	vbroadcast v39, $0x0;
	v2 =	vmax.f32 v2, $-4.605170250e+00;
	v3 =	vadd.f32 $2.635364230e-02, v3  }
0x1dc: {  	v43 =	vbroadcast v39, $0x7;
	v1 =	vmin.f32 v2, $6.907755370e+00;
	v2 =	vmul.f32 v6, v30;
	[tilespmem:s24+$0xFFFFFE30] =	vst v12  }
0x1dd: {  	v48 =	vor.u32 v0, v5;
	v60 =	vor.u32 v0, v15;
	v13 =	vld.idx.msk [tilespmem:v13+s10+$0x0], $0xffff;
	v3 =	vmul.f32 v3, v46  }
0x1de: {  	[tilespmem:s24+$0xFFFFFF30] =	vst v17;
	v5 =	vbroadcast v39, $0x3;
	v1 =	vadd.f32 $4.605170250e+00, v1;
	v2 =	vadd.f32 $2.635364230e-02, v2  }
0x1df: {  	v17 =	vld.idx.msk [tilespmem:v25+s10+$0x0], $0xffff;
	v15 =	vbroadcast v39, $0x9;
	v6 =	vbroadcast v39, $0x6;
	v3 =	vadd.f32 $-4.940934110e-02, v3  }
0x1e0: {  	v19 =	vor.u32 v0, v53;
	v1 =	vmul.f32 $2.779484510e+00, v1;
	v2 =	vmul.f32 v2, v30  }
0x1e1: {  	v55 =	vor.u32 v0, v9;
	v12 =	vbroadcast v39, $0x2;
	v3 =	vmul.f32 v3, v46  }
0x1e2: {  	v38 =	vor.u32 v0, v6;
	v6 =	vxor.u32 $0x80000000, v1;
	v2 =	vadd.f32 $-4.940934110e-02, v2;
	[tilespmem:s24+$0xFFFFFE40] =	vst v13  }
0x1e3: {  	v42 =	vor.u32 v0, v5;
	v1 =	vsel vm10, v1, v6;
	v18 =	vld.idx.msk [tilespmem:v18+s10+$0x0], $0xffff;
	v3 =	vadd.f32 $9.876491870e-02, v3  }
0x1e4: {  	v5 =	vbroadcast v39, $0xC;
	[tilespmem:s24+$0xFFFFFF40] =	vst v17;
	v1 =	vadd.f32 $3.100000000e+01, v1;
	v2 =	vmul.f32 v2, v30  }
0x1e5: {  	v49 =	vor.u32 v0, v12;
	v17 =	vor.u32 v0, v54;
	v19 =	vld.idx.msk [tilespmem:v19+s10+$0x0], $0xffff;
	v3 =	vmul.f32 v3, v46  }
0x1e6: {  	v6 =	vbroadcast v39, $0x5;
	v1 =	vtrunc.f32 v1;
	v2 =	vadd.f32 $9.876491870e-02, v2  }
0x1e7: {  	v12 =	vbroadcast v39, $0x8;
	v1 =	vcvt.f32.s32 v1;
	v25 =	vadd.f32 $-2.222213750e-01, v3  }
0x1e8: {  	v13 =	vbroadcast v39, $0xA;
	v41 =	vor.u32 v0, v6;
	v2 =	vmul.f32 v2, v30;
	[tilespmem:s24+$0xFFFFFE50] =	vst v18  }
0x1e9: {  	v6 =	vbroadcast v39, $0xB;
	v18 =	vshll.u32 v1, $0x4;
	v16 =	vld.idx.msk [tilespmem:v16+s10+$0x0], $0xffff;
	v25 =	vmul.f32 v25, v46  }
0x1ea: {  	[tilespmem:s24+$0xFFFFFF50] =	vst v19;
	vm11 =	vlt.s32 v1, $0x0;
	v61 =	vadd.f32 $-2.222213750e-01, v2;
	v62 =	vadd.s32 $0x410, v18  }
0x1eb: {  	v63 =	vld.idx.msk [tilespmem:v17+s10+$0x0], $0xffff;
	v3 =	vbroadcast v39, $0xD;
	v50 =	vsel vm11, v62, v18;
	v19 =	vadd.f32 $6.666666860e-01, v25  }
0x1ec: {  	s30 =	simm.s32 $0x60;
	v14 =	vor.u32 v0, v14;
	v59 =	vld.idx.msk [tilespmem:v60+s10+$0x0], $0xffff;
	v51 =	vmul.f32 v61, v30;
	v18 =	vbroadcast v50, $0x0  }
0x1ed: {  	s26 =	sand.u32 $0x780, s30;
	v58 =	vor.u32 v0, v11;
	v25 =	vbroadcast v50, $0x1;
	v9 =	vmul.f32 v19, v46  }
0x1ee: {  	s26 =	sor.u32 $0x800, s26;
	s23 =	sand.u32 $0x60, s30;
	v60 =	vor.u32 v0, v4;
	v53 =	vbroadcast v50, $0x2;
	v54 =	vbroadcast v50, $0x3;
	[tilespmem:s24+$0xFFFFFE60] =	vst v16  }
0x1ef: {  	s23 =	sor.u32 s23, s26;
	v56 =	vbroadcast v50, $0x4;
	v57 =	vld.idx.msk [tilespmem:v10+s10+$0x0], $0xffff;
	v9 =	vadd.f32 $4.054650960e-01, v9;
	v10 =	vmul.f32 $6.931471820e-01, v23  }
0x1f0: {  	[tilespmem:s24+$0xFFFFFF60] =	vst v63;
	v45 =	vbroadcast v50, $0x5;
	v44 =	vbroadcast v50, $0x6;
	v61 =	vor.u32 v0, v25;
	v25 =	vld [tilespmem:s23+$0x0];
	s23 =	simm.s32 $0x93F0  }
0x1f1: {  	s31 =	simm.s32 $0x70;
	v17 =	vbroadcast v50, $0x9;
	v11 =	vbroadcast v50, $0xB;
	v52 =	vld.idx.msk [tilespmem:v14+s10+$0x0], $0xffff;
	[tilespmem:s23+$0xFFFFFE10] =	vst v59;
	v47 =	vadd.f32 v9, v10  }
0x1f2: {  	s25 =	sand.u32 $0x70, s31;
	v14 =	vbroadcast v50, $0xC;
	v4 =	vbroadcast v50, $0xF;
	v46 =	vor.u32 v0, v18;
	v48 =	vld.idx.msk [tilespmem:v48+s10+$0x0], $0xffff  }
0x1f3: {  	s25 =	sor.u32 s25, s26;
	v19 =	vbroadcast v50, $0x7;
	v18 =	vbroadcast v50, $0x8;
	v47 =	vmax.f32 v47, $-4.605170250e+00  }
0x1f4: {  	v16 =	vbroadcast v50, $0xA;
	v23 =	vld [tilespmem:s25+$0x0];
	v9 =	vbroadcast v50, $0xD;
	[tilespmem:s24+$0xFFFFFE70] =	vst v57;
	v57 =	vmin.f32 v47, $6.907755370e+00  }
0x1f5: {  	v10 =	vbroadcast v50, $0xE;
	v47 =	vor.u32 v0, v28;
	v28 =	vld.idx.msk [tilespmem:v55+s10+$0x0], $0xffff;
	v50 =	vadd.f32 $4.605170250e+00, v57  }
0x1f6: {  	v37 =	vor.u32 v0, v37;
	v1 =	vbroadcast v39, $0xF;
	v2 =	vbroadcast v39, $0xE  }
0x1f7: {  	v39 =	vbroadcast v39, $0x4;
	[tilespmem:s23+$0xFFFFFE20] =	vst v48;
	v55 =	vor.u32 v0, v27;
	v27 =	vld.idx.msk [tilespmem:v46+s10+$0x0], $0xffff;
	v62 =	vmul.f32 $2.779484510e+00, v50  }
0x1f8: {  	vm14 =	vlt.f32 v21, $0.0e+00;
	v33 =	vor.u32 v0, v33;
	v29 =	vor.u32 v0, v31;
	[tilespmem:s24+$0xFFFFFF70] =	vst v52;
	v49 =	vld.idx.msk [tilespmem:v49+s10+$0x0], $0xffff  }
0x1f9: {  	v31 =	vld.idx.msk [tilespmem:v58+s10+$0x0], $0xffff;
	v50 =	vor.u32 v0, v39;
	v39 =	vand.u32 $0x7FFFFFFF, v25;
	v63 =	vxor.u32 $0x80000000, v62  }
0x1fa: {  	v52 =	vand.u32 $0x7FFFFFFF, v23;
	[tilespmem:s24+$0xFFFFFE80] =	vst v28;
	v28 =	vsel vm12, v62, v63;
	v62 =	vand.u32 $0x7FFFFF, v39  }
0x1fb: {  	v46 =	vor.u32 v0, v35;
	v63 =	vand.u32 $0x7FFFFF, v52;
	v58 =	vld.idx.msk [tilespmem:v60+s10+$0x0], $0xffff;
	v35 =	vor.u32 $0x3F800000, v62  }
0x1fc: {  	v59 =	vshrl.u32 v39, $0x17;
	[tilespmem:s23+$0xFFFFFF10] =	vst v27;
	v57 =	vor.u32 $0x3F800000, v63;
	v39 =	vadd.f32 $-1.500000000e+00, v35  }
0x1fd: {  	v53 =	vor.u32 v0, v53;
	[tilespmem:s23+$0xFFFFFE30] =	vst v49;
	v62 =	vadd.f32 $6.666666860e-01, v51;
	v48 =	vld.idx.msk [tilespmem:v61+s10+$0x0], $0xffff;
	v27 =	vadd.f32 $-1.500000000e+00, v57  }
0x1fe: {  	[tilespmem:s24+$0xFFFFFF80] =	vst v31;
	v28 =	vadd.f32 $3.100000000e+01, v28;
	v61 =	vadd.s32 $0xFFFFFF81, v59;
	v59 =	vld.idx.msk [tilespmem:v42+s10+$0x0], $0xffff;
	v63 =	vmul.f32 $3.662242090e-03, v39  }
0x1ff: {  	v22 =	vor.u32 v0, v22;
	v54 =	vor.u32 v0, v54;
	v60 =	vld.idx.msk [tilespmem:v37+s10+$0x0], $0xffff;
	v57 =	vmul.f32 $3.662242090e-03, v27  }
0x200: {  	v30 =	vmul.f32 v62, v30;
	v28 =	vtrunc.f32 v28;
	[tilespmem:s24+$0xFFFFFE90] =	vst v58;
	v62 =	vadd.f32 $-6.147917360e-03, v63  }
0x201: {  	v31 =	vshrl.u32 v52, $0x17;
	v28 =	vcvt.f32.s32 v28;
	v63 =	vadd.f32 $-6.147917360e-03, v57;
	v24 =	vld.idx.msk [tilespmem:v24+s10+$0x0], $0xffff  }
0x202: {  	v31 =	vadd.s32 $0xFFFFFF81, v31;
	v51 =	vmul.f32 $6.931471820e-01, v40;
	[tilespmem:s23+$0xFFFFFF20] =	vst v48;
	v37 =	vmul.f32 v62, v39  }
0x203: {  	vm13 =	vlt.s32 v28, $0x0;
	v28 =	vshll.u32 v28, $0x4;
	[tilespmem:s23+$0xFFFFFE40] =	vst v59;
	v48 =	vld.idx.msk [tilespmem:v53+s10+$0x0], $0xffff;
	v57 =	vmul.f32 v63, v27  }
0x204: {  	v30 =	vadd.f32 $4.054650960e-01, v30;
	[tilespmem:s24+$0xFFFFFF90] =	vst v60;
	v58 =	vadd.s32 $0x410, v28;
	v50 =	vld.idx.msk [tilespmem:v50+s10+$0x0], $0xffff;
	v60 =	vadd.f32 $8.183676740e-03, v37  }
0x205: {  	v37 =	vcvt.s32.f32 v31;
	v31 =	vsel vm13, v58, v28;
	v28 =	vld.idx.msk [tilespmem:v29+s10+$0x0], $0xffff;
	v29 =	vadd.f32 $8.183676740e-03, v57  }
0x206: {  	v43 =	vor.u32 v0, v43;
	v45 =	vor.u32 v0, v45;
	[tilespmem:s24+$0xFFFFFEA0] =	vst v24;
	v24 =	vmul.f32 v60, v39  }
0x207: {  	v40 =	vcvt.s32.f32 v61;
	v30 =	vadd.f32 v30, v51;
	v21 =	vmul.f32 v29, v27;
	v26 =	vld.idx.msk [tilespmem:v26+s10+$0x0], $0xffff  }
0x208: {  	v63 =	vor.u32 v0, v56;
	v61 =	vbroadcast v31, $0x1;
	[tilespmem:s23+$0xFFFFFF30] =	vst v48;
	v24 =	vadd.f32 $-1.434011290e-02, v24  }
0x209: {  	v62 =	vbroadcast v31, $0x0;
	v29 =	vmax.f32 v30, $-4.605170250e+00;
	[tilespmem:s23+$0xFFFFFE50] =	vst v50;
	v48 =	vld.idx.msk [tilespmem:v54+s10+$0x0], $0xffff;
	v21 =	vadd.f32 $-1.434011290e-02, v21  }
0x20a: {  	v30 =	vbroadcast v31, $0x6;
	v29 =	vmin.f32 v29, $6.907755370e+00;
	v60 =	vld.idx.msk [tilespmem:v41+s10+$0x0], $0xffff;
	[tilespmem:s24+$0xFFFFFFA0] =	vst v28;
	v24 =	vmul.f32 v24, v39  }
0x20b: {  	v49 =	vor.u32 v0, v61;
	v28 =	vadd.f32 $4.605170250e+00, v29;
	v56 =	vld.idx.msk [tilespmem:v22+s10+$0x0], $0xffff;
	v21 =	vmul.f32 v21, v27  }
0x20c: {  	v22 =	vor.u32 v0, v30;
	v30 =	vbroadcast v31, $0x3;
	[tilespmem:s24+$0xFFFFFEB0] =	vst v26;
	v24 =	vadd.f32 $2.635364230e-02, v24  }
0x20d: {  	v29 =	vbroadcast v31, $0x2;
	v26 =	vor.u32 v0, v62;
	v21 =	vadd.f32 $2.635364230e-02, v21;
	v57 =	vld.idx.msk [tilespmem:v55+s10+$0x0], $0xffff  }
0x20e: {  	v28 =	vmul.f32 $2.779484510e+00, v28;
	v35 =	vor.u32 v0, v30;
	[tilespmem:s23+$0xFFFFFF40] =	vst v48;
	v30 =	vmul.f32 v24, v39  }
0x20f: {  	v41 =	vbroadcast v31, $0x8;
	v42 =	vor.u32 v0, v29;
	[tilespmem:s23+$0xFFFFFE60] =	vst v60;
	v59 =	vld.idx.msk [tilespmem:v63+s10+$0x0], $0xffff;
	v21 =	vmul.f32 v21, v27  }
0x210: {  	v29 =	vbroadcast v31, $0x5;
	v58 =	vxor.u32 $0x80000000, v28;
	v48 =	vld.idx.msk [tilespmem:v38+s10+$0x0], $0xffff;
	[tilespmem:s24+$0xFFFFFFB0] =	vst v56;
	v30 =	vadd.f32 $-4.940934110e-02, v30  }
0x211: {  	v38 =	vbroadcast v31, $0xF;
	v28 =	vsel vm14, v28, v58;
	v52 =	vld.idx.msk [tilespmem:v33+s10+$0x0], $0xffff;
	v21 =	vadd.f32 $-4.940934110e-02, v21  }
0x212: {  	v61 =	vadd.f32 $3.100000000e+01, v28;
	v62 =	vld.idx.msk [tilespmem:v26+s10+$0x0], $0xffff;
	v26 =	vor.u32 v0, v29;
	[tilespmem:s24+$0xFFFFFEC0] =	vst v57;
	v29 =	vmul.f32 v30, v39  }
0x213: {  	v44 =	vor.u32 v0, v44;
	v24 =	vbroadcast v31, $0x7;
	v21 =	vmul.f32 v21, v27;
	v63 =	vld.idx.msk [tilespmem:v47+s10+$0x0], $0xffff  }
0x214: {  	v28 =	vbroadcast v31, $0x9;
	v30 =	vtrunc.f32 v61;
	[tilespmem:s23+$0xFFFFFF50] =	vst v59;
	v57 =	vadd.f32 $9.876491870e-02, v29  }
0x215: {  	v33 =	vbroadcast v31, $0xB;
	v56 =	vcvt.f32.s32 v30;
	v45 =	vld.idx.msk [tilespmem:v45+s10+$0x0], $0xffff;
	v21 =	vadd.f32 $9.876491870e-02, v21  }
0x216: {  	s25 =	simm.s32 $0x95F0;
	v51 =	vor.u32 v0, v36;
	v30 =	vbroadcast v31, $0xC;
	[tilespmem:s24+$0xFFFFFFC0] =	vst v52;
	v58 =	vmul.f32 v57, v39  }
0x217: {  	vm15 =	vlt.s32 v56, $0x0;
	v59 =	vshll.u32 v56, $0x4;
	[tilespmem:s25+$0xFFFFFE10] =	vst v62;
	v52 =	vld.idx.msk [tilespmem:v46+s10+$0x0], $0xffff;
	v60 =	vmul.f32 v21, v27  }
0x218: {  	v62 =	vadd.s32 $0x410, v59;
	v46 =	vor.u32 v0, v32;
	v47 =	vld.idx.msk [tilespmem:v49+s10+$0x0], $0xffff;
	[tilespmem:s24+$0xFFFFFED0] =	vst v63;
	v61 =	vadd.f32 $-2.222213750e-01, v58  }
0x219: {  	v29 =	vbroadcast v31, $0xA;
	v21 =	vbroadcast v31, $0xD;
	v32 =	vsel vm15, v62, v59;
	v49 =	vld.idx.msk [tilespmem:v20+s10+$0x0], $0xffff  }
0x21a: {  	v53 =	vadd.f32 $-2.222213750e-01, v60;
	[tilespmem:s23+$0xFFFFFF60] =	vst v45;
	v36 =	vbroadcast v32, $0x0;
	v63 =	vmul.f32 v61, v39  }
0x21b: {  	[tilespmem:s23+$0xFFFFFE70] =	vst v48;
	v48 =	vbroadcast v32, $0x2;
	v20 =	vbroadcast v31, $0xE;
	v45 =	vld.idx.msk [tilespmem:v44+s10+$0x0], $0xffff;
	v44 =	vor.u32 v0, v34  }
0x21c: {  	s28 =	simm.s32 $0x90;
	s26 =	simm.s32 $0x6;
	v43 =	vld.idx.msk [tilespmem:v43+s10+$0x0], $0xffff;
	v50 =	vmul.f32 v53, v27;
	v53 =	vbroadcast v32, $0x1;
	[tilespmem:s24+$0xFFFFFFD0] =	vst v52;
	v54 =	vadd.f32 $6.666666860e-01, v63  }
.LBB2_5:
0x21d: {  	s29 =	sadd.s32 $0xFFFFFFF0, s28;
	s26 =	sadd.s32 $0x2, s26;
	[tilespmem:s25+$0xFFFFFE20] =	vst v47;
	v55 =	vor.u32 v0, v36;
	v52 =	vbroadcast v32, $0x3;
	v47 =	vbroadcast v32, $0x4;
	v56 =	vld.idx.msk [tilespmem:v46+s10+$0x0], $0xffff;
	v34 =	vmovc v1  }
0x21e: {  	v46 =	vbroadcast v32, $0x5;
	v57 =	vor.u32 v0, v19;
	s30 =	sand.u32 $0x60, s29;
	s29 =	sand.u32 $0x780, s29;
	p1 =	slt.u32 s26, $0x7E;
	v39 =	vmul.f32 v54, v39;
	v54 =	vld.idx.msk [tilespmem:v42+s10+$0x0], $0xffff;
	[tilespmem:s24+$0xFFFFFEE0] =	vst v49  }
0x21f: {  	s31 =	sand.u32 $0x70, s28;
	v36 =	vbroadcast v32, $0x6;
	v19 =	vbroadcast v32, $0x7;
	v1 =	vmovc v38;
	s29 =	sor.u32 $0x800, s29;
	v49 =	vld.idx.msk [tilespmem:v51+s10+$0x0], $0xffff;
	v51 =	vor.u32 v0, v8;
	v8 =	vmovc v10  }
0x220: {  	v38 =	vmul.f32 $6.931471820e-01, v40;
	s30 =	sor.u32 s30, s29;
	s29 =	sor.u32 s31, s29;
	v10 =	vadd.f32 $4.054650960e-01, v39;
	v39 =	vbroadcast v32, $0x8  }
0x221: {  	v40 =	vbroadcast v32, $0x9;
	v58 =	vbroadcast v32, $0xA;
	v59 =	vor.u32 v0, v12;
	v12 =	vmovc v41;
	v42 =	vld [tilespmem:s29+$0x0];
	[tilespmem:s23+$0xFFFFFF70] =	vst v45  }
0x222: {  	v60 =	vbroadcast v32, $0xC;
	v41 =	vadd.f32 v10, v38;
	v45 =	vld.idx.msk [tilespmem:v55+s10+$0x0], $0xffff;
	v55 =	vbroadcast v32, $0xB;
	[tilespmem:s23+$0xFFFFFE80] =	vst v43  }
0x223: {  	v38 =	vbroadcast v32, $0xD;
	v10 =	vbroadcast v32, $0xE;
	v57 =	vld.idx.msk [tilespmem:v57+s10+$0x0], $0xffff;
	[tilespmem:s24+$0xFFFFFFE0] =	vst v56;
	v56 =	vor.u32 v0, v7;
	v7 =	vmovc v4  }
0x224: {  	v53 =	vor.u32 v0, v53;
	v4 =	vbroadcast v32, $0xF;
	v41 =	vmax.f32 v41, $-4.605170250e+00;
	[tilespmem:s25+$0xFFFFFE30] =	vst v54;
	v51 =	vld.idx.msk [tilespmem:v51+s10+$0x0], $0xffff  }
0x225: {  	v43 =	vor.u32 v0, v5;
	v54 =	vld [tilespmem:s30+$0x0];
	v32 =	vmin.f32 v41, $6.907755370e+00;
	v41 =	vor.u32 v0, v18;
	[tilespmem:s24+$0xFFFFFEF0] =	vst v49;
	v18 =	vmovc v39  }
0x226: {  	v31 =	vbroadcast v31, $0x4;
	v5 =	vmovc v30;
	v39 =	vadd.f32 $4.605170250e+00, v32;
	v49 =	vld.idx.msk [tilespmem:v59+s10+$0x0], $0xffff;
	v59 =	vor.u32 v0, v6;
	v6 =	vmovc v33  }
0x227: {  	v61 =	vor.u32 v0, v13;
	v33 =	vor.u32 v0, v15;
	v32 =	vor.u32 v0, v14;
	v44 =	vld.idx.msk [tilespmem:v44+s10+$0x0], $0xffff  }
0x228: {  	v62 =	vor.u32 v0, v31;
	v30 =	vor.u32 v0, v11;
	v11 =	vmovc v55;
	v13 =	vmul.f32 $2.779484510e+00, v39;
	[tilespmem:s25+$0xFFFFFF10] =	vst v45  }
0x229: {  	vm0 =	vlt.f32 v25, $0.0e+00;
	v45 =	vor.u32 v0, v17;
	v31 =	vld.idx.msk [tilespmem:v53+s10+$0x0], $0xffff;
	[tilespmem:s23+$0xFFFFFF80] =	vst v57;
	v53 =	vor.u32 v0, v16  }
0x22a: {  	v55 =	vand.u32 $0x7FFFFFFF, v42;
	v17 =	vmovc v40;
	v16 =	vmovc v58;
	v39 =	vand.u32 $0x7FFFFFFF, v54;
	v57 =	vxor.u32 $0x80000000, v13;
	v41 =	vld.idx.msk [tilespmem:v41+s10+$0x0], $0xffff;
	[tilespmem:s24+$0xFFFFFFF0] =	vst v51  }
0x22b: {  	v48 =	vor.u32 v0, v48;
	v14 =	vmovc v60;
	v51 =	vand.u32 $0x7FFFFF, v55;
	v25 =	vmovc v54;
	v40 =	vand.u32 $0x7FFFFF, v39;
	v56 =	vld.idx.msk [tilespmem:v56+s10+$0x0], $0xffff  }
0x22c: {  	v15 =	vmovc v28;
	v51 =	vor.u32 $0x3F800000, v51;
	v54 =	vsel vm0, v13, v57;
	v40 =	vor.u32 $0x3F800000, v40;
	[tilespmem:s23+$0xFFFFFE90] =	vst v49;
	v13 =	vmovc v29  }
0x22d: {  	v28 =	vshrl.u32 v39, $0x17;
	v29 =	vadd.f32 $-1.500000000e+00, v51;
	v39 =	vadd.f32 $-1.500000000e+00, v40;
	v33 =	vld.idx.msk [tilespmem:v33+s10+$0x0], $0xffff;
	[tilespmem:s24+$0xFFFFFF00] =	vst v44  }
0x22e: {  	v49 =	vadd.f32 $3.100000000e+01, v54;
	v51 =	vmul.f32 $6.931471820e-01, v37;
	v44 =	vshrl.u32 v55, $0x17  }
0x22f: {  	v28 =	vadd.s32 $0xFFFFFF81, v28;
	v54 =	vmul.f32 $3.662242090e-03, v29;
	v37 =	vmul.f32 $3.662242090e-03, v39;
	[tilespmem:s25+$0xFFFFFF20] =	vst v31  }
0x230: {  	v40 =	vcvt.s32.f32 v28;
	v28 =	vtrunc.f32 v49;
	v31 =	vadd.f32 $6.666666860e-01, v50;
	v48 =	vld.idx.msk [tilespmem:v48+s10+$0x0], $0xffff;
	[tilespmem:s23+$0xFFFFFF90] =	vst v41  }
0x231: {  	v28 =	vcvt.f32.s32 v28;
	v41 =	vadd.s32 $0xFFFFFF81, v44;
	v37 =	vadd.f32 $-6.147917360e-03, v37;
	v35 =	vld.idx.msk [tilespmem:v35+s10+$0x0], $0xffff;
	[tilespmem:s24+$0x0] =	vst v56;
	s24 =	smov.u32 s23;
	s23 =	smov.u32 s25  }
0x232: {  	v49 =	vor.u32 v0, v52;
	v44 =	vadd.f32 $-6.147917360e-03, v54;
	v31 =	vmul.f32 v31, v27;
	v27 =	vmovc v29;
	v45 =	vld.idx.msk [tilespmem:v45+s10+$0x0], $0xffff  }
0x233: {  	vm0 =	vlt.s32 v28, $0x0;
	v28 =	vshll.u32 v28, $0x4;
	v29 =	vmul.f32 v37, v39;
	[tilespmem:s24+$0xFFFFFEA0] =	vst v33  }
0x234: {  	v33 =	vmul.f32 v44, v27;
	v44 =	vadd.s32 $0x410, v28;
	v50 =	vadd.f32 $4.054650960e-01, v31;
	v52 =	vld.idx.msk [tilespmem:v61+s10+$0x0], $0xffff  }
0x235: {  	v37 =	vcvt.s32.f32 v41;
	v31 =	vsel vm0, v44, v28;
	v29 =	vadd.f32 $8.183676740e-03, v29  }
0x236: {  	v28 =	vadd.f32 $8.183676740e-03, v33;
	v33 =	vbroadcast v31, $0x1;
	v41 =	vadd.f32 v50, v51;
	[tilespmem:s25+$0xFFFFFF30] =	vst v48  }
0x237: {  	vm0 =	vlt.f32 v23, $0.0e+00;
	v23 =	vmovc v42;
	v44 =	vbroadcast v31, $0x0;
	v29 =	vmul.f32 v29, v39;
	[tilespmem:s25+$0xFFFFFE40] =	vst v35;
	v35 =	vld.idx.msk [tilespmem:v49+s10+$0x0], $0xffff  }
0x238: {  	v42 =	vbroadcast v31, $0x6;
	v28 =	vmul.f32 v28, v27;
	v41 =	vmax.f32 v41, $-4.605170250e+00;
	v48 =	vld.idx.msk [tilespmem:v62+s10+$0x0], $0xffff;
	[tilespmem:s24+$0xFFFFFFA0] =	vst v45  }
0x239: {  	v41 =	vmin.f32 v41, $6.907755370e+00;
	v45 =	vor.u32 v0, v47;
	v29 =	vadd.f32 $-1.434011290e-02, v29;
	v47 =	vld.idx.msk [tilespmem:v53+s10+$0x0], $0xffff  }
0x23a: {  	v49 =	vor.u32 v0, v33;
	v28 =	vadd.f32 $-1.434011290e-02, v28;
	v33 =	vadd.f32 $4.605170250e+00, v41;
	[tilespmem:s24+$0xFFFFFEB0] =	vst v52  }
0x23b: {  	v50 =	vor.u32 v0, v42;
	v41 =	vbroadcast v31, $0x2;
	v29 =	vmul.f32 v29, v39;
	v51 =	vld.idx.msk [tilespmem:v59+s10+$0x0], $0xffff  }
0x23c: {  	v44 =	vor.u32 v0, v44;
	v52 =	vbroadcast v31, $0x3;
	v28 =	vmul.f32 v28, v27  }
0x23d: {  	v42 =	vor.u32 v0, v41;
	v33 =	vmul.f32 $2.779484510e+00, v33;
	v29 =	vadd.f32 $2.635364230e-02, v29;
	[tilespmem:s25+$0xFFFFFF40] =	vst v35  }
0x23e: {  	v41 =	vbroadcast v31, $0x5;
	v28 =	vadd.f32 $2.635364230e-02, v28;
	v35 =	vor.u32 v0, v52;
	[tilespmem:s25+$0xFFFFFE50] =	vst v48;
	v45 =	vld.idx.msk [tilespmem:v45+s10+$0x0], $0xffff  }
0x23f: {  	v52 =	vxor.u32 $0x80000000, v33;
	v48 =	vbroadcast v31, $0x7;
	v29 =	vmul.f32 v29, v39;
	v53 =	vld.idx.msk [tilespmem:v26+s10+$0x0], $0xffff;
	[tilespmem:s24+$0xFFFFFFB0] =	vst v47  }
0x240: {  	v46 =	vor.u32 v0, v46;
	v33 =	vsel vm0, v33, v52;
	s25 =	sadd.s32 $0x200, s25;
	v28 =	vmul.f32 v28, v27;
	v47 =	vld.idx.msk [tilespmem:v30+s10+$0x0], $0xffff  }
0x241: {  	v26 =	vor.u32 v0, v41;
	v30 =	vadd.f32 $3.100000000e+01, v33;
	v29 =	vadd.f32 $-4.940934110e-02, v29;
	v44 =	vld.idx.msk [tilespmem:v44+s10+$0x0], $0xffff;
	[tilespmem:s24+$0xFFFFFEC0] =	vst v51  }
0x242: {  	v41 =	vbroadcast v31, $0x8;
	v33 =	vadd.f32 $-4.940934110e-02, v28;
	v28 =	vbroadcast v31, $0x9;
	v43 =	vld.idx.msk [tilespmem:v43+s10+$0x0], $0xffff  }
0x243: {  	v30 =	vtrunc.f32 v30;
	v29 =	vmul.f32 v29, v39  }
0x244: {  	v51 =	vmul.f32 v33, v27;
	v52 =	vcvt.f32.s32 v30;
	[tilespmem:s23+$0xFFFFFF50] =	vst v45;
	v45 =	vor.u32 v0, v3;
	v3 =	vmovc v21  }
0x245: {  	v33 =	vbroadcast v31, $0xB;
	v21 =	vadd.f32 $9.876491870e-02, v29;
	v29 =	vbroadcast v31, $0xA;
	[tilespmem:s23+$0xFFFFFE60] =	vst v53;
	v53 =	vld.idx.msk [tilespmem:v46+s10+$0x0], $0xffff  }
0x246: {  	v55 =	vor.u32 v0, v36;
	v30 =	vbroadcast v31, $0xC;
	v46 =	vadd.f32 $9.876491870e-02, v51;
	v54 =	vld.idx.msk [tilespmem:v22+s10+$0x0], $0xffff;
	[tilespmem:s24+$0xFFFFFFC0] =	vst v47;
	v22 =	vmovc v50  }
0x247: {  	vm0 =	vlt.s32 v52, $0x0;
	v36 =	vmul.f32 v21, v39;
	[tilespmem:s25+$0xFFFFFE10] =	vst v44;
	v44 =	vshll.u32 v52, $0x4;
	v52 =	vld.idx.msk [tilespmem:v32+s10+$0x0], $0xffff  }
0x248: {  	v56 =	vor.u32 v0, v24;
	v32 =	vmul.f32 v46, v27;
	v21 =	vbroadcast v31, $0xD;
	v47 =	vld.idx.msk [tilespmem:v49+s10+$0x0], $0xffff;
	[tilespmem:s24+$0xFFFFFED0] =	vst v43  }
.Ltmp1:
0x249: {  	v24 =	vmovc v48;
	v46 =	vor.u32 v0, v9;
	v9 =	vmovc v38;
	v43 =	vadd.s32 $0x410, v44;
	v36 =	vadd.f32 $-2.222213750e-01, v36;
	v49 =	vld.idx.msk [tilespmem:v45+s10+$0x0], $0xffff;
	(pc) =	sbr.rel @p1 .LBB2_5-.Ltmp1, $4  }
0x24a: {  	v57 =	vbroadcast v31, $0xE;
	v38 =	vbroadcast v31, $0xF;
	v45 =	vadd.f32 $-2.222213750e-01, v32  }
0x24b: {  	v51 =	vor.u32 v0, v2;
	v32 =	vsel vm0, v43, v44;
	v48 =	vmul.f32 v36, v39;
	[tilespmem:s23+$0xFFFFFF60] =	vst v53  }
0x24c: {  	v44 =	vor.u32 v0, v34;
	v50 =	vmul.f32 v45, v27;
	v36 =	vbroadcast v32, $0x0;
	[tilespmem:s23+$0xFFFFFE70] =	vst v54;
	v45 =	vld.idx.msk [tilespmem:v55+s10+$0x0], $0xffff  }
0x24d: {  	s28 =	sadd.s32 $0x20, s28;
	v2 =	vmovc v20;
	v20 =	vmovc v57;
	v53 =	vbroadcast v32, $0x1;
	v54 =	vadd.f32 $6.666666860e-01, v48;
	v48 =	vbroadcast v32, $0x2;
	v43 =	vld.idx.msk [tilespmem:v56+s10+$0x0], $0xffff;
	[tilespmem:s24+$0xFFFFFFD0] =	vst v52  }
0x24e: {  	v34 =	vadd.f32 $6.666666860e-01, v50  }
0x24f: {  	v39 =	vmul.f32 v54, v39  }
0x250: {  	v27 =	vmul.f32 v34, v27  }
0x251: {  	v63 =	vmul.f32 $6.931471820e-01, v40;
	v62 =	vadd.f32 $4.054650960e-01, v39  }
0x252: {  	v37 =	vmul.f32 $6.931471820e-01, v37;
	v27 =	vadd.f32 $4.054650960e-01, v27  }
0x253: {  	v34 =	vadd.f32 v62, v63  }
0x254: {  	v27 =	vadd.f32 v27, v37  }
0x255: {  	v34 =	vmax.f32 v34, $-4.605170250e+00  }
0x256: {  	v34 =	vmin.f32 v34, $6.907755370e+00;
	v27 =	vmax.f32 v27, $-4.605170250e+00  }
0x257: {  	v34 =	vadd.f32 $4.605170250e+00, v34;
	v27 =	vmin.f32 v27, $6.907755370e+00  }
0x258: {  	v27 =	vadd.f32 $4.605170250e+00, v27  }
0x259: {  	v34 =	vmul.f32 $2.779484510e+00, v34  }
0x25a: {  	v27 =	vmul.f32 $2.779484510e+00, v27  }
0x25b: {  	vm0 =	vlt.f32 v25, $0.0e+00;
	v39 =	vxor.u32 $0x80000000, v34  }
0x25c: {  	vm13 =	vlt.f32 v23, $0.0e+00;
	v25 =	vsel vm0, v34, v39;
	v40 =	vxor.u32 $0x80000000, v27  }
0x25d: {  	v25 =	vadd.f32 $3.100000000e+01, v25;
	v23 =	vsel vm13, v27, v40  }
0x25e: {  	v23 =	vadd.f32 $3.100000000e+01, v23  }
0x25f: {  	v25 =	vtrunc.f32 v25  }
0x260: {  	v25 =	vcvt.f32.s32 v25;
	v23 =	vtrunc.f32 v23  }
0x261: {  	v50 =	vcvt.f32.s32 v23  }
0x262: {  	v52 =	vshll.u32 v25, $0x4  }
0x263: {  	vm14 =	vlt.s32 v25, $0x0;
	v54 =	vadd.s32 $0x410, v52;
	v55 =	vshll.u32 v50, $0x4  }
0x264: {  	vm15 =	vlt.s32 v50, $0x0;
	v23 =	vsel vm14, v54, v52;
	v56 =	vadd.s32 $0x410, v55  }
0x265: {  	v57 =	vbroadcast v23, $0x0;
	v25 =	vsel vm15, v56, v55  }
0x266: {  	v58 =	vor.u32 v0, v36;
	v59 =	vbroadcast v25, $0x0  }
0x267: {  	v27 =	vor.u32 v0, v57  }
0x268: {  	v36 =	vor.u32 v0, v59;
	_ =	sdelay $0x2  }
0x269: {  	v34 =	vld.idx.msk [tilespmem:v58+s10+$0x0], $0xffff;
	v60 =	vbroadcast v23, $0x1  }
0x26a: {  	v61 =	vor.u32 v0, v53;
	v62 =	vbroadcast v25, $0x1;
	v27 =	vld.idx.msk [tilespmem:v27+s10+$0x0], $0xffff  }
0x26b: {  	v37 =	vor.u32 v0, v60;
	v36 =	vld.idx.msk [tilespmem:v36+s10+$0x0], $0xffff  }
0x26c: {  	v40 =	vor.u32 v0, v62;
	_ =	sdelay $0x1  }
0x26d: {  	s26 =	sadd.s32 $0x200, s25;
	[tilespmem:s25+$0xFFFFFF10] =	vst v34  }
0x26e: {  	v34 =	vld.idx.msk [tilespmem:v61+s10+$0x0], $0xffff;
	v63 =	vbroadcast v23, $0x2;
	[tilespmem:s26+$0xFFFFFE10] =	vst v27  }
0x26f: {  	v52 =	vor.u32 v0, v48;
	v53 =	vbroadcast v25, $0x2;
	v37 =	vld.idx.msk [tilespmem:v37+s10+$0x0], $0xffff;
	[tilespmem:s26+$0xFFFFFF10] =	vst v36  }
0x270: {  	v54 =	vor.u32 v0, v63;
	v55 =	vld.idx.msk [tilespmem:v40+s10+$0x0], $0xffff  }
0x271: {  	[tilespmem:s25+$0xFFFFFE20] =	vst v47;
	v56 =	vor.u32 v0, v53  }
0x272: {  	v42 =	vld.idx.msk [tilespmem:v42+s10+$0x0], $0xffff  }
0x273: {  	v57 =	vbroadcast v32, $0x3;
	[tilespmem:s25+$0xFFFFFF20] =	vst v34  }
0x274: {  	v58 =	vbroadcast v23, $0x3;
	v27 =	vld.idx.msk [tilespmem:v52+s10+$0x0], $0xffff;
	[tilespmem:s26+$0xFFFFFE20] =	vst v37  }
0x275: {  	v60 =	vbroadcast v25, $0x3;
	v59 =	vor.u32 v0, v57;
	v36 =	vld.idx.msk [tilespmem:v54+s10+$0x0], $0xffff;
	[tilespmem:s26+$0xFFFFFF20] =	vst v55  }
0x276: {  	v34 =	vor.u32 v0, v58;
	v39 =	vld.idx.msk [tilespmem:v56+s10+$0x0], $0xffff  }
0x277: {  	v31 =	vbroadcast v31, $0x4;
	[tilespmem:s25+$0xFFFFFE30] =	vst v42;
	v61 =	vor.u32 v0, v60  }
0x278: {  	v35 =	vld.idx.msk [tilespmem:v35+s10+$0x0], $0xffff  }
0x279: {  	v63 =	vor.u32 v0, v31;
	v62 =	vbroadcast v32, $0x4;
	[tilespmem:s25+$0xFFFFFF30] =	vst v27  }
0x27a: {  	v50 =	vbroadcast v23, $0x4;
	v48 =	vld.idx.msk [tilespmem:v59+s10+$0x0], $0xffff;
	[tilespmem:s26+$0xFFFFFE30] =	vst v36  }
0x27b: {  	v53 =	vbroadcast v25, $0x4;
	v52 =	vor.u32 v0, v62;
	v34 =	vld.idx.msk [tilespmem:v34+s10+$0x0], $0xffff;
	[tilespmem:s26+$0xFFFFFF30] =	vst v39  }
0x27c: {  	v36 =	vor.u32 v0, v50;
	v39 =	vld.idx.msk [tilespmem:v61+s10+$0x0], $0xffff  }
0x27d: {  	[tilespmem:s25+$0xFFFFFE40] =	vst v35;
	v42 =	vor.u32 v0, v53  }
0x27e: {  	[tilespmem:s24+$0xFFFFFEE0] =	vst v49;
	v27 =	vld.idx.msk [tilespmem:v63+s10+$0x0], $0xffff  }
0x27f: {  	v54 =	vld.idx.msk [tilespmem:v46+s10+$0x0], $0xffff;
	v56 =	vbroadcast v32, $0x5;
	[tilespmem:s25+$0xFFFFFF40] =	vst v48  }
0x280: {  	v8 =	vor.u32 v0, v8;
	v57 =	vbroadcast v23, $0x5;
	v37 =	vld.idx.msk [tilespmem:v52+s10+$0x0], $0xffff;
	[tilespmem:s26+$0xFFFFFE40] =	vst v34  }
0x281: {  	v59 =	vbroadcast v25, $0x5;
	v58 =	vor.u32 v0, v56;
	v36 =	vld.idx.msk [tilespmem:v36+s10+$0x0], $0xffff;
	[tilespmem:s26+$0xFFFFFF40] =	vst v39  }
0x282: {  	[tilespmem:s23+$0xFFFFFF70] =	vst v45;
	v31 =	vor.u32 v0, v57;
	v39 =	vld.idx.msk [tilespmem:v42+s10+$0x0], $0xffff  }
0x283: {  	v55 =	vld.idx.msk [tilespmem:v51+s10+$0x0], $0xffff;
	v35 =	vor.u32 v0, v59;
	[tilespmem:s25+$0xFFFFFE50] =	vst v27  }
0x284: {  	v26 =	vld.idx.msk [tilespmem:v26+s10+$0x0], $0xffff;
	[tilespmem:s24+$0xFFFFFFE0] =	vst v54  }
0x285: {  	v8 =	vld.idx.msk [tilespmem:v8+s10+$0x0], $0xffff;
	v61 =	vbroadcast v32, $0x6;
	[tilespmem:s25+$0xFFFFFF50] =	vst v37  }
0x286: {  	v7 =	vor.u32 v0, v7;
	v62 =	vbroadcast v23, $0x6;
	v34 =	vld.idx.msk [tilespmem:v58+s10+$0x0], $0xffff;
	[tilespmem:s26+$0xFFFFFE50] =	vst v36  }
0x287: {  	v63 =	vbroadcast v25, $0x6;
	v27 =	vor.u32 v0, v61;
	v31 =	vld.idx.msk [tilespmem:v31+s10+$0x0], $0xffff;
	[tilespmem:s26+$0xFFFFFF50] =	vst v39  }
0x288: {  	[tilespmem:s24+$0xFFFFFEF0] =	vst v55;
	v42 =	vor.u32 v0, v62;
	v35 =	vld.idx.msk [tilespmem:v35+s10+$0x0], $0xffff  }
0x289: {  	v60 =	vld.idx.msk [tilespmem:v44+s10+$0x0], $0xffff;
	[tilespmem:s25+$0xFFFFFE60] =	vst v26;
	v36 =	vor.u32 v0, v63  }
0x28a: {  	v19 =	vor.u32 v0, v19;
	v22 =	vld.idx.msk [tilespmem:v22+s10+$0x0], $0xffff;
	[tilespmem:s24+$0xFFFFFFF0] =	vst v8  }
0x28b: {  	v12 =	vor.u32 v0, v12;
	v44 =	vbroadcast v32, $0x7;
	v7 =	vld.idx.msk [tilespmem:v7+s10+$0x0], $0xffff;
	[tilespmem:s25+$0xFFFFFF60] =	vst v34  }
0x28c: {  	v24 =	vor.u32 v0, v24;
	v46 =	vbroadcast v23, $0x7;
	v27 =	vld.idx.msk [tilespmem:v27+s10+$0x0], $0xffff;
	[tilespmem:s26+$0xFFFFFE60] =	vst v31  }
0x28d: {  	v47 =	vbroadcast v25, $0x7;
	v26 =	vor.u32 v0, v44;
	v8 =	vld.idx.msk [tilespmem:v42+s10+$0x0], $0xffff;
	[tilespmem:s26+$0xFFFFFF60] =	vst v35  }
0x28e: {  	[tilespmem:s23+$0xFFFFFE80] =	vst v43;
	v48 =	vor.u32 v0, v46;
	v49 =	vld.idx.msk [tilespmem:v36+s10+$0x0], $0xffff  }
0x28f: {  	v19 =	vld.idx.msk [tilespmem:v19+s10+$0x0], $0xffff;
	[tilespmem:s25+$0xFFFFFE70] =	vst v22;
	v31 =	vor.u32 v0, v47  }
0x290: {  	v18 =	vor.u32 v0, v18;
	v12 =	vld.idx.msk [tilespmem:v12+s10+$0x0], $0xffff;
	[tilespmem:s24+$0x0] =	vst v7  }
0x291: {  	v50 =	vbroadcast v32, $0x8;
	v24 =	vld.idx.msk [tilespmem:v24+s10+$0x0], $0xffff;
	[tilespmem:s25+$0xFFFFFF70] =	vst v27  }
0x292: {  	v51 =	vbroadcast v23, $0x8;
	v52 =	vor.u32 v0, v41;
	v26 =	vld.idx.msk [tilespmem:v26+s10+$0x0], $0xffff;
	[tilespmem:s26+$0xFFFFFE70] =	vst v8  }
0x293: {  	v53 =	vbroadcast v25, $0x8;
	v22 =	vor.u32 v0, v50;
	v7 =	vld.idx.msk [tilespmem:v48+s10+$0x0], $0xffff;
	[tilespmem:s26+$0xFFFFFF70] =	vst v49  }
0x294: {  	[tilespmem:s23+$0xFFFFFF80] =	vst v19;
	v27 =	vor.u32 v0, v51;
	v31 =	vld.idx.msk [tilespmem:v31+s10+$0x0], $0xffff  }
0x295: {  	[tilespmem:s23+$0xFFFFFE90] =	vst v12;
	v18 =	vld.idx.msk [tilespmem:v18+s10+$0x0], $0xffff;
	v8 =	vor.u32 v0, v53  }
0x296: {  	v15 =	vor.u32 v0, v15;
	[tilespmem:s25+$0xFFFFFE80] =	vst v24  }
0x297: {  	v17 =	vor.u32 v0, v17;
	v54 =	vbroadcast v32, $0x9;
	v24 =	vld.idx.msk [tilespmem:v52+s10+$0x0], $0xffff;
	[tilespmem:s25+$0xFFFFFF80] =	vst v26  }
0x298: {  	v28 =	vor.u32 v0, v28;
	v55 =	vbroadcast v23, $0x9;
	v22 =	vld.idx.msk [tilespmem:v22+s10+$0x0], $0xffff;
	[tilespmem:s26+$0xFFFFFE80] =	vst v7  }
0x299: {  	v56 =	vbroadcast v25, $0x9;
	v19 =	vor.u32 v0, v54;
	v27 =	vld.idx.msk [tilespmem:v27+s10+$0x0], $0xffff;
	[tilespmem:s26+$0xFFFFFF80] =	vst v31  }
0x29a: {  	[tilespmem:s23+$0xFFFFFF90] =	vst v18;
	v57 =	vor.u32 v0, v55;
	v8 =	vld.idx.msk [tilespmem:v8+s10+$0x0], $0xffff  }
0x29b: {  	v15 =	vld.idx.msk [tilespmem:v15+s10+$0x0], $0xffff;
	[tilespmem:s24+$0xFFFFFF00] =	vst v60;
	v7 =	vor.u32 v0, v56  }
0x29c: {  	v13 =	vor.u32 v0, v13;
	v17 =	vld.idx.msk [tilespmem:v17+s10+$0x0], $0xffff;
	[tilespmem:s25+$0xFFFFFE90] =	vst v24  }
0x29d: {  	v16 =	vor.u32 v0, v16;
	v58 =	vbroadcast v32, $0xA;
	v24 =	vld.idx.msk [tilespmem:v28+s10+$0x0], $0xffff;
	[tilespmem:s25+$0xFFFFFF90] =	vst v22  }
0x29e: {  	v59 =	vbroadcast v23, $0xA;
	v60 =	vor.u32 v0, v29;
	v19 =	vld.idx.msk [tilespmem:v19+s10+$0x0], $0xffff;
	[tilespmem:s26+$0xFFFFFE90] =	vst v27  }
0x29f: {  	v61 =	vbroadcast v25, $0xA;
	v18 =	vor.u32 v0, v58;
	v12 =	vld.idx.msk [tilespmem:v57+s10+$0x0], $0xffff;
	[tilespmem:s26+$0xFFFFFF90] =	vst v8  }
0x2a0: {  	[tilespmem:s23+$0xFFFFFEA0] =	vst v15;
	v62 =	vor.u32 v0, v59;
	v7 =	vld.idx.msk [tilespmem:v7+s10+$0x0], $0xffff  }
0x2a1: {  	v13 =	vld.idx.msk [tilespmem:v13+s10+$0x0], $0xffff;
	[tilespmem:s23+$0xFFFFFFA0] =	vst v17;
	v63 =	vor.u32 v0, v61  }
0x2a2: {  	v6 =	vor.u32 v0, v6;
	v16 =	vld.idx.msk [tilespmem:v16+s10+$0x0], $0xffff;
	[tilespmem:s25+$0xFFFFFEA0] =	vst v24  }
0x2a3: {  	v11 =	vor.u32 v0, v11;
	v28 =	vbroadcast v32, $0xB;
	v29 =	vld.idx.msk [tilespmem:v60+s10+$0x0], $0xffff;
	[tilespmem:s25+$0xFFFFFFA0] =	vst v19  }
0x2a4: {  	v34 =	vor.u32 v0, v33;
	v31 =	vbroadcast v23, $0xB;
	v18 =	vld.idx.msk [tilespmem:v18+s10+$0x0], $0xffff;
	[tilespmem:s26+$0xFFFFFEA0] =	vst v12  }
0x2a5: {  	v35 =	vbroadcast v25, $0xB;
	v17 =	vor.u32 v0, v28;
	v8 =	vld.idx.msk [tilespmem:v62+s10+$0x0], $0xffff;
	[tilespmem:s26+$0xFFFFFFA0] =	vst v7  }
0x2a6: {  	[tilespmem:s23+$0xFFFFFEB0] =	vst v13;
	v36 =	vor.u32 v0, v31;
	v37 =	vld.idx.msk [tilespmem:v63+s10+$0x0], $0xffff  }
0x2a7: {  	v6 =	vld.idx.msk [tilespmem:v6+s10+$0x0], $0xffff;
	[tilespmem:s23+$0xFFFFFFB0] =	vst v16;
	v12 =	vor.u32 v0, v35  }
0x2a8: {  	v5 =	vor.u32 v0, v5;
	v11 =	vld.idx.msk [tilespmem:v11+s10+$0x0], $0xffff;
	[tilespmem:s25+$0xFFFFFEB0] =	vst v29  }
0x2a9: {  	v14 =	vor.u32 v0, v14;
	v39 =	vbroadcast v32, $0xC;
	v40 =	vld.idx.msk [tilespmem:v34+s10+$0x0], $0xffff;
	[tilespmem:s25+$0xFFFFFFB0] =	vst v18  }
0x2aa: {  	v41 =	vbroadcast v23, $0xC;
	v42 =	vor.u32 v0, v30;
	v17 =	vld.idx.msk [tilespmem:v17+s10+$0x0], $0xffff;
	[tilespmem:s26+$0xFFFFFEB0] =	vst v8  }
0x2ab: {  	v43 =	vbroadcast v25, $0xC;
	v15 =	vor.u32 v0, v39;
	v7 =	vld.idx.msk [tilespmem:v36+s10+$0x0], $0xffff;
	[tilespmem:s26+$0xFFFFFFB0] =	vst v37  }
0x2ac: {  	[tilespmem:s23+$0xFFFFFEC0] =	vst v6;
	v44 =	vor.u32 v0, v41;
	v12 =	vld.idx.msk [tilespmem:v12+s10+$0x0], $0xffff  }
0x2ad: {  	v5 =	vld.idx.msk [tilespmem:v5+s10+$0x0], $0xffff;
	[tilespmem:s23+$0xFFFFFFC0] =	vst v11;
	v8 =	vor.u32 v0, v43  }
0x2ae: {  	v3 =	vor.u32 v0, v3;
	v11 =	vld.idx.msk [tilespmem:v14+s10+$0x0], $0xffff;
	[tilespmem:s25+$0xFFFFFEC0] =	vst v40  }
0x2af: {  	v9 =	vor.u32 v0, v9;
	v45 =	vbroadcast v32, $0xD;
	v46 =	vld.idx.msk [tilespmem:v42+s10+$0x0], $0xffff;
	[tilespmem:s25+$0xFFFFFFC0] =	vst v17  }
0x2b0: {  	v47 =	vbroadcast v23, $0xD;
	v48 =	vor.u32 v0, v21;
	v15 =	vld.idx.msk [tilespmem:v15+s10+$0x0], $0xffff;
	[tilespmem:s26+$0xFFFFFEC0] =	vst v7  }
0x2b1: {  	v13 =	vor.u32 v0, v45;
	v49 =	vbroadcast v25, $0xD;
	v6 =	vld.idx.msk [tilespmem:v44+s10+$0x0], $0xffff;
	[tilespmem:s26+$0xFFFFFFC0] =	vst v12  }
0x2b2: {  	[tilespmem:s23+$0xFFFFFED0] =	vst v5;
	v50 =	vor.u32 v0, v47;
	v8 =	vld.idx.msk [tilespmem:v8+s10+$0x0], $0xffff  }
0x2b3: {  	v3 =	vld.idx.msk [tilespmem:v3+s10+$0x0], $0xffff;
	[tilespmem:s23+$0xFFFFFFD0] =	vst v11;
	v7 =	vor.u32 v0, v49  }
0x2b4: {  	v2 =	vor.u32 v0, v2;
	v9 =	vld.idx.msk [tilespmem:v9+s10+$0x0], $0xffff;
	[tilespmem:s25+$0xFFFFFED0] =	vst v46  }
0x2b5: {  	v10 =	vor.u32 v0, v10;
	v51 =	vbroadcast v32, $0xE;
	v52 =	vld.idx.msk [tilespmem:v48+s10+$0x0], $0xffff;
	[tilespmem:s25+$0xFFFFFFD0] =	vst v15  }
0x2b6: {  	v54 =	vor.u32 v0, v20;
	v53 =	vbroadcast v23, $0xE;
	v13 =	vld.idx.msk [tilespmem:v13+s10+$0x0], $0xffff;
	[tilespmem:s26+$0xFFFFFED0] =	vst v6  }
0x2b7: {  	v55 =	vbroadcast v25, $0xE;
	v11 =	vor.u32 v0, v51;
	v5 =	vld.idx.msk [tilespmem:v50+s10+$0x0], $0xffff;
	[tilespmem:s26+$0xFFFFFFD0] =	vst v8  }
0x2b8: {  	[tilespmem:s23+$0xFFFFFEE0] =	vst v3;
	v3 =	vor.u32 v0, v53;
	v7 =	vld.idx.msk [tilespmem:v7+s10+$0x0], $0xffff  }
0x2b9: {  	v2 =	vld.idx.msk [tilespmem:v2+s10+$0x0], $0xffff;
	[tilespmem:s23+$0xFFFFFFE0] =	vst v9;
	v6 =	vor.u32 v0, v55  }
0x2ba: {  	v1 =	vor.u32 v0, v1;
	v56 =	vld.idx.msk [tilespmem:v10+s10+$0x0], $0xffff;
	[tilespmem:s25+$0xFFFFFEE0] =	vst v52  }
0x2bb: {  	v4 =	vor.u32 v0, v4;
	v57 =	vbroadcast v32, $0xF;
	v58 =	vld.idx.msk [tilespmem:v54+s10+$0x0], $0xffff;
	[tilespmem:s25+$0xFFFFFFE0] =	vst v13  }
0x2bc: {  	v59 =	vbroadcast v23, $0xF;
	v60 =	vor.u32 v0, v38;
	v11 =	vld.idx.msk [tilespmem:v11+s10+$0x0], $0xffff;
	[tilespmem:s26+$0xFFFFFEE0] =	vst v5  }
0x2bd: {  	v61 =	vbroadcast v25, $0xF;
	v9 =	vor.u32 v0, v57;
	v3 =	vld.idx.msk [tilespmem:v3+s10+$0x0], $0xffff;
	[tilespmem:s26+$0xFFFFFFE0] =	vst v7  }
0x2be: {  	[tilespmem:s23+$0xFFFFFEF0] =	vst v2;
	v2 =	vor.u32 v0, v59;
	v6 =	vld.idx.msk [tilespmem:v6+s10+$0x0], $0xffff  }
0x2bf: {  	v1 =	vld.idx.msk [tilespmem:v1+s10+$0x0], $0xffff;
	[tilespmem:s23+$0xFFFFFFF0] =	vst v56;
	v5 =	vor.u32 v0, v61  }
0x2c0: {  	v4 =	vld.idx.msk [tilespmem:v4+s10+$0x0], $0xffff;
	[tilespmem:s25+$0xFFFFFEF0] =	vst v58  }
0x2c1: {  	v62 =	vld.idx.msk [tilespmem:v60+s10+$0x0], $0xffff;
	[tilespmem:s25+$0xFFFFFFF0] =	vst v11  }
0x2c2: {  	v63 =	vld.idx.msk [tilespmem:v9+s10+$0x0], $0xffff;
	[tilespmem:s26+$0xFFFFFEF0] =	vst v3  }
0x2c3: {  	v2 =	vld.idx.msk [tilespmem:v2+s10+$0x0], $0xffff;
	[tilespmem:s26+$0xFFFFFFF0] =	vst v6  }
0x2c4: {  	[tilespmem:s23+$0xFFFFFF00] =	vst v1;
	v1 =	vld.idx.msk [tilespmem:v5+s10+$0x0], $0xffff  }
0x2c5: {  	[tilespmem:s23+$0x0] =	vst v4  }
0x2c6: {  	[tilespmem:s25+$0xFFFFFF00] =	vst v62  }
0x2c7: {  	[tilespmem:s25+$0x0] =	vst v63  }
0x2c8: {  	s21 =	sadd.s32 @!p0 s21, s8;
	[tilespmem:s26+$0xFFFFFF00] =	vst v2  }
0x2c9: {  	s20 =	sadd.s32 $0x1, s20;
	s24 =	simm.s32 @!p0 $0x800;
	s23 =	simm.s32 @!p0 $0x0;
	[tilespmem:s26+$0x0] =	vst v1  }
0x2ca: {  	[tilespmem:s24], [sflag:$0x2] =	stream.linear.gather @!p0 [hbm4b:s21+s23], $0x800, $0x38;
	[tilespmem:$0x11480] =	vst v63  }
0x2cb: {  	p0 =	sne.s32 s20, $0x20  }
.Ltmp2:
0x2cc: {  	_ = 	snop;
	(pc) =	sbr.rel @p0 .LBB2_2-.Ltmp2, $3  }
0x2cd: {  	_ =	sdelay $0x1  }
0x2ce: {  	s31 =	sadd.s32 $0x1000, s22  }
0x2cf: {  	[hbm4b:s31+s3] =	stream.linear.scatter [tilespmem:s16], [sflag:$0x4], $0x8000, $0x38;
	[tilespmem:$0x11480] =	vst v63  }
0x2d0: {  	s19 =	sadd.s32 $0x1, s19  }
0x2d1: {  	_ =	swait.ge [sflag:s17], $0x8000;
	p0 =	sne.s32 s19, s9  }
.Ltmp3:
0x2d2: {  	[sflag:s17] =	ssyncset.done $0x0;
	(pc) =	sbr.rel @p0 .LBB2_1-.Ltmp3, $4  }
0x2d3: {  	[sflag:s17] =	ssyncadd.s32 $0xFFFF8000  }
0x2d4: {  	_ =	swait.ge [sflag:s18], $0x8000  }
0x2d5: {  	[sflag:s18] =	ssyncset.done $0x0  }
0x2d6: {  	[sflag:s18] =	ssyncadd.s32 $0xFFFF8000  }
0x2d7: {  	_ =	sfence.sel $0x180000  }
0x2d8: {  	[bflag:$0x0] =	sbarrier.arrive $0xFFFF  }
0x2d9: {  	p0 =	sne.s32 s1, $0x0;
	_ =	strace $0x90000047  }
0x2da: {  	s0 =	sadd.s32 @!p0 $0x100000, s0;
	[bflag:$0x2] =	sbarrier.arrive $0xFFFF  }
0x2db: {  	[sflag:s0] =	ssyncadd.tile.s32 @!p0 $0x1;
	_ =	shalt  }
.Lfunc_end2:
_tile_overlayer_lowered:
.L_overlay_start_2:
0x2dc: {  	(tag) =	ssettag $0x2  }
0x2dd: {  	s0 =	rddreg [dreg:$0x0];
	s2 =	stileid.u32  }
0x2de: {  	s1 =	rddreg [dreg:$0x1];
	p0 =	sne.s32 s2, $0x0  }
0x2df: {  	s3 =	rddreg [dreg:$0x2];
	[bflag:$0x3] =	sbarrier.arrive $0xFFFF;
	s2 =	simm.s32 @!p0 $0x1C05  }
0x2e0: {  	[timem:s3], [sflag:s2] =	dma.local @!p0 [hbm:s0], s1  }
0x2e1: {  	s0 =	simm.s32 @!p0 $0x5  }
0x2e2: {  	_ =	swait.ge @!p0 [sflag:s0], s1  }
0x2e3: {  	s1 =	ssub.s32 @!p0 $0x0, s1;
	[sflag:s0] =	ssyncset.done @!p0 $0x0  }
0x2e4: {  	[sflag:s0] =	ssyncadd.s32 @!p0 s1  }
0x2e5: {  	[bflag:$0x3] =	sbarrier.arrive $0xFFFF  }
0x2e6: {  	_ =	shalt  }

</sc_bundles>
